<compile_context>
chip_gen: v7x
topology: tpu7x:2x2x1
jax: 0.10.2.dev20260603
libtpu: 0.0.44.dev20260713+nightly
codegen_flags: <defaults>
</compile_context>

<pallas_src>
import functools

import jax
import jax.numpy as jnp
from jax import lax
from jax.experimental import pallas as pl
from jax.experimental.pallas import tpu as pltpu
from jax.experimental.pallas import tpu_sc as plsc

N_TASK = 5000
N_AG = 5000
D = 128
DEG = 64
E = N_AG * DEG
FIN_TASK_TYPE = 3
EPS = 1e-5
NEG_SLOPE = 0.01

NC, NS = 2, 16
NW = NC * NS
FPW = D // NW
CH = 6400
NCH = E // CH
AGC = CH // DEG
EFW = E // NW

_SC_MESH = plsc.VectorSubcoreMesh(
    core_axis_name="c", subcore_axis_name="s", num_cores=NC, num_subcores=NS)
_SC_PARAMS = pltpu.CompilerParams(needs_layout_passes=False)


def _proj_body(nt_ref, na_ref, ws_ref, wd_ref, t_ref, a_ref):
    t_ref[...] = jnp.dot(nt_ref[...], ws_ref[...],
                         preferred_element_type=jnp.float32)
    a_ref[...] = jnp.dot(na_ref[...], wd_ref[...],
                         preferred_element_type=jnp.float32)


def _proj(nf_t, nf_a, w1s, w1d):
    blk = 1000
    return pl.pallas_call(
        _proj_body,
        grid=(N_TASK // blk,),
        in_specs=[
            pl.BlockSpec((blk, D), lambda i: (i, 0)),
            pl.BlockSpec((blk, D), lambda i: (i, 0)),
            pl.BlockSpec((D, D), lambda i: (0, 0)),
            pl.BlockSpec((D, D), lambda i: (0, 0)),
        ],
        out_specs=[
            pl.BlockSpec((blk, D), lambda i: (i, 0)),
            pl.BlockSpec((blk, D), lambda i: (i, 0)),
        ],
        out_shape=[
            jax.ShapeDtypeStruct((N_TASK, D), jnp.float32),
            jax.ShapeDtypeStruct((N_AG, D), jnp.float32),
        ],
    )(nf_t, nf_a, w1s, w1d)


def _load_tables(tpT, apT, wid, tl, al):
    for c in range(FPW):
        pltpu.sync_copy(tpT.at[pl.ds((wid * FPW + c) * N_TASK, N_TASK)],
                        tl[c])
    pltpu.sync_copy(apT.at[pl.ds(wid * FPW * N_AG, FPW * N_AG)], al)


def _s1_body(tpT, apT, src, part, t0, t1, t2, t3, al_v, sb0, sb1, acc_v,
             sem0, sem1):
    wid = lax.axis_index("s") * NC + lax.axis_index("c")
    tl = [t0, t1, t2, t3]
    _load_tables(tpT, apT, wid, tl, al_v)

    def start_src(ch, sb, sem):
        pltpu.async_copy(src.at[pl.ds(ch * CH, CH)], sb, sem)

    def wait_src(ch, sb, sem):
        pltpu.make_async_copy(src.at[pl.ds(ch * CH, CH)], sb, sem).wait()

    zero = jnp.zeros((16,), jnp.float32)

    def process(ch, sb, accs):
        def agent_body(a, accs):
            s, q = accs
            agv = jnp.broadcast_to(ch * AGC + a, (16,)).astype(jnp.int32)
            asp = [plsc.load_gather(al_v, [agv + c * N_AG])
                   for c in range(FPW)]
            s = list(s)
            q = list(q)
            for g in range(DEG // 16):
                srcv = sb[pl.ds(a * DEG + g * 16, 16)]
                for c in range(FPW):
                    tg = plsc.load_gather(tl[c], [srcv])
                    h = tg + asp[c]
                    s[c] = s[c] + h
                    q[c] = q[c] + h * h
            return (tuple(s), tuple(q))

        return lax.fori_loop(0, AGC, agent_body, accs)

    start_src(0, sb0, sem0)
    init = (tuple(zero for _ in range(FPW)), tuple(zero for _ in range(FPW)))

    def body(p, accs):
        ch0, ch1 = 2 * p, 2 * p + 1
        start_src(ch1, sb1, sem1)
        wait_src(ch0, sb0, sem0)
        accs = process(ch0, sb0, accs)

        @pl.when(ch1 + 1 < NCH)
        def _():
            start_src(ch1 + 1, sb0, sem0)

        wait_src(ch1, sb1, sem1)
        return process(ch1, sb1, accs)

    fs, fq = lax.fori_loop(0, NCH // 2, body, init)
    for c in range(FPW):
        acc_v[pl.ds(c * 16, 16)] = fs[c]
        acc_v[pl.ds((FPW + c) * 16, 16)] = fq[c]
    pltpu.sync_copy(acc_v, part.at[wid])


@functools.partial(
    pl.kernel,
    out_type=jax.ShapeDtypeStruct((NW, 2 * FPW * 16), jnp.float32),
    mesh=_SC_MESH,
    compiler_params=_SC_PARAMS,
    scratch_types=[
        pltpu.VMEM((N_TASK,), jnp.float32),
        pltpu.VMEM((N_TASK,), jnp.float32),
        pltpu.VMEM((N_TASK,), jnp.float32),
        pltpu.VMEM((N_TASK,), jnp.float32),
        pltpu.VMEM((FPW * N_AG,), jnp.float32),
        pltpu.VMEM((CH,), jnp.int32),
        pltpu.VMEM((CH,), jnp.int32),
        pltpu.VMEM((2 * FPW * 16,), jnp.float32),
        pltpu.SemaphoreType.DMA,
        pltpu.SemaphoreType.DMA,
    ],
)
def _s1(tpT, apT, src, part, t0, t1, t2, t3, al_v, sb0, sb1, acc_v,
        sem0, sem1):
    _s1_body(tpT, apT, src, part, t0, t1, t2, t3, al_v, sb0, sb1, acc_v,
             sem0, sem1)


_AST = 5008


def _s2_body(tpT, apT, src, kbw, fin, ps, fing,
             t0, t1, t2, t3, al_v, sb0, sb1, pb0, pb1, kbw_v, fint_v,
             fsrc_v, finb_v, sem0, sem1, psem0, psem1, fsem):
    wid = lax.axis_index("s") * NC + lax.axis_index("c")
    tl = [t0, t1, t2, t3]
    for c in range(FPW):
        toff = pl.multiple_of((wid * FPW + c) * N_TASK, 8)
        pltpu.sync_copy(tpT.at[pl.ds(toff, N_TASK)],
                        tl[c].at[pl.ds(0, N_TASK)])
        aoff = pl.multiple_of((wid * FPW + c) * N_AG, 8)
        pltpu.sync_copy(apT.at[pl.ds(aoff, N_AG)],
                        al_v.at[pl.ds(c * _AST, N_AG)])
    pltpu.sync_copy(kbw, kbw_v)
    pltpu.sync_copy(fin, fint_v)

    widv = jnp.broadcast_to(wid * FPW, (16,)).astype(jnp.int32)
    k1sp = [plsc.load_gather(kbw_v, [widv + c]) for c in range(FPW)]
    b1sp = [plsc.load_gather(kbw_v, [widv + (D + c)]) for c in range(FPW)]
    w2sp = [plsc.load_gather(kbw_v, [widv + (2 * D + c)])
            for c in range(FPW)]

    def scale_t(i, cy):
        for c in range(FPW):
            tl[c][pl.ds(i * 16, 16)] = tl[c][pl.ds(i * 16, 16)] * k1sp[c]
        return cy

    lax.fori_loop(0, _AST // 16, scale_t, jnp.int32(0))

    def scale_a(i, cy):
        for c in range(FPW):
            al_v[pl.ds(c * _AST + i * 16, 16)] = (
                al_v[pl.ds(c * _AST + i * 16, 16)] * k1sp[c] + b1sp[c])
        return cy

    lax.fori_loop(0, _AST // 16, scale_a, jnp.int32(0))

    def start_src(ch, sb, sem):
        pltpu.async_copy(src.at[pl.ds(ch * CH, CH)], sb, sem)

    def wait_src(ch, sb, sem):
        pltpu.make_async_copy(src.at[pl.ds(ch * CH, CH)], sb, sem).wait()

    def start_ps(ch, pb, psem):
        off = pl.multiple_of(wid * E + ch * CH, 8)
        pltpu.async_copy(pb, ps.at[pl.ds(off, CH)], psem)

    def wait_ps(ch, pb, psem):
        off = pl.multiple_of(wid * E + ch * CH, 8)
        pltpu.make_async_copy(pb, ps.at[pl.ds(off, CH)], psem).wait()

    def process(ch, sb, pb):
        def agent_body(a):
            agv = jnp.broadcast_to(ch * AGC + a, (16,)).astype(jnp.int32)
            srcvs = [sb[pl.ds(a * DEG + g * 16, 16)]
                     for g in range(DEG // 16)]
            tgs = [[plsc.load_gather(tl[c], [srcvs[g]]) for c in range(FPW)]
                   for g in range(DEG // 16)]
            ca = [plsc.load_gather(al_v, [agv + c * _AST])
                  for c in range(FPW)]
            for g in range(DEG // 16):
                acc0 = None
                acc1 = None
                for c in range(FPW):
                    hn = tgs[g][c] + ca[c]
                    lr = jnp.maximum(hn, hn * NEG_SLOPE)
                    t = lr * w2sp[c]
                    if c % 2 == 0:
                        acc0 = t if acc0 is None else acc0 + t
                    else:
                        acc1 = t if acc1 is None else acc1 + t
                pb[pl.ds(a * DEG + g * 16, 16)] = acc0 + acc1
            return jnp.int32(0)

        lax.fori_loop(0, AGC, lambda a, cy: agent_body(a), jnp.int32(0))

    start_src(0, sb0, sem0)

    def body(p, carry):
        ch0, ch1 = 2 * p, 2 * p + 1
        pltpu.sync_copy(src.at[pl.ds(ch0 * CH, CH)], sb0)

        @pl.when(p > 0)
        def _():
            wait_ps(ch0 - 2, pb0, psem0)

        process(ch0, sb0, pb0)
        start_ps(ch0, pb0, psem0)

        pltpu.sync_copy(src.at[pl.ds(ch1 * CH, CH)], sb1)

        @pl.when(p > 0)
        def _():
            wait_ps(ch1 - 2, pb1, psem1)

        process(ch1, sb1, pb1)
        start_ps(ch1, pb1, psem1)
        return carry

    lax.fori_loop(0, NCH // 2, body, jnp.int32(0))

    for t in range(5):
        off = pl.multiple_of(wid * EFW + t * 2000, 8)
        pltpu.sync_copy(src.at[pl.ds(off, 2000)],
                        fsrc_v.at[pl.ds(t * 2000, 2000)])

    def fin_body(g, cy):
        srcv = fsrc_v[pl.ds(g * 16, 16)]
        finb_v[pl.ds(g * 16, 16)] = plsc.load_gather(fint_v, [srcv])
        return cy

    lax.fori_loop(0, EFW // 16, fin_body, jnp.int32(0))
    pltpu.sync_copy(finb_v, fing.at[pl.ds(wid * EFW, EFW)])

    wait_ps(NCH - 2, pb0, psem0)
    wait_ps(NCH - 1, pb1, psem1)


@functools.partial(
    pl.kernel,
    out_type=(
        jax.ShapeDtypeStruct((NW * E,), jnp.float32),
        jax.ShapeDtypeStruct((E,), jnp.float32),
    ),
    mesh=_SC_MESH,
    compiler_params=_SC_PARAMS,
    scratch_types=[
        pltpu.VMEM((_AST,), jnp.float32),
        pltpu.VMEM((_AST,), jnp.float32),
        pltpu.VMEM((_AST,), jnp.float32),
        pltpu.VMEM((_AST,), jnp.float32),
        pltpu.VMEM((FPW * _AST,), jnp.float32),
        pltpu.VMEM((CH,), jnp.int32),
        pltpu.VMEM((CH,), jnp.int32),
        pltpu.VMEM((CH,), jnp.float32),
        pltpu.VMEM((CH,), jnp.float32),
        pltpu.VMEM((3 * D,), jnp.float32),
        pltpu.VMEM((N_TASK,), jnp.float32),
        pltpu.VMEM((EFW,), jnp.int32),
        pltpu.VMEM((EFW,), jnp.float32),
        pltpu.SemaphoreType.DMA,
        pltpu.SemaphoreType.DMA,
        pltpu.SemaphoreType.DMA,
        pltpu.SemaphoreType.DMA,
        pltpu.SemaphoreType.DMA,
    ],
)
def _s2(tpT, apT, src, kbw, fin, ps, fing,
        t0, t1, t2, t3, al_v, sb0, sb1, pb0, pb1, kbw_v, fint_v, fsrc_v,
        finb_v, sem0, sem1, psem0, psem1, fsem):
    _s2_body(tpT, apT, src, kbw, fin, ps, fing,
             t0, t1, t2, t3, al_v, sb0, sb1, pb0, pb1, kbw_v, fint_v,
             fsrc_v, finb_v, sem0, sem1, psem0, psem1, fsem)


_TB = 8


def _red_body(ps_ref, s_ref, stat_ref):
    i = pl.program_id(0)
    sblk = jnp.sum(ps_ref[...], axis=0)

    @pl.when(i == 0)
    def _():
        s_ref[...] = sblk

    @pl.when(i > 0)
    def _():
        s_ref[...] += sblk

    @pl.when(i == pl.num_programs(0) - 1)
    def _():
        s_all = s_ref[...]
        stat_ref[0] = jnp.sum(s_all)
        stat_ref[1] = jnp.sum(s_all * s_all)


def _reduce(ps2):
    rows = E // D
    return pl.pallas_call(
        _red_body,
        grid=(NW // _TB,),
        in_specs=[pl.BlockSpec((_TB, rows, D), lambda i: (i, 0, 0))],
        out_specs=[
            pl.BlockSpec((rows, D), lambda i: (0, 0)),
            pl.BlockSpec(memory_space=pltpu.SMEM),
        ],
        out_shape=[
            jax.ShapeDtypeStruct((rows, D), jnp.float32),
            jax.ShapeDtypeStruct((2,), jnp.float32),
        ],
    )(ps2)


def _fin_body(s_ref, f_ref, scal_ref, o_ref):
    k2 = scal_ref[0]
    b2 = scal_ref[1]
    o_ref[...] = jnp.where(f_ref[...] > 0.5, -jnp.inf,
                           s_ref[...] * k2 + b2)


def _final(s2, f2, scal):
    rows = E // D
    return pl.pallas_call(
        _fin_body,
        grid=(1,),
        in_specs=[
            pl.BlockSpec((rows, D), lambda i: (0, 0)),
            pl.BlockSpec((rows, D), lambda i: (0, 0)),
            pl.BlockSpec(memory_space=pltpu.SMEM),
        ],
        out_specs=pl.BlockSpec((rows, D), lambda i: (0, 0)),
        out_shape=jax.ShapeDtypeStruct((rows, D), jnp.float32),
    )(s2, f2, scal)


def kernel(nf, edge_index, node_type, W1, gamma1, beta1, W2, gamma2, beta2):
    src = edge_index[0].astype(jnp.int32)
    nf_t = nf[:N_TASK]
    nf_a = nf[N_TASK:]
    w1s = W1[:D]
    w1d = W1[D:]

    t_proj, a_proj = _proj(nf_t, nf_a, w1s, w1d)
    tpT = t_proj.T.reshape(-1)
    apT = a_proj.T.reshape(-1)

    part = _s1(tpT, apT, src)
    plane = part.reshape(NW, 2 * FPW, 16).sum(axis=-1)
    sums = plane[:, :FPW].reshape(D)
    sqs = plane[:, FPW:].reshape(D)
    mu1 = sums / E
    var1 = sqs / E - mu1 * mu1
    k1 = gamma1 / jnp.sqrt(var1 + EPS)
    b1 = beta1 - mu1 * k1

    kbw = jnp.concatenate([k1, b1, W2[:, 0]])
    fin = (node_type[:N_TASK] == FIN_TASK_TYPE).astype(jnp.float32)

    ps, fing = _s2(tpT, apT, src, kbw, fin)
    s_raw, stat = _reduce(ps.reshape(NW, E // D, D))
    mu2 = stat[0] / E
    var2 = stat[1] / E - mu2 * mu2
    k2 = gamma2[0] / jnp.sqrt(var2 + EPS)
    b2 = beta2[0] - mu2 * k2
    scal = jnp.stack([k2, b2])

    out = _final(s_raw, fing.reshape(E // D, D), scal)
    return out.reshape(N_AG, DEG)

# --- scband reference (transcript-rebuilt; emitter-appended) ---
"""Pipeline reference for scband-bipartite-4647154614416 (READ-ONLY COPY).

The authoritative reference and input builder live on the scoring server;
editing this copy changes nothing except your own understanding.
"""

import jax, jax.numpy as jnp
import numpy as np

N_TASK = 5000
N_AG = 5000
N = N_TASK + N_AG
DEG = 64
E = N_AG * DEG
D = 128
AG_TYPE = 1
FIN_TASK_TYPE = 3
EPS = 1e-5


def batchnorm(x, gamma, beta):
    mean = jnp.mean(x, axis=0, keepdims=True)
    var = jnp.var(x, axis=0, keepdims=True)
    return (x - mean) / jnp.sqrt(var + EPS) * gamma + beta


def setup_inputs(seed: int = 0) -> dict:
    key = jax.random.key(seed)
    k1, k2, k3, k4, k5 = jax.random.split(key, 5)
    nf = jax.random.normal(k1, (N, D), dtype=jnp.float32)
    # bipartite edges: src are task nodes [0, N_TASK), dst are agent nodes [N_TASK, N)
    # edges are sorted by dst and each agent has exactly DEG incoming edges
    src = jax.random.randint(k2, (E,), 0, N_TASK)
    dst = jnp.repeat(jnp.arange(N_TASK, N), DEG)
    edge_index = jnp.stack([src, dst], axis=0)
    # task nodes get type in {2, 3} (3 == finished task), agent nodes get type 1 (AG)
    task_type = jax.random.randint(k3, (N_TASK,), 2, 4)
    ag_type = jnp.full((N_AG,), AG_TYPE, dtype=task_type.dtype)
    node_type = jnp.concatenate([task_type, ag_type], axis=0)
    # score_layer params: Linear(2D->D, no bias), BN1d(D), LeakyReLU, Linear(D->1, no bias), BN1d(1)
    W1 = jax.random.normal(k4, (2 * D, D), dtype=jnp.float32) * (1.0 / np.sqrt(2 * D))
    gamma1 = jnp.ones((D,), dtype=jnp.float32)
    beta1 = jnp.zeros((D,), dtype=jnp.float32)
    W2 = jax.random.normal(k5, (D, 1), dtype=jnp.float32) * (1.0 / np.sqrt(D))
    gamma2 = jnp.ones((1,), dtype=jnp.float32)
    beta2 = jnp.zeros((1,), dtype=jnp.float32)
    return {
        "nf": nf,
        "edge_index": edge_index,
        "node_type": node_type,
        "W1": W1,
        "gamma1": gamma1,
        "beta1": beta1,
        "W2": W2,
        "gamma2": gamma2,
        "beta2": beta2,
    }


def reference(nf, edge_index, node_type, W1, gamma1, beta1, W2, gamma2, beta2):
    src = edge_index[0]
    dst = edge_index[1]
    # message: concat src/dst node features per edge, run score MLP
    src_nf = jnp.take(nf, src, axis=0)
    dst_nf = jnp.take(nf, dst, axis=0)
    m = jnp.concatenate([src_nf, dst_nf], axis=1)          # [E, 2D]
    h = m @ W1                                             # [E, D]
    h = batchnorm(h, gamma1, beta1)
    h = jax.nn.leaky_relu(h, negative_slope=0.01)
    s = h @ W2                                             # [E, 1]
    s = batchnorm(s, gamma2, beta2)
    # mask messages coming from finished tasks with -inf
    finished = (jnp.take(node_type, src, axis=0) == FIN_TASK_TYPE)[:, None]
    score = jnp.where(finished, -jnp.inf, s)               # [E, 1]
    # reduce: mailbox per dst node -> squeeze. Edges are sorted by dst with
    # exactly DEG incoming edges per agent node, so this is a reshape.
    policy = score.reshape(N_AG, DEG)                      # policy for AG nodes
    return policy

if __name__ == "__main__":
    import jax
    _d = setup_inputs()
    print(jax.jit(kernel)(*tuple(_d.values())))

</pallas_src>

<mosaic_0001>
#map = affine_map<(d0, d1) -> (0)>
#map1 = affine_map<(d0, d1) -> (0, 0)>
module attributes {stable_mosaic.version = 14 : i64} {
  func.func @_s1(%arg0: i32, %arg1: i32, %arg2: memref<640000xf32, #tpu.memory_space<hbm>>, %arg3: memref<640000xf32, #tpu.memory_space<hbm>>, %arg4: memref<320000xi32, #tpu.memory_space<hbm>>, %arg5: memref<32x128xf32, #tpu.memory_space<hbm>>, %arg6: memref<5000xf32, #tpu.memory_space<vmem>>, %arg7: memref<5000xf32, #tpu.memory_space<vmem>>, %arg8: memref<5000xf32, #tpu.memory_space<vmem>>, %arg9: memref<5000xf32, #tpu.memory_space<vmem>>, %arg10: memref<20000xf32, #tpu.memory_space<vmem>>, %arg11: memref<6400xi32, #tpu.memory_space<vmem>>, %arg12: memref<6400xi32, #tpu.memory_space<vmem>>, %arg13: memref<128xf32, #tpu.memory_space<vmem>>, %arg14: memref<!tpu.dma_semaphore, #tpu.memory_space<semaphore_mem>>, %arg15: memref<!tpu.dma_semaphore, #tpu.memory_space<semaphore_mem>>) attributes {dimension_semantics = [#tpu.dimension_semantics<core_parallel>, #tpu.dimension_semantics<subcore_parallel>], iteration_bounds = array<i64: 2, 16>, scalar_prefetch = 0 : i64, scratch_operands = 10 : i64, tpu.core_type = #tpu.core_type<sc_vector_subcore>, window_params = [{transform_indices = #map}, {transform_indices = #map}, {transform_indices = #map}, {transform_indices = #map1}]} {
    %mul3A = arith.constant 2 : i32
    %mul3A_0 = arith.muli %arg1, %mul3A : i32
    %add3A = arith.addi %mul3A_0, %arg0 : i32
    %mul3A_1 = arith.constant 4 : i32
    %mul3A_2 = arith.muli %add3A, %mul3A_1 : i32
    %add3A_3 = arith.constant 0 : i32
    %add3A_4 = arith.addi %mul3A_2, %add3A_3 : i32
    %mul3A_5 = arith.constant 5000 : i32
    %mul3A_6 = arith.muli %add3A_4, %mul3A_5 : i32
    "tpu.region"() ({
      %run_scoped3A = tpu.sem_alloc : memref<!tpu.dma_semaphore, #tpu.memory_space<semaphore_mem>>
      %dma_start3A_53 = tpu.memref_slice %arg2[%mul3A_6] : memref<640000xf32, #tpu.memory_space<hbm>> -> memref<5000xf32, #tpu.memory_space<hbm>>
      %dma_start3A_54 = tpu.memref_slice %arg2[%mul3A_6] : memref<640000xf32, #tpu.memory_space<hbm>> -> memref<5000xf32, #tpu.memory_space<hbm>>
      tpu.enqueue_dma source(%dma_start3A_54 : memref<5000xf32, #tpu.memory_space<hbm>>) target(%arg6 : memref<5000xf32, #tpu.memory_space<vmem>>) target_semaphore(%run_scoped3A : memref<!tpu.dma_semaphore, #tpu.memory_space<semaphore_mem>>)
      %dma_wait3A = tpu.memref_slice %arg2[%mul3A_6] : memref<640000xf32, #tpu.memory_space<hbm>> -> memref<5000xf32, #tpu.memory_space<hbm>>
      %dma_wait3A_55 = tpu.memref_slice %arg2[%mul3A_6] : memref<640000xf32, #tpu.memory_space<hbm>> -> memref<5000xf32, #tpu.memory_space<hbm>>
      tpu.wait_dma2 semaphore(%run_scoped3A : memref<!tpu.dma_semaphore, #tpu.memory_space<semaphore_mem>>) src(%dma_wait3A_55 : memref<5000xf32, #tpu.memory_space<hbm>>) dst(%arg6 : memref<5000xf32, #tpu.memory_space<vmem>>)
      tpu.yield
    }) : () -> ()
    %mul3A_7 = arith.constant 4 : i32
    %mul3A_8 = arith.muli %add3A, %mul3A_7 : i32
    %add3A_9 = arith.constant 1 : i32
    %add3A_10 = arith.addi %mul3A_8, %add3A_9 : i32
    %mul3A_11 = arith.constant 5000 : i32
    %mul3A_12 = arith.muli %add3A_10, %mul3A_11 : i32
    "tpu.region"() ({
      %run_scoped3A = tpu.sem_alloc : memref<!tpu.dma_semaphore, #tpu.memory_space<semaphore_mem>>
      %dma_start3A_53 = tpu.memref_slice %arg2[%mul3A_12] : memref<640000xf32, #tpu.memory_space<hbm>> -> memref<5000xf32, #tpu.memory_space<hbm>>
      %dma_start3A_54 = tpu.memref_slice %arg2[%mul3A_12] : memref<640000xf32, #tpu.memory_space<hbm>> -> memref<5000xf32, #tpu.memory_space<hbm>>
      tpu.enqueue_dma source(%dma_start3A_54 : memref<5000xf32, #tpu.memory_space<hbm>>) target(%arg7 : memref<5000xf32, #tpu.memory_space<vmem>>) target_semaphore(%run_scoped3A : memref<!tpu.dma_semaphore, #tpu.memory_space<semaphore_mem>>)
      %dma_wait3A = tpu.memref_slice %arg2[%mul3A_12] : memref<640000xf32, #tpu.memory_space<hbm>> -> memref<5000xf32, #tpu.memory_space<hbm>>
      %dma_wait3A_55 = tpu.memref_slice %arg2[%mul3A_12] : memref<640000xf32, #tpu.memory_space<hbm>> -> memref<5000xf32, #tpu.memory_space<hbm>>
      tpu.wait_dma2 semaphore(%run_scoped3A : memref<!tpu.dma_semaphore, #tpu.memory_space<semaphore_mem>>) src(%dma_wait3A_55 : memref<5000xf32, #tpu.memory_space<hbm>>) dst(%arg7 : memref<5000xf32, #tpu.memory_space<vmem>>)
      tpu.yield
    }) : () -> ()
    %mul3A_13 = arith.constant 4 : i32
    %mul3A_14 = arith.muli %add3A, %mul3A_13 : i32
    %add3A_15 = arith.constant 2 : i32
    %add3A_16 = arith.addi %mul3A_14, %add3A_15 : i32
    %mul3A_17 = arith.constant 5000 : i32
    %mul3A_18 = arith.muli %add3A_16, %mul3A_17 : i32
    "tpu.region"() ({
      %run_scoped3A = tpu.sem_alloc : memref<!tpu.dma_semaphore, #tpu.memory_space<semaphore_mem>>
      %dma_start3A_53 = tpu.memref_slice %arg2[%mul3A_18] : memref<640000xf32, #tpu.memory_space<hbm>> -> memref<5000xf32, #tpu.memory_space<hbm>>
      %dma_start3A_54 = tpu.memref_slice %arg2[%mul3A_18] : memref<640000xf32, #tpu.memory_space<hbm>> -> memref<5000xf32, #tpu.memory_space<hbm>>
      tpu.enqueue_dma source(%dma_start3A_54 : memref<5000xf32, #tpu.memory_space<hbm>>) target(%arg8 : memref<5000xf32, #tpu.memory_space<vmem>>) target_semaphore(%run_scoped3A : memref<!tpu.dma_semaphore, #tpu.memory_space<semaphore_mem>>)
      %dma_wait3A = tpu.memref_slice %arg2[%mul3A_18] : memref<640000xf32, #tpu.memory_space<hbm>> -> memref<5000xf32, #tpu.memory_space<hbm>>
      %dma_wait3A_55 = tpu.memref_slice %arg2[%mul3A_18] : memref<640000xf32, #tpu.memory_space<hbm>> -> memref<5000xf32, #tpu.memory_space<hbm>>
      tpu.wait_dma2 semaphore(%run_scoped3A : memref<!tpu.dma_semaphore, #tpu.memory_space<semaphore_mem>>) src(%dma_wait3A_55 : memref<5000xf32, #tpu.memory_space<hbm>>) dst(%arg8 : memref<5000xf32, #tpu.memory_space<vmem>>)
      tpu.yield
    }) : () -> ()
    %mul3A_19 = arith.constant 4 : i32
    %mul3A_20 = arith.muli %add3A, %mul3A_19 : i32
    %add3A_21 = arith.constant 3 : i32
    %add3A_22 = arith.addi %mul3A_20, %add3A_21 : i32
    %mul3A_23 = arith.constant 5000 : i32
    %mul3A_24 = arith.muli %add3A_22, %mul3A_23 : i32
    "tpu.region"() ({
      %run_scoped3A = tpu.sem_alloc : memref<!tpu.dma_semaphore, #tpu.memory_space<semaphore_mem>>
      %dma_start3A_53 = tpu.memref_slice %arg2[%mul3A_24] : memref<640000xf32, #tpu.memory_space<hbm>> -> memref<5000xf32, #tpu.memory_space<hbm>>
      %dma_start3A_54 = tpu.memref_slice %arg2[%mul3A_24] : memref<640000xf32, #tpu.memory_space<hbm>> -> memref<5000xf32, #tpu.memory_space<hbm>>
      tpu.enqueue_dma source(%dma_start3A_54 : memref<5000xf32, #tpu.memory_space<hbm>>) target(%arg9 : memref<5000xf32, #tpu.memory_space<vmem>>) target_semaphore(%run_scoped3A : memref<!tpu.dma_semaphore, #tpu.memory_space<semaphore_mem>>)
      %dma_wait3A = tpu.memref_slice %arg2[%mul3A_24] : memref<640000xf32, #tpu.memory_space<hbm>> -> memref<5000xf32, #tpu.memory_space<hbm>>
      %dma_wait3A_55 = tpu.memref_slice %arg2[%mul3A_24] : memref<640000xf32, #tpu.memory_space<hbm>> -> memref<5000xf32, #tpu.memory_space<hbm>>
      tpu.wait_dma2 semaphore(%run_scoped3A : memref<!tpu.dma_semaphore, #tpu.memory_space<semaphore_mem>>) src(%dma_wait3A_55 : memref<5000xf32, #tpu.memory_space<hbm>>) dst(%arg9 : memref<5000xf32, #tpu.memory_space<vmem>>)
      tpu.yield
    }) : () -> ()
    %mul3A_25 = arith.constant 4 : i32
    %mul3A_26 = arith.muli %add3A, %mul3A_25 : i32
    %mul3A_27 = arith.constant 5000 : i32
    %mul3A_28 = arith.muli %mul3A_26, %mul3A_27 : i32
    "tpu.region"() ({
      %run_scoped3A = tpu.sem_alloc : memref<!tpu.dma_semaphore, #tpu.memory_space<semaphore_mem>>
      %dma_start3A_53 = tpu.memref_slice %arg3[%mul3A_28] : memref<640000xf32, #tpu.memory_space<hbm>> -> memref<20000xf32, #tpu.memory_space<hbm>>
      %dma_start3A_54 = tpu.memref_slice %arg3[%mul3A_28] : memref<640000xf32, #tpu.memory_space<hbm>> -> memref<20000xf32, #tpu.memory_space<hbm>>
      tpu.enqueue_dma source(%dma_start3A_54 : memref<20000xf32, #tpu.memory_space<hbm>>) target(%arg10 : memref<20000xf32, #tpu.memory_space<vmem>>) target_semaphore(%run_scoped3A : memref<!tpu.dma_semaphore, #tpu.memory_space<semaphore_mem>>)
      %dma_wait3A = tpu.memref_slice %arg3[%mul3A_28] : memref<640000xf32, #tpu.memory_space<hbm>> -> memref<20000xf32, #tpu.memory_space<hbm>>
      %dma_wait3A_55 = tpu.memref_slice %arg3[%mul3A_28] : memref<640000xf32, #tpu.memory_space<hbm>> -> memref<20000xf32, #tpu.memory_space<hbm>>
      tpu.wait_dma2 semaphore(%run_scoped3A : memref<!tpu.dma_semaphore, #tpu.memory_space<semaphore_mem>>) src(%dma_wait3A_55 : memref<20000xf32, #tpu.memory_space<hbm>>) dst(%arg10 : memref<20000xf32, #tpu.memory_space<vmem>>)
      tpu.yield
    }) : () -> ()
    %broadcast_in_dim3A = arith.constant 0.000000e+00 : f32
    %broadcast_in_dim3A_29 = vector.broadcast %broadcast_in_dim3A : f32 to vector<16xf32>
    %dma_start3A = arith.constant 0 : i32
    %dma_start3A_30 = tpu.memref_slice %arg4[%dma_start3A] : memref<320000xi32, #tpu.memory_space<hbm>> -> memref<6400xi32, #tpu.memory_space<hbm>>
    %dma_start3A_31 = arith.constant 0 : i32
    %dma_start3A_32 = tpu.memref_slice %arg4[%dma_start3A_31] : memref<320000xi32, #tpu.memory_space<hbm>> -> memref<6400xi32, #tpu.memory_space<hbm>>
    tpu.enqueue_dma source(%dma_start3A_32 : memref<6400xi32, #tpu.memory_space<hbm>>) target(%arg11 : memref<6400xi32, #tpu.memory_space<vmem>>) target_semaphore(%arg14 : memref<!tpu.dma_semaphore, #tpu.memory_space<semaphore_mem>>)
    %scan3A = arith.constant 0 : i32
    %scan3A_33 = arith.constant 25 : i32
    %scan3A_34 = arith.addi %scan3A, %scan3A_33 : i32
    %scan3A_35 = arith.constant 1 : i32
    %scan3A_36:8 = scf.for %scan3A_53 = %scan3A to %scan3A_34 step %scan3A_35 iter_args(%scan3A_54 = %broadcast_in_dim3A_29, %scan3A_55 = %broadcast_in_dim3A_29, %scan3A_56 = %broadcast_in_dim3A_29, %scan3A_57 = %broadcast_in_dim3A_29, %scan3A_58 = %broadcast_in_dim3A_29, %scan3A_59 = %broadcast_in_dim3A_29, %scan3A_60 = %broadcast_in_dim3A_29, %scan3A_61 = %broadcast_in_dim3A_29) -> (vector<16xf32>, vector<16xf32>, vector<16xf32>, vector<16xf32>, vector<16xf32>, vector<16xf32>, vector<16xf32>, vector<16xf32>)  : i32 {
      %mul3A_62 = arith.constant 2 : i32
      %mul3A_63 = arith.muli %mul3A_62, %scan3A_53 : i32
      %mul3A_64 = arith.constant 2 : i32
      %mul3A_65 = arith.muli %mul3A_64, %scan3A_53 : i32
      %add3A_66 = arith.constant 1 : i32
      %add3A_67 = arith.addi %mul3A_65, %add3A_66 : i32
      %mul3A_68 = arith.constant 6400 : i32
      %mul3A_69 = arith.muli %add3A_67, %mul3A_68 : i32
      %dma_start3A_70 = tpu.memref_slice %arg4[%mul3A_69] : memref<320000xi32, #tpu.memory_space<hbm>> -> memref<6400xi32, #tpu.memory_space<hbm>>
      %dma_start3A_71 = tpu.memref_slice %arg4[%mul3A_69] : memref<320000xi32, #tpu.memory_space<hbm>> -> memref<6400xi32, #tpu.memory_space<hbm>>
      tpu.enqueue_dma source(%dma_start3A_71 : memref<6400xi32, #tpu.memory_space<hbm>>) target(%arg12 : memref<6400xi32, #tpu.memory_space<vmem>>) target_semaphore(%arg15 : memref<!tpu.dma_semaphore, #tpu.memory_space<semaphore_mem>>)
      %mul3A_72 = arith.constant 6400 : i32
      %mul3A_73 = arith.muli %mul3A_63, %mul3A_72 : i32
      %dma_wait3A = tpu.memref_slice %arg4[%mul3A_73] : memref<320000xi32, #tpu.memory_space<hbm>> -> memref<6400xi32, #tpu.memory_space<hbm>>
      %dma_wait3A_74 = tpu.memref_slice %arg4[%mul3A_73] : memref<320000xi32, #tpu.memory_space<hbm>> -> memref<6400xi32, #tpu.memory_space<hbm>>
      tpu.wait_dma2 semaphore(%arg14 : memref<!tpu.dma_semaphore, #tpu.memory_space<semaphore_mem>>) src(%dma_wait3A_74 : memref<6400xi32, #tpu.memory_space<hbm>>) dst(%arg11 : memref<6400xi32, #tpu.memory_space<vmem>>)
      %scan3A_75 = arith.constant 0 : i32
      %scan3A_76 = arith.constant 100 : i32
      %scan3A_77 = arith.addi %scan3A_75, %scan3A_76 : i32
      %scan3A_78 = arith.constant 1 : i32
      %scan3A_79:8 = scf.for %scan3A_95 = %scan3A_75 to %scan3A_77 step %scan3A_78 iter_args(%scan3A_96 = %scan3A_54, %scan3A_97 = %scan3A_55, %scan3A_98 = %scan3A_56, %scan3A_99 = %scan3A_57, %scan3A_100 = %scan3A_58, %scan3A_101 = %scan3A_59, %scan3A_102 = %scan3A_60, %scan3A_103 = %scan3A_61) -> (vector<16xf32>, vector<16xf32>, vector<16xf32>, vector<16xf32>, vector<16xf32>, vector<16xf32>, vector<16xf32>, vector<16xf32>)  : i32 {
        %mul3A_104 = arith.constant 100 : i32
        %mul3A_105 = arith.muli %mul3A_63, %mul3A_104 : i32
        %add3A_106 = arith.addi %mul3A_105, %scan3A_95 : i32
        %broadcast_in_dim3A_107 = vector.broadcast %add3A_106 : i32 to vector<16xi32>
        %add3A_108 = arith.constant 0 : i32
        %add3A_109 = vector.broadcast %add3A_108 : i32 to vector<16xi32>
        %add3A_110 = arith.addi %broadcast_in_dim3A_107, %add3A_109 : vector<16xi32>
        %gather3A = tpu.vector_load_idx %arg10[%add3A_110] : memref<20000xf32, #tpu.memory_space<vmem>>[vector<16xi32>], vector<16xf32>,
        %add3A_111 = arith.constant 5000 : i32
        %add3A_112 = vector.broadcast %add3A_111 : i32 to vector<16xi32>
        %add3A_113 = arith.addi %broadcast_in_dim3A_107, %add3A_112 : vector<16xi32>
        %gather3A_114 = tpu.vector_load_idx %arg10[%add3A_113] : memref<20000xf32, #tpu.memory_space<vmem>>[vector<16xi32>], vector<16xf32>,
        %add3A_115 = arith.constant 10000 : i32
        %add3A_116 = vector.broadcast %add3A_115 : i32 to vector<16xi32>
        %add3A_117 = arith.addi %broadcast_in_dim3A_107, %add3A_116 : vector<16xi32>
        %gather3A_118 = tpu.vector_load_idx %arg10[%add3A_117] : memref<20000xf32, #tpu.memory_space<vmem>>[vector<16xi32>], vector<16xf32>,
        %add3A_119 = arith.constant 15000 : i32
        %add3A_120 = vector.broadcast %add3A_119 : i32 to vector<16xi32>
        %add3A_121 = arith.addi %broadcast_in_dim3A_107, %add3A_120 : vector<16xi32>
        %gather3A_122 = tpu.vector_load_idx %arg10[%add3A_121] : memref<20000xf32, #tpu.memory_space<vmem>>[vector<16xi32>], vector<16xf32>,
        %mul3A_123 = arith.constant 64 : i32
        %mul3A_124 = arith.muli %scan3A_95, %mul3A_123 : i32
        %add3A_125 = arith.constant 0 : i32
        %add3A_126 = arith.addi %mul3A_124, %add3A_125 : i32
        %get3A = arith.index_cast %add3A_126 : i32 to index
        %get3A_127 = tpu.vector_load %arg11[%get3A] {strides = array<i32>} : memref<6400xi32, #tpu.memory_space<vmem>>, vector<16xi32>,
        %gather3A_128 = tpu.vector_load_idx %arg6[%get3A_127] : memref<5000xf32, #tpu.memory_space<vmem>>[vector<16xi32>], vector<16xf32>,
        %add3A_129 = arith.addf %gather3A_128, %gather3A : vector<16xf32>
        %add3A_130 = arith.addf %scan3A_96, %add3A_129 : vector<16xf32>
        %mul3A_131 = arith.mulf %add3A_129, %add3A_129 : vector<16xf32>
        %add3A_132 = arith.addf %scan3A_100, %mul3A_131 : vector<16xf32>
        %gather3A_133 = tpu.vector_load_idx %arg7[%get3A_127] : memref<5000xf32, #tpu.memory_space<vmem>>[vector<16xi32>], vector<16xf32>,
        %add3A_134 = arith.addf %gather3A_133, %gather3A_114 : vector<16xf32>
        %add3A_135 = arith.addf %scan3A_97, %add3A_134 : vector<16xf32>
        %mul3A_136 = arith.mulf %add3A_134, %add3A_134 : vector<16xf32>
        %add3A_137 = arith.addf %scan3A_101, %mul3A_136 : vector<16xf32>
        %gather3A_138 = tpu.vector_load_idx %arg8[%get3A_127] : memref<5000xf32, #tpu.memory_space<vmem>>[vector<16xi32>], vector<16xf32>,
        %add3A_139 = arith.addf %gather3A_138, %gather3A_118 : vector<16xf32>
        %add3A_140 = arith.addf %scan3A_98, %add3A_139 : vector<16xf32>
        %mul3A_141 = arith.mulf %add3A_139, %add3A_139 : vector<16xf32>
        %add3A_142 = arith.addf %scan3A_102, %mul3A_141 : vector<16xf32>
        %gather3A_143 = tpu.vector_load_idx %arg9[%get3A_127] : memref<5000xf32, #tpu.memory_space<vmem>>[vector<16xi32>], vector<16xf32>,
        %add3A_144 = arith.addf %gather3A_143, %gather3A_122 : vector<16xf32>
        %add3A_145 = arith.addf %scan3A_99, %add3A_144 : vector<16xf32>
        %mul3A_146 = arith.mulf %add3A_144, %add3A_144 : vector<16xf32>
        %add3A_147 = arith.addf %scan3A_103, %mul3A_146 : vector<16xf32>
        %mul3A_148 = arith.constant 64 : i32
        %mul3A_149 = arith.muli %scan3A_95, %mul3A_148 : i32
        %add3A_150 = arith.constant 16 : i32
        %add3A_151 = arith.addi %mul3A_149, %add3A_150 : i32
        %get3A_152 = arith.index_cast %add3A_151 : i32 to index
        %get3A_153 = tpu.vector_load %arg11[%get3A_152] {strides = array<i32>} : memref<6400xi32, #tpu.memory_space<vmem>>, vector<16xi32>,
        %gather3A_154 = tpu.vector_load_idx %arg6[%get3A_153] : memref<5000xf32, #tpu.memory_space<vmem>>[vector<16xi32>], vector<16xf32>,
        %add3A_155 = arith.addf %gather3A_154, %gather3A : vector<16xf32>
        %add3A_156 = arith.addf %add3A_130, %add3A_155 : vector<16xf32>
        %mul3A_157 = arith.mulf %add3A_155, %add3A_155 : vector<16xf32>
        %add3A_158 = arith.addf %add3A_132, %mul3A_157 : vector<16xf32>
        %gather3A_159 = tpu.vector_load_idx %arg7[%get3A_153] : memref<5000xf32, #tpu.memory_space<vmem>>[vector<16xi32>], vector<16xf32>,
        %add3A_160 = arith.addf %gather3A_159, %gather3A_114 : vector<16xf32>
        %add3A_161 = arith.addf %add3A_135, %add3A_160 : vector<16xf32>
        %mul3A_162 = arith.mulf %add3A_160, %add3A_160 : vector<16xf32>
        %add3A_163 = arith.addf %add3A_137, %mul3A_162 : vector<16xf32>
        %gather3A_164 = tpu.vector_load_idx %arg8[%get3A_153] : memref<5000xf32, #tpu.memory_space<vmem>>[vector<16xi32>], vector<16xf32>,
        %add3A_165 = arith.addf %gather3A_164, %gather3A_118 : vector<16xf32>
        %add3A_166 = arith.addf %add3A_140, %add3A_165 : vector<16xf32>
        %mul3A_167 = arith.mulf %add3A_165, %add3A_165 : vector<16xf32>
        %add3A_168 = arith.addf %add3A_142, %mul3A_167 : vector<16xf32>
        %gather3A_169 = tpu.vector_load_idx %arg9[%get3A_153] : memref<5000xf32, #tpu.memory_space<vmem>>[vector<16xi32>], vector<16xf32>,
        %add3A_170 = arith.addf %gather3A_169, %gather3A_122 : vector<16xf32>
        %add3A_171 = arith.addf %add3A_145, %add3A_170 : vector<16xf32>
        %mul3A_172 = arith.mulf %add3A_170, %add3A_170 : vector<16xf32>
        %add3A_173 = arith.addf %add3A_147, %mul3A_172 : vector<16xf32>
        %mul3A_174 = arith.constant 64 : i32
        %mul3A_175 = arith.muli %scan3A_95, %mul3A_174 : i32
        %add3A_176 = arith.constant 32 : i32
        %add3A_177 = arith.addi %mul3A_175, %add3A_176 : i32
        %get3A_178 = arith.index_cast %add3A_177 : i32 to index
        %get3A_179 = tpu.vector_load %arg11[%get3A_178] {strides = array<i32>} : memref<6400xi32, #tpu.memory_space<vmem>>, vector<16xi32>,
        %gather3A_180 = tpu.vector_load_idx %arg6[%get3A_179] : memref<5000xf32, #tpu.memory_space<vmem>>[vector<16xi32>], vector<16xf32>,
        %add3A_181 = arith.addf %gather3A_180, %gather3A : vector<16xf32>
        %add3A_182 = arith.addf %add3A_156, %add3A_181 : vector<16xf32>
        %mul3A_183 = arith.mulf %add3A_181, %add3A_181 : vector<16xf32>
        %add3A_184 = arith.addf %add3A_158, %mul3A_183 : vector<16xf32>
        %gather3A_185 = tpu.vector_load_idx %arg7[%get3A_179] : memref<5000xf32, #tpu.memory_space<vmem>>[vector<16xi32>], vector<16xf32>,
        %add3A_186 = arith.addf %gather3A_185, %gather3A_114 : vector<16xf32>
        %add3A_187 = arith.addf %add3A_161, %add3A_186 : vector<16xf32>
        %mul3A_188 = arith.mulf %add3A_186, %add3A_186 : vector<16xf32>
        %add3A_189 = arith.addf %add3A_163, %mul3A_188 : vector<16xf32>
        %gather3A_190 = tpu.vector_load_idx %arg8[%get3A_179] : memref<5000xf32, #tpu.memory_space<vmem>>[vector<16xi32>], vector<16xf32>,
        %add3A_191 = arith.addf %gather3A_190, %gather3A_118 : vector<16xf32>
        %add3A_192 = arith.addf %add3A_166, %add3A_191 : vector<16xf32>
        %mul3A_193 = arith.mulf %add3A_191, %add3A_191 : vector<16xf32>
        %add3A_194 = arith.addf %add3A_168, %mul3A_193 : vector<16xf32>
        %gather3A_195 = tpu.vector_load_idx %arg9[%get3A_179] : memref<5000xf32, #tpu.memory_space<vmem>>[vector<16xi32>], vector<16xf32>,
        %add3A_196 = arith.addf %gather3A_195, %gather3A_122 : vector<16xf32>
        %add3A_197 = arith.addf %add3A_171, %add3A_196 : vector<16xf32>
        %mul3A_198 = arith.mulf %add3A_196, %add3A_196 : vector<16xf32>
        %add3A_199 = arith.addf %add3A_173, %mul3A_198 : vector<16xf32>
        %mul3A_200 = arith.constant 64 : i32
        %mul3A_201 = arith.muli %scan3A_95, %mul3A_200 : i32
        %add3A_202 = arith.constant 48 : i32
        %add3A_203 = arith.addi %mul3A_201, %add3A_202 : i32
        %get3A_204 = arith.index_cast %add3A_203 : i32 to index
        %get3A_205 = tpu.vector_load %arg11[%get3A_204] {strides = array<i32>} : memref<6400xi32, #tpu.memory_space<vmem>>, vector<16xi32>,
        %gather3A_206 = tpu.vector_load_idx %arg6[%get3A_205] : memref<5000xf32, #tpu.memory_space<vmem>>[vector<16xi32>], vector<16xf32>,
        %add3A_207 = arith.addf %gather3A_206, %gather3A : vector<16xf32>
        %add3A_208 = arith.addf %add3A_182, %add3A_207 : vector<16xf32>
        %mul3A_209 = arith.mulf %add3A_207, %add3A_207 : vector<16xf32>
        %add3A_210 = arith.addf %add3A_184, %mul3A_209 : vector<16xf32>
        %gather3A_211 = tpu.vector_load_idx %arg7[%get3A_205] : memref<5000xf32, #tpu.memory_space<vmem>>[vector<16xi32>], vector<16xf32>,
        %add3A_212 = arith.addf %gather3A_211, %gather3A_114 : vector<16xf32>
        %add3A_213 = arith.addf %add3A_187, %add3A_212 : vector<16xf32>
        %mul3A_214 = arith.mulf %add3A_212, %add3A_212 : vector<16xf32>
        %add3A_215 = arith.addf %add3A_189, %mul3A_214 : vector<16xf32>
        %gather3A_216 = tpu.vector_load_idx %arg8[%get3A_205] : memref<5000xf32, #tpu.memory_space<vmem>>[vector<16xi32>], vector<16xf32>,
        %add3A_217 = arith.addf %gather3A_216, %gather3A_118 : vector<16xf32>
        %add3A_218 = arith.addf %add3A_192, %add3A_217 : vector<16xf32>
        %mul3A_219 = arith.mulf %add3A_217, %add3A_217 : vector<16xf32>
        %add3A_220 = arith.addf %add3A_194, %mul3A_219 : vector<16xf32>
        %gather3A_221 = tpu.vector_load_idx %arg9[%get3A_205] : memref<5000xf32, #tpu.memory_space<vmem>>[vector<16xi32>], vector<16xf32>,
        %add3A_222 = arith.addf %gather3A_221, %gather3A_122 : vector<16xf32>
        %add3A_223 = arith.addf %add3A_197, %add3A_222 : vector<16xf32>
        %mul3A_224 = arith.mulf %add3A_222, %add3A_222 : vector<16xf32>
        %add3A_225 = arith.addf %add3A_199, %mul3A_224 : vector<16xf32>
        scf.yield %add3A_208, %add3A_213, %add3A_218, %add3A_223, %add3A_210, %add3A_215, %add3A_220, %add3A_225 : vector<16xf32>, vector<16xf32>, vector<16xf32>, vector<16xf32>, vector<16xf32>, vector<16xf32>, vector<16xf32>, vector<16xf32>
      }
      %scan3A_80 = arith.constant 100 : i32
      %add3A_81 = arith.constant 1 : i32
      %add3A_82 = arith.addi %add3A_67, %add3A_81 : i32
      %lt3A = arith.constant 50 : i32
      %lt3A_83 = arith.cmpi slt, %add3A_82, %lt3A : i32
      %convert_element_type3A = arith.extui %lt3A_83 : i1 to i32
      %cond3A = arith.constant 0 : i32
      %cond3A_84 = arith.cmpi ne, %convert_element_type3A, %cond3A : i32
      scf.if %cond3A_84 {
        %add3A_95 = arith.constant 1 : i32
        %add3A_96 = arith.addi %add3A_67, %add3A_95 : i32
        %mul3A_97 = arith.constant 6400 : i32
        %mul3A_98 = arith.muli %add3A_96, %mul3A_97 : i32
        %dma_start3A_99 = tpu.memref_slice %arg4[%mul3A_98] : memref<320000xi32, #tpu.memory_space<hbm>> -> memref<6400xi32, #tpu.memory_space<hbm>>
        %dma_start3A_100 = tpu.memref_slice %arg4[%mul3A_98] : memref<320000xi32, #tpu.memory_space<hbm>> -> memref<6400xi32, #tpu.memory_space<hbm>>
        tpu.enqueue_dma source(%dma_start3A_100 : memref<6400xi32, #tpu.memory_space<hbm>>) target(%arg11 : memref<6400xi32, #tpu.memory_space<vmem>>) target_semaphore(%arg14 : memref<!tpu.dma_semaphore, #tpu.memory_space<semaphore_mem>>)
      } else {
      }
      %mul3A_85 = arith.constant 6400 : i32
      %mul3A_86 = arith.muli %add3A_67, %mul3A_85 : i32
      %dma_wait3A_87 = tpu.memref_slice %arg4[%mul3A_86] : memref<320000xi32, #tpu.memory_space<hbm>> -> memref<6400xi32, #tpu.memory_space<hbm>>
      %dma_wait3A_88 = tpu.memref_slice %arg4[%mul3A_86] : memref<320000xi32, #tpu.memory_space<hbm>> -> memref<6400xi32, #tpu.memory_space<hbm>>
      tpu.wait_dma2 semaphore(%arg15 : memref<!tpu.dma_semaphore, #tpu.memory_space<semaphore_mem>>) src(%dma_wait3A_88 : memref<6400xi32, #tpu.memory_space<hbm>>) dst(%arg12 : memref<6400xi32, #tpu.memory_space<vmem>>)
      %scan3A_89 = arith.constant 0 : i32
      %scan3A_90 = arith.constant 100 : i32
      %scan3A_91 = arith.addi %scan3A_89, %scan3A_90 : i32
      %scan3A_92 = arith.constant 1 : i32
      %scan3A_93:8 = scf.for %scan3A_95 = %scan3A_89 to %scan3A_91 step %scan3A_92 iter_args(%scan3A_96 = %scan3A_79#0, %scan3A_97 = %scan3A_79#1, %scan3A_98 = %scan3A_79#2, %scan3A_99 = %scan3A_79#3, %scan3A_100 = %scan3A_79#4, %scan3A_101 = %scan3A_79#5, %scan3A_102 = %scan3A_79#6, %scan3A_103 = %scan3A_79#7) -> (vector<16xf32>, vector<16xf32>, vector<16xf32>, vector<16xf32>, vector<16xf32>, vector<16xf32>, vector<16xf32>, vector<16xf32>)  : i32 {
        %mul3A_104 = arith.constant 100 : i32
        %mul3A_105 = arith.muli %add3A_67, %mul3A_104 : i32
        %add3A_106 = arith.addi %mul3A_105, %scan3A_95 : i32
        %broadcast_in_dim3A_107 = vector.broadcast %add3A_106 : i32 to vector<16xi32>
        %add3A_108 = arith.constant 0 : i32
        %add3A_109 = vector.broadcast %add3A_108 : i32 to vector<16xi32>
        %add3A_110 = arith.addi %broadcast_in_dim3A_107, %add3A_109 : vector<16xi32>
        %gather3A = tpu.vector_load_idx %arg10[%add3A_110] : memref<20000xf32, #tpu.memory_space<vmem>>[vector<16xi32>], vector<16xf32>,
        %add3A_111 = arith.constant 5000 : i32
        %add3A_112 = vector.broadcast %add3A_111 : i32 to vector<16xi32>
        %add3A_113 = arith.addi %broadcast_in_dim3A_107, %add3A_112 : vector<16xi32>
        %gather3A_114 = tpu.vector_load_idx %arg10[%add3A_113] : memref<20000xf32, #tpu.memory_space<vmem>>[vector<16xi32>], vector<16xf32>,
        %add3A_115 = arith.constant 10000 : i32
        %add3A_116 = vector.broadcast %add3A_115 : i32 to vector<16xi32>
        %add3A_117 = arith.addi %broadcast_in_dim3A_107, %add3A_116 : vector<16xi32>
        %gather3A_118 = tpu.vector_load_idx %arg10[%add3A_117] : memref<20000xf32, #tpu.memory_space<vmem>>[vector<16xi32>], vector<16xf32>,
        %add3A_119 = arith.constant 15000 : i32
        %add3A_120 = vector.broadcast %add3A_119 : i32 to vector<16xi32>
        %add3A_121 = arith.addi %broadcast_in_dim3A_107, %add3A_120 : vector<16xi32>
        %gather3A_122 = tpu.vector_load_idx %arg10[%add3A_121] : memref<20000xf32, #tpu.memory_space<vmem>>[vector<16xi32>], vector<16xf32>,
        %mul3A_123 = arith.constant 64 : i32
        %mul3A_124 = arith.muli %scan3A_95, %mul3A_123 : i32
        %add3A_125 = arith.constant 0 : i32
        %add3A_126 = arith.addi %mul3A_124, %add3A_125 : i32
        %get3A = arith.index_cast %add3A_126 : i32 to index
        %get3A_127 = tpu.vector_load %arg12[%get3A] {strides = array<i32>} : memref<6400xi32, #tpu.memory_space<vmem>>, vector<16xi32>,
        %gather3A_128 = tpu.vector_load_idx %arg6[%get3A_127] : memref<5000xf32, #tpu.memory_space<vmem>>[vector<16xi32>], vector<16xf32>,
        %add3A_129 = arith.addf %gather3A_128, %gather3A : vector<16xf32>
        %add3A_130 = arith.addf %scan3A_96, %add3A_129 : vector<16xf32>
        %mul3A_131 = arith.mulf %add3A_129, %add3A_129 : vector<16xf32>
        %add3A_132 = arith.addf %scan3A_100, %mul3A_131 : vector<16xf32>
        %gather3A_133 = tpu.vector_load_idx %arg7[%get3A_127] : memref<5000xf32, #tpu.memory_space<vmem>>[vector<16xi32>], vector<16xf32>,
        %add3A_134 = arith.addf %gather3A_133, %gather3A_114 : vector<16xf32>
        %add3A_135 = arith.addf %scan3A_97, %add3A_134 : vector<16xf32>
        %mul3A_136 = arith.mulf %add3A_134, %add3A_134 : vector<16xf32>
        %add3A_137 = arith.addf %scan3A_101, %mul3A_136 : vector<16xf32>
        %gather3A_138 = tpu.vector_load_idx %arg8[%get3A_127] : memref<5000xf32, #tpu.memory_space<vmem>>[vector<16xi32>], vector<16xf32>,
        %add3A_139 = arith.addf %gather3A_138, %gather3A_118 : vector<16xf32>
        %add3A_140 = arith.addf %scan3A_98, %add3A_139 : vector<16xf32>
        %mul3A_141 = arith.mulf %add3A_139, %add3A_139 : vector<16xf32>
        %add3A_142 = arith.addf %scan3A_102, %mul3A_141 : vector<16xf32>
        %gather3A_143 = tpu.vector_load_idx %arg9[%get3A_127] : memref<5000xf32, #tpu.memory_space<vmem>>[vector<16xi32>], vector<16xf32>,
        %add3A_144 = arith.addf %gather3A_143, %gather3A_122 : vector<16xf32>
        %add3A_145 = arith.addf %scan3A_99, %add3A_144 : vector<16xf32>
        %mul3A_146 = arith.mulf %add3A_144, %add3A_144 : vector<16xf32>
        %add3A_147 = arith.addf %scan3A_103, %mul3A_146 : vector<16xf32>
        %mul3A_148 = arith.constant 64 : i32
        %mul3A_149 = arith.muli %scan3A_95, %mul3A_148 : i32
        %add3A_150 = arith.constant 16 : i32
        %add3A_151 = arith.addi %mul3A_149, %add3A_150 : i32
        %get3A_152 = arith.index_cast %add3A_151 : i32 to index
        %get3A_153 = tpu.vector_load %arg12[%get3A_152] {strides = array<i32>} : memref<6400xi32, #tpu.memory_space<vmem>>, vector<16xi32>,
        %gather3A_154 = tpu.vector_load_idx %arg6[%get3A_153] : memref<5000xf32, #tpu.memory_space<vmem>>[vector<16xi32>], vector<16xf32>,
        %add3A_155 = arith.addf %gather3A_154, %gather3A : vector<16xf32>
        %add3A_156 = arith.addf %add3A_130, %add3A_155 : vector<16xf32>
        %mul3A_157 = arith.mulf %add3A_155, %add3A_155 : vector<16xf32>
        %add3A_158 = arith.addf %add3A_132, %mul3A_157 : vector<16xf32>
        %gather3A_159 = tpu.vector_load_idx %arg7[%get3A_153] : memref<5000xf32, #tpu.memory_space<vmem>>[vector<16xi32>], vector<16xf32>,
        %add3A_160 = arith.addf %gather3A_159, %gather3A_114 : vector<16xf32>
        %add3A_161 = arith.addf %add3A_135, %add3A_160 : vector<16xf32>
        %mul3A_162 = arith.mulf %add3A_160, %add3A_160 : vector<16xf32>
        %add3A_163 = arith.addf %add3A_137, %mul3A_162 : vector<16xf32>
        %gather3A_164 = tpu.vector_load_idx %arg8[%get3A_153] : memref<5000xf32, #tpu.memory_space<vmem>>[vector<16xi32>], vector<16xf32>,
        %add3A_165 = arith.addf %gather3A_164, %gather3A_118 : vector<16xf32>
        %add3A_166 = arith.addf %add3A_140, %add3A_165 : vector<16xf32>
        %mul3A_167 = arith.mulf %add3A_165, %add3A_165 : vector<16xf32>
        %add3A_168 = arith.addf %add3A_142, %mul3A_167 : vector<16xf32>
        %gather3A_169 = tpu.vector_load_idx %arg9[%get3A_153] : memref<5000xf32, #tpu.memory_space<vmem>>[vector<16xi32>], vector<16xf32>,
        %add3A_170 = arith.addf %gather3A_169, %gather3A_122 : vector<16xf32>
        %add3A_171 = arith.addf %add3A_145, %add3A_170 : vector<16xf32>
        %mul3A_172 = arith.mulf %add3A_170, %add3A_170 : vector<16xf32>
        %add3A_173 = arith.addf %add3A_147, %mul3A_172 : vector<16xf32>
        %mul3A_174 = arith.constant 64 : i32
        %mul3A_175 = arith.muli %scan3A_95, %mul3A_174 : i32
        %add3A_176 = arith.constant 32 : i32
        %add3A_177 = arith.addi %mul3A_175, %add3A_176 : i32
        %get3A_178 = arith.index_cast %add3A_177 : i32 to index
        %get3A_179 = tpu.vector_load %arg12[%get3A_178] {strides = array<i32>} : memref<6400xi32, #tpu.memory_space<vmem>>, vector<16xi32>,
        %gather3A_180 = tpu.vector_load_idx %arg6[%get3A_179] : memref<5000xf32, #tpu.memory_space<vmem>>[vector<16xi32>], vector<16xf32>,
        %add3A_181 = arith.addf %gather3A_180, %gather3A : vector<16xf32>
        %add3A_182 = arith.addf %add3A_156, %add3A_181 : vector<16xf32>
        %mul3A_183 = arith.mulf %add3A_181, %add3A_181 : vector<16xf32>
        %add3A_184 = arith.addf %add3A_158, %mul3A_183 : vector<16xf32>
        %gather3A_185 = tpu.vector_load_idx %arg7[%get3A_179] : memref<5000xf32, #tpu.memory_space<vmem>>[vector<16xi32>], vector<16xf32>,
        %add3A_186 = arith.addf %gather3A_185, %gather3A_114 : vector<16xf32>
        %add3A_187 = arith.addf %add3A_161, %add3A_186 : vector<16xf32>
        %mul3A_188 = arith.mulf %add3A_186, %add3A_186 : vector<16xf32>
        %add3A_189 = arith.addf %add3A_163, %mul3A_188 : vector<16xf32>
        %gather3A_190 = tpu.vector_load_idx %arg8[%get3A_179] : memref<5000xf32, #tpu.memory_space<vmem>>[vector<16xi32>], vector<16xf32>,
        %add3A_191 = arith.addf %gather3A_190, %gather3A_118 : vector<16xf32>
        %add3A_192 = arith.addf %add3A_166, %add3A_191 : vector<16xf32>
        %mul3A_193 = arith.mulf %add3A_191, %add3A_191 : vector<16xf32>
        %add3A_194 = arith.addf %add3A_168, %mul3A_193 : vector<16xf32>
        %gather3A_195 = tpu.vector_load_idx %arg9[%get3A_179] : memref<5000xf32, #tpu.memory_space<vmem>>[vector<16xi32>], vector<16xf32>,
        %add3A_196 = arith.addf %gather3A_195, %gather3A_122 : vector<16xf32>
        %add3A_197 = arith.addf %add3A_171, %add3A_196 : vector<16xf32>
        %mul3A_198 = arith.mulf %add3A_196, %add3A_196 : vector<16xf32>
        %add3A_199 = arith.addf %add3A_173, %mul3A_198 : vector<16xf32>
        %mul3A_200 = arith.constant 64 : i32
        %mul3A_201 = arith.muli %scan3A_95, %mul3A_200 : i32
        %add3A_202 = arith.constant 48 : i32
        %add3A_203 = arith.addi %mul3A_201, %add3A_202 : i32
        %get3A_204 = arith.index_cast %add3A_203 : i32 to index
        %get3A_205 = tpu.vector_load %arg12[%get3A_204] {strides = array<i32>} : memref<6400xi32, #tpu.memory_space<vmem>>, vector<16xi32>,
        %gather3A_206 = tpu.vector_load_idx %arg6[%get3A_205] : memref<5000xf32, #tpu.memory_space<vmem>>[vector<16xi32>], vector<16xf32>,
        %add3A_207 = arith.addf %gather3A_206, %gather3A : vector<16xf32>
        %add3A_208 = arith.addf %add3A_182, %add3A_207 : vector<16xf32>
        %mul3A_209 = arith.mulf %add3A_207, %add3A_207 : vector<16xf32>
        %add3A_210 = arith.addf %add3A_184, %mul3A_209 : vector<16xf32>
        %gather3A_211 = tpu.vector_load_idx %arg7[%get3A_205] : memref<5000xf32, #tpu.memory_space<vmem>>[vector<16xi32>], vector<16xf32>,
        %add3A_212 = arith.addf %gather3A_211, %gather3A_114 : vector<16xf32>
        %add3A_213 = arith.addf %add3A_187, %add3A_212 : vector<16xf32>
        %mul3A_214 = arith.mulf %add3A_212, %add3A_212 : vector<16xf32>
        %add3A_215 = arith.addf %add3A_189, %mul3A_214 : vector<16xf32>
        %gather3A_216 = tpu.vector_load_idx %arg8[%get3A_205] : memref<5000xf32, #tpu.memory_space<vmem>>[vector<16xi32>], vector<16xf32>,
        %add3A_217 = arith.addf %gather3A_216, %gather3A_118 : vector<16xf32>
        %add3A_218 = arith.addf %add3A_192, %add3A_217 : vector<16xf32>
        %mul3A_219 = arith.mulf %add3A_217, %add3A_217 : vector<16xf32>
        %add3A_220 = arith.addf %add3A_194, %mul3A_219 : vector<16xf32>
        %gather3A_221 = tpu.vector_load_idx %arg9[%get3A_205] : memref<5000xf32, #tpu.memory_space<vmem>>[vector<16xi32>], vector<16xf32>,
        %add3A_222 = arith.addf %gather3A_221, %gather3A_122 : vector<16xf32>
        %add3A_223 = arith.addf %add3A_197, %add3A_222 : vector<16xf32>
        %mul3A_224 = arith.mulf %add3A_222, %add3A_222 : vector<16xf32>
        %add3A_225 = arith.addf %add3A_199, %mul3A_224 : vector<16xf32>
        scf.yield %add3A_208, %add3A_213, %add3A_218, %add3A_223, %add3A_210, %add3A_215, %add3A_220, %add3A_225 : vector<16xf32>, vector<16xf32>, vector<16xf32>, vector<16xf32>, vector<16xf32>, vector<16xf32>, vector<16xf32>, vector<16xf32>
      }
      %scan3A_94 = arith.constant 100 : i32
      scf.yield %scan3A_93#0, %scan3A_93#1, %scan3A_93#2, %scan3A_93#3, %scan3A_93#4, %scan3A_93#5, %scan3A_93#6, %scan3A_93#7 : vector<16xf32>, vector<16xf32>, vector<16xf32>, vector<16xf32>, vector<16xf32>, vector<16xf32>, vector<16xf32>, vector<16xf32>
    }
    %scan3A_37 = arith.constant 25 : i32
    %swap3A = arith.constant 0 : index
    %swap3A_38 = tpu.vector_load %arg13[%swap3A] {strides = array<i32>} : memref<128xf32, #tpu.memory_space<vmem>>, vector<16xf32>,
    tpu.vector_store %arg13[%swap3A], %scan3A_36#0 {strides = array<i32>} : memref<128xf32, #tpu.memory_space<vmem>>, vector<16xf32>,
    %swap3A_39 = arith.constant 64 : index
    %swap3A_40 = tpu.vector_load %arg13[%swap3A_39] {strides = array<i32>} : memref<128xf32, #tpu.memory_space<vmem>>, vector<16xf32>,
    tpu.vector_store %arg13[%swap3A_39], %scan3A_36#4 {strides = array<i32>} : memref<128xf32, #tpu.memory_space<vmem>>, vector<16xf32>,
    %swap3A_41 = arith.constant 16 : index
    %swap3A_42 = tpu.vector_load %arg13[%swap3A_41] {strides = array<i32>} : memref<128xf32, #tpu.memory_space<vmem>>, vector<16xf32>,
    tpu.vector_store %arg13[%swap3A_41], %scan3A_36#1 {strides = array<i32>} : memref<128xf32, #tpu.memory_space<vmem>>, vector<16xf32>,
    %swap3A_43 = arith.constant 80 : index
    %swap3A_44 = tpu.vector_load %arg13[%swap3A_43] {strides = array<i32>} : memref<128xf32, #tpu.memory_space<vmem>>, vector<16xf32>,
    tpu.vector_store %arg13[%swap3A_43], %scan3A_36#5 {strides = array<i32>} : memref<128xf32, #tpu.memory_space<vmem>>, vector<16xf32>,
    %swap3A_45 = arith.constant 32 : index
    %swap3A_46 = tpu.vector_load %arg13[%swap3A_45] {strides = array<i32>} : memref<128xf32, #tpu.memory_space<vmem>>, vector<16xf32>,
    tpu.vector_store %arg13[%swap3A_45], %scan3A_36#2 {strides = array<i32>} : memref<128xf32, #tpu.memory_space<vmem>>, vector<16xf32>,
    %swap3A_47 = arith.constant 96 : index
    %swap3A_48 = tpu.vector_load %arg13[%swap3A_47] {strides = array<i32>} : memref<128xf32, #tpu.memory_space<vmem>>, vector<16xf32>,
    tpu.vector_store %arg13[%swap3A_47], %scan3A_36#6 {strides = array<i32>} : memref<128xf32, #tpu.memory_space<vmem>>, vector<16xf32>,
    %swap3A_49 = arith.constant 48 : index
    %swap3A_50 = tpu.vector_load %arg13[%swap3A_49] {strides = array<i32>} : memref<128xf32, #tpu.memory_space<vmem>>, vector<16xf32>,
    tpu.vector_store %arg13[%swap3A_49], %scan3A_36#3 {strides = array<i32>} : memref<128xf32, #tpu.memory_space<vmem>>, vector<16xf32>,
    %swap3A_51 = arith.constant 112 : index
    %swap3A_52 = tpu.vector_load %arg13[%swap3A_51] {strides = array<i32>} : memref<128xf32, #tpu.memory_space<vmem>>, vector<16xf32>,
    tpu.vector_store %arg13[%swap3A_51], %scan3A_36#7 {strides = array<i32>} : memref<128xf32, #tpu.memory_space<vmem>>, vector<16xf32>,
    "tpu.region"() ({
      %run_scoped3A = tpu.sem_alloc : memref<!tpu.dma_semaphore, #tpu.memory_space<semaphore_mem>>
      %dma_start3A_53 = arith.constant 0 : i32
      %dma_start3A_54 = tpu.memref_slice %arg5[%add3A, %dma_start3A_53] : memref<32x128xf32, #tpu.memory_space<hbm>> -> memref<1x128xf32, #tpu.memory_space<hbm>>
      %dma_start3A_55 = tpu.memref_squeeze %dma_start3A_54 : memref<1x128xf32, #tpu.memory_space<hbm>> -> memref<128xf32, #tpu.memory_space<hbm>>
      %dma_start3A_56 = arith.constant 0 : i32
      %dma_start3A_57 = tpu.memref_slice %arg5[%add3A, %dma_start3A_56] : memref<32x128xf32, #tpu.memory_space<hbm>> -> memref<1x128xf32, #tpu.memory_space<hbm>>
      %dma_start3A_58 = tpu.memref_squeeze %dma_start3A_57 : memref<1x128xf32, #tpu.memory_space<hbm>> -> memref<128xf32, #tpu.memory_space<hbm>>
      tpu.enqueue_dma source(%arg13 : memref<128xf32, #tpu.memory_space<vmem>>) target(%dma_start3A_58 : memref<128xf32, #tpu.memory_space<hbm>>) target_semaphore(%run_scoped3A : memref<!tpu.dma_semaphore, #tpu.memory_space<semaphore_mem>>)
      %dma_wait3A = arith.constant 0 : i32
      %dma_wait3A_59 = tpu.memref_slice %arg5[%add3A, %dma_wait3A] : memref<32x128xf32, #tpu.memory_space<hbm>> -> memref<1x128xf32, #tpu.memory_space<hbm>>
      %dma_wait3A_60 = tpu.memref_squeeze %dma_wait3A_59 : memref<1x128xf32, #tpu.memory_space<hbm>> -> memref<128xf32, #tpu.memory_space<hbm>>
      %dma_wait3A_61 = arith.constant 0 : i32
      %dma_wait3A_62 = tpu.memref_slice %arg5[%add3A, %dma_wait3A_61] : memref<32x128xf32, #tpu.memory_space<hbm>> -> memref<1x128xf32, #tpu.memory_space<hbm>>
      %dma_wait3A_63 = tpu.memref_squeeze %dma_wait3A_62 : memref<1x128xf32, #tpu.memory_space<hbm>> -> memref<128xf32, #tpu.memory_space<hbm>>
      tpu.wait_dma2 semaphore(%run_scoped3A : memref<!tpu.dma_semaphore, #tpu.memory_space<semaphore_mem>>) src(%arg13 : memref<128xf32, #tpu.memory_space<vmem>>) dst(%dma_wait3A_63 : memref<128xf32, #tpu.memory_space<hbm>>)
      tpu.yield
    }) : () -> ()
    return
  }
}

#map = affine_map<(d0, d1) -> (0)>
module attributes {stable_mosaic.version = 14 : i64} {
  func.func @_s2(%arg0: i32, %arg1: i32, %arg2: memref<640000xf32, #tpu.memory_space<hbm>>, %arg3: memref<640000xf32, #tpu.memory_space<hbm>>, %arg4: memref<320000xi32, #tpu.memory_space<hbm>>, %arg5: memref<384xf32, #tpu.memory_space<hbm>>, %arg6: memref<5000xf32, #tpu.memory_space<hbm>>, %arg7: memref<10240000xf32, #tpu.memory_space<hbm>>, %arg8: memref<320000xf32, #tpu.memory_space<hbm>>, %arg9: memref<5008xf32, #tpu.memory_space<vmem>>, %arg10: memref<5008xf32, #tpu.memory_space<vmem>>, %arg11: memref<5008xf32, #tpu.memory_space<vmem>>, %arg12: memref<5008xf32, #tpu.memory_space<vmem>>, %arg13: memref<20032xf32, #tpu.memory_space<vmem>>, %arg14: memref<6400xi32, #tpu.memory_space<vmem>>, %arg15: memref<6400xi32, #tpu.memory_space<vmem>>, %arg16: memref<6400xf32, #tpu.memory_space<vmem>>, %arg17: memref<6400xf32, #tpu.memory_space<vmem>>, %arg18: memref<384xf32, #tpu.memory_space<vmem>>, %arg19: memref<5000xf32, #tpu.memory_space<vmem>>, %arg20: memref<10000xi32, #tpu.memory_space<vmem>>, %arg21: memref<10000xf32, #tpu.memory_space<vmem>>, %arg22: memref<!tpu.dma_semaphore, #tpu.memory_space<semaphore_mem>>, %arg23: memref<!tpu.dma_semaphore, #tpu.memory_space<semaphore_mem>>, %arg24: memref<!tpu.dma_semaphore, #tpu.memory_space<semaphore_mem>>, %arg25: memref<!tpu.dma_semaphore, #tpu.memory_space<semaphore_mem>>, %arg26: memref<!tpu.dma_semaphore, #tpu.memory_space<semaphore_mem>>) attributes {dimension_semantics = [#tpu.dimension_semantics<core_parallel>, #tpu.dimension_semantics<subcore_parallel>], iteration_bounds = array<i64: 2, 16>, scalar_prefetch = 0 : i64, scratch_operands = 18 : i64, tpu.core_type = #tpu.core_type<sc_vector_subcore>, window_params = [{transform_indices = #map}, {transform_indices = #map}, {transform_indices = #map}, {transform_indices = #map}, {transform_indices = #map}, {transform_indices = #map}, {transform_indices = #map}]} {
    %mul3A = arith.constant 2 : i32
    %mul3A_0 = arith.muli %arg1, %mul3A : i32
    %add3A = arith.addi %mul3A_0, %arg0 : i32
    %mul3A_1 = arith.constant 4 : i32
    %mul3A_2 = arith.muli %add3A, %mul3A_1 : i32
    %add3A_3 = arith.constant 0 : i32
    %add3A_4 = arith.addi %mul3A_2, %add3A_3 : i32
    %mul3A_5 = arith.constant 5000 : i32
    %mul3A_6 = arith.muli %add3A_4, %mul3A_5 : i32
    %multiple_of3A = tpu.assume_multiple %mul3A_6, 8 : i32
    "tpu.region"() ({
      %run_scoped3A = tpu.sem_alloc : memref<!tpu.dma_semaphore, #tpu.memory_space<semaphore_mem>>
      %dma_start3A_171 = arith.constant 0 : i32
      %dma_start3A_172 = tpu.memref_slice %arg9[%dma_start3A_171] : memref<5008xf32, #tpu.memory_space<vmem>> -> memref<5000xf32, #tpu.memory_space<vmem>>
      %dma_start3A_173 = tpu.memref_slice %arg2[%multiple_of3A] : memref<640000xf32, #tpu.memory_space<hbm>> -> memref<5000xf32, #tpu.memory_space<hbm>>
      %dma_start3A_174 = arith.constant 0 : i32
      %dma_start3A_175 = tpu.memref_slice %arg9[%dma_start3A_174] : memref<5008xf32, #tpu.memory_space<vmem>> -> memref<5000xf32, #tpu.memory_space<vmem>>
      %dma_start3A_176 = tpu.memref_slice %arg2[%multiple_of3A] : memref<640000xf32, #tpu.memory_space<hbm>> -> memref<5000xf32, #tpu.memory_space<hbm>>
      tpu.enqueue_dma source(%dma_start3A_176 : memref<5000xf32, #tpu.memory_space<hbm>>) target(%dma_start3A_175 : memref<5000xf32, #tpu.memory_space<vmem>>) target_semaphore(%run_scoped3A : memref<!tpu.dma_semaphore, #tpu.memory_space<semaphore_mem>>)
      %dma_wait3A_177 = arith.constant 0 : i32
      %dma_wait3A_178 = tpu.memref_slice %arg9[%dma_wait3A_177] : memref<5008xf32, #tpu.memory_space<vmem>> -> memref<5000xf32, #tpu.memory_space<vmem>>
      %dma_wait3A_179 = tpu.memref_slice %arg2[%multiple_of3A] : memref<640000xf32, #tpu.memory_space<hbm>> -> memref<5000xf32, #tpu.memory_space<hbm>>
      %dma_wait3A_180 = arith.constant 0 : i32
      %dma_wait3A_181 = tpu.memref_slice %arg9[%dma_wait3A_180] : memref<5008xf32, #tpu.memory_space<vmem>> -> memref<5000xf32, #tpu.memory_space<vmem>>
      %dma_wait3A_182 = tpu.memref_slice %arg2[%multiple_of3A] : memref<640000xf32, #tpu.memory_space<hbm>> -> memref<5000xf32, #tpu.memory_space<hbm>>
      tpu.wait_dma2 semaphore(%run_scoped3A : memref<!tpu.dma_semaphore, #tpu.memory_space<semaphore_mem>>) src(%dma_wait3A_182 : memref<5000xf32, #tpu.memory_space<hbm>>) dst(%dma_wait3A_181 : memref<5000xf32, #tpu.memory_space<vmem>>)
      tpu.yield
    }) : () -> ()
    %mul3A_7 = arith.constant 4 : i32
    %mul3A_8 = arith.muli %add3A, %mul3A_7 : i32
    %add3A_9 = arith.constant 0 : i32
    %add3A_10 = arith.addi %mul3A_8, %add3A_9 : i32
    %mul3A_11 = arith.constant 5000 : i32
    %mul3A_12 = arith.muli %add3A_10, %mul3A_11 : i32
    %multiple_of3A_13 = tpu.assume_multiple %mul3A_12, 8 : i32
    "tpu.region"() ({
      %run_scoped3A = tpu.sem_alloc : memref<!tpu.dma_semaphore, #tpu.memory_space<semaphore_mem>>
      %dma_start3A_171 = arith.constant 0 : i32
      %dma_start3A_172 = tpu.memref_slice %arg13[%dma_start3A_171] : memref<20032xf32, #tpu.memory_space<vmem>> -> memref<5000xf32, #tpu.memory_space<vmem>>
      %dma_start3A_173 = tpu.memref_slice %arg3[%multiple_of3A_13] : memref<640000xf32, #tpu.memory_space<hbm>> -> memref<5000xf32, #tpu.memory_space<hbm>>
      %dma_start3A_174 = arith.constant 0 : i32
      %dma_start3A_175 = tpu.memref_slice %arg13[%dma_start3A_174] : memref<20032xf32, #tpu.memory_space<vmem>> -> memref<5000xf32, #tpu.memory_space<vmem>>
      %dma_start3A_176 = tpu.memref_slice %arg3[%multiple_of3A_13] : memref<640000xf32, #tpu.memory_space<hbm>> -> memref<5000xf32, #tpu.memory_space<hbm>>
      tpu.enqueue_dma source(%dma_start3A_176 : memref<5000xf32, #tpu.memory_space<hbm>>) target(%dma_start3A_175 : memref<5000xf32, #tpu.memory_space<vmem>>) target_semaphore(%run_scoped3A : memref<!tpu.dma_semaphore, #tpu.memory_space<semaphore_mem>>)
      %dma_wait3A_177 = arith.constant 0 : i32
      %dma_wait3A_178 = tpu.memref_slice %arg13[%dma_wait3A_177] : memref<20032xf32, #tpu.memory_space<vmem>> -> memref<5000xf32, #tpu.memory_space<vmem>>
      %dma_wait3A_179 = tpu.memref_slice %arg3[%multiple_of3A_13] : memref<640000xf32, #tpu.memory_space<hbm>> -> memref<5000xf32, #tpu.memory_space<hbm>>
      %dma_wait3A_180 = arith.constant 0 : i32
      %dma_wait3A_181 = tpu.memref_slice %arg13[%dma_wait3A_180] : memref<20032xf32, #tpu.memory_space<vmem>> -> memref<5000xf32, #tpu.memory_space<vmem>>
      %dma_wait3A_182 = tpu.memref_slice %arg3[%multiple_of3A_13] : memref<640000xf32, #tpu.memory_space<hbm>> -> memref<5000xf32, #tpu.memory_space<hbm>>
      tpu.wait_dma2 semaphore(%run_scoped3A : memref<!tpu.dma_semaphore, #tpu.memory_space<semaphore_mem>>) src(%dma_wait3A_182 : memref<5000xf32, #tpu.memory_space<hbm>>) dst(%dma_wait3A_181 : memref<5000xf32, #tpu.memory_space<vmem>>)
      tpu.yield
    }) : () -> ()
    %mul3A_14 = arith.constant 4 : i32
    %mul3A_15 = arith.muli %add3A, %mul3A_14 : i32
    %add3A_16 = arith.constant 1 : i32
    %add3A_17 = arith.addi %mul3A_15, %add3A_16 : i32
    %mul3A_18 = arith.constant 5000 : i32
    %mul3A_19 = arith.muli %add3A_17, %mul3A_18 : i32
    %multiple_of3A_20 = tpu.assume_multiple %mul3A_19, 8 : i32
    "tpu.region"() ({
      %run_scoped3A = tpu.sem_alloc : memref<!tpu.dma_semaphore, #tpu.memory_space<semaphore_mem>>
      %dma_start3A_171 = arith.constant 0 : i32
      %dma_start3A_172 = tpu.memref_slice %arg10[%dma_start3A_171] : memref<5008xf32, #tpu.memory_space<vmem>> -> memref<5000xf32, #tpu.memory_space<vmem>>
      %dma_start3A_173 = tpu.memref_slice %arg2[%multiple_of3A_20] : memref<640000xf32, #tpu.memory_space<hbm>> -> memref<5000xf32, #tpu.memory_space<hbm>>
      %dma_start3A_174 = arith.constant 0 : i32
      %dma_start3A_175 = tpu.memref_slice %arg10[%dma_start3A_174] : memref<5008xf32, #tpu.memory_space<vmem>> -> memref<5000xf32, #tpu.memory_space<vmem>>
      %dma_start3A_176 = tpu.memref_slice %arg2[%multiple_of3A_20] : memref<640000xf32, #tpu.memory_space<hbm>> -> memref<5000xf32, #tpu.memory_space<hbm>>
      tpu.enqueue_dma source(%dma_start3A_176 : memref<5000xf32, #tpu.memory_space<hbm>>) target(%dma_start3A_175 : memref<5000xf32, #tpu.memory_space<vmem>>) target_semaphore(%run_scoped3A : memref<!tpu.dma_semaphore, #tpu.memory_space<semaphore_mem>>)
      %dma_wait3A_177 = arith.constant 0 : i32
      %dma_wait3A_178 = tpu.memref_slice %arg10[%dma_wait3A_177] : memref<5008xf32, #tpu.memory_space<vmem>> -> memref<5000xf32, #tpu.memory_space<vmem>>
      %dma_wait3A_179 = tpu.memref_slice %arg2[%multiple_of3A_20] : memref<640000xf32, #tpu.memory_space<hbm>> -> memref<5000xf32, #tpu.memory_space<hbm>>
      %dma_wait3A_180 = arith.constant 0 : i32
      %dma_wait3A_181 = tpu.memref_slice %arg10[%dma_wait3A_180] : memref<5008xf32, #tpu.memory_space<vmem>> -> memref<5000xf32, #tpu.memory_space<vmem>>
      %dma_wait3A_182 = tpu.memref_slice %arg2[%multiple_of3A_20] : memref<640000xf32, #tpu.memory_space<hbm>> -> memref<5000xf32, #tpu.memory_space<hbm>>
      tpu.wait_dma2 semaphore(%run_scoped3A : memref<!tpu.dma_semaphore, #tpu.memory_space<semaphore_mem>>) src(%dma_wait3A_182 : memref<5000xf32, #tpu.memory_space<hbm>>) dst(%dma_wait3A_181 : memref<5000xf32, #tpu.memory_space<vmem>>)
      tpu.yield
    }) : () -> ()
    %mul3A_21 = arith.constant 4 : i32
    %mul3A_22 = arith.muli %add3A, %mul3A_21 : i32
    %add3A_23 = arith.constant 1 : i32
    %add3A_24 = arith.addi %mul3A_22, %add3A_23 : i32
    %mul3A_25 = arith.constant 5000 : i32
    %mul3A_26 = arith.muli %add3A_24, %mul3A_25 : i32
    %multiple_of3A_27 = tpu.assume_multiple %mul3A_26, 8 : i32
    "tpu.region"() ({
      %run_scoped3A = tpu.sem_alloc : memref<!tpu.dma_semaphore, #tpu.memory_space<semaphore_mem>>
      %dma_start3A_171 = arith.constant 5008 : i32
      %dma_start3A_172 = tpu.memref_slice %arg13[%dma_start3A_171] : memref<20032xf32, #tpu.memory_space<vmem>> -> memref<5000xf32, #tpu.memory_space<vmem>>
      %dma_start3A_173 = tpu.memref_slice %arg3[%multiple_of3A_27] : memref<640000xf32, #tpu.memory_space<hbm>> -> memref<5000xf32, #tpu.memory_space<hbm>>
      %dma_start3A_174 = arith.constant 5008 : i32
      %dma_start3A_175 = tpu.memref_slice %arg13[%dma_start3A_174] : memref<20032xf32, #tpu.memory_space<vmem>> -> memref<5000xf32, #tpu.memory_space<vmem>>
      %dma_start3A_176 = tpu.memref_slice %arg3[%multiple_of3A_27] : memref<640000xf32, #tpu.memory_space<hbm>> -> memref<5000xf32, #tpu.memory_space<hbm>>
      tpu.enqueue_dma source(%dma_start3A_176 : memref<5000xf32, #tpu.memory_space<hbm>>) target(%dma_start3A_175 : memref<5000xf32, #tpu.memory_space<vmem>>) target_semaphore(%run_scoped3A : memref<!tpu.dma_semaphore, #tpu.memory_space<semaphore_mem>>)
      %dma_wait3A_177 = arith.constant 5008 : i32
      %dma_wait3A_178 = tpu.memref_slice %arg13[%dma_wait3A_177] : memref<20032xf32, #tpu.memory_space<vmem>> -> memref<5000xf32, #tpu.memory_space<vmem>>
      %dma_wait3A_179 = tpu.memref_slice %arg3[%multiple_of3A_27] : memref<640000xf32, #tpu.memory_space<hbm>> -> memref<5000xf32, #tpu.memory_space<hbm>>
      %dma_wait3A_180 = arith.constant 5008 : i32
      %dma_wait3A_181 = tpu.memref_slice %arg13[%dma_wait3A_180] : memref<20032xf32, #tpu.memory_space<vmem>> -> memref<5000xf32, #tpu.memory_space<vmem>>
      %dma_wait3A_182 = tpu.memref_slice %arg3[%multiple_of3A_27] : memref<640000xf32, #tpu.memory_space<hbm>> -> memref<5000xf32, #tpu.memory_space<hbm>>
      tpu.wait_dma2 semaphore(%run_scoped3A : memref<!tpu.dma_semaphore, #tpu.memory_space<semaphore_mem>>) src(%dma_wait3A_182 : memref<5000xf32, #tpu.memory_space<hbm>>) dst(%dma_wait3A_181 : memref<5000xf32, #tpu.memory_space<vmem>>)
      tpu.yield
    }) : () -> ()
    %mul3A_28 = arith.constant 4 : i32
    %mul3A_29 = arith.muli %add3A, %mul3A_28 : i32
    %add3A_30 = arith.constant 2 : i32
    %add3A_31 = arith.addi %mul3A_29, %add3A_30 : i32
    %mul3A_32 = arith.constant 5000 : i32
    %mul3A_33 = arith.muli %add3A_31, %mul3A_32 : i32
    %multiple_of3A_34 = tpu.assume_multiple %mul3A_33, 8 : i32
    "tpu.region"() ({
      %run_scoped3A = tpu.sem_alloc : memref<!tpu.dma_semaphore, #tpu.memory_space<semaphore_mem>>
      %dma_start3A_171 = arith.constant 0 : i32
      %dma_start3A_172 = tpu.memref_slice %arg11[%dma_start3A_171] : memref<5008xf32, #tpu.memory_space<vmem>> -> memref<5000xf32, #tpu.memory_space<vmem>>
      %dma_start3A_173 = tpu.memref_slice %arg2[%multiple_of3A_34] : memref<640000xf32, #tpu.memory_space<hbm>> -> memref<5000xf32, #tpu.memory_space<hbm>>
      %dma_start3A_174 = arith.constant 0 : i32
      %dma_start3A_175 = tpu.memref_slice %arg11[%dma_start3A_174] : memref<5008xf32, #tpu.memory_space<vmem>> -> memref<5000xf32, #tpu.memory_space<vmem>>
      %dma_start3A_176 = tpu.memref_slice %arg2[%multiple_of3A_34] : memref<640000xf32, #tpu.memory_space<hbm>> -> memref<5000xf32, #tpu.memory_space<hbm>>
      tpu.enqueue_dma source(%dma_start3A_176 : memref<5000xf32, #tpu.memory_space<hbm>>) target(%dma_start3A_175 : memref<5000xf32, #tpu.memory_space<vmem>>) target_semaphore(%run_scoped3A : memref<!tpu.dma_semaphore, #tpu.memory_space<semaphore_mem>>)
      %dma_wait3A_177 = arith.constant 0 : i32
      %dma_wait3A_178 = tpu.memref_slice %arg11[%dma_wait3A_177] : memref<5008xf32, #tpu.memory_space<vmem>> -> memref<5000xf32, #tpu.memory_space<vmem>>
      %dma_wait3A_179 = tpu.memref_slice %arg2[%multiple_of3A_34] : memref<640000xf32, #tpu.memory_space<hbm>> -> memref<5000xf32, #tpu.memory_space<hbm>>
      %dma_wait3A_180 = arith.constant 0 : i32
      %dma_wait3A_181 = tpu.memref_slice %arg11[%dma_wait3A_180] : memref<5008xf32, #tpu.memory_space<vmem>> -> memref<5000xf32, #tpu.memory_space<vmem>>
      %dma_wait3A_182 = tpu.memref_slice %arg2[%multiple_of3A_34] : memref<640000xf32, #tpu.memory_space<hbm>> -> memref<5000xf32, #tpu.memory_space<hbm>>
      tpu.wait_dma2 semaphore(%run_scoped3A : memref<!tpu.dma_semaphore, #tpu.memory_space<semaphore_mem>>) src(%dma_wait3A_182 : memref<5000xf32, #tpu.memory_space<hbm>>) dst(%dma_wait3A_181 : memref<5000xf32, #tpu.memory_space<vmem>>)
      tpu.yield
    }) : () -> ()
    %mul3A_35 = arith.constant 4 : i32
    %mul3A_36 = arith.muli %add3A, %mul3A_35 : i32
    %add3A_37 = arith.constant 2 : i32
    %add3A_38 = arith.addi %mul3A_36, %add3A_37 : i32
    %mul3A_39 = arith.constant 5000 : i32
    %mul3A_40 = arith.muli %add3A_38, %mul3A_39 : i32
    %multiple_of3A_41 = tpu.assume_multiple %mul3A_40, 8 : i32
    "tpu.region"() ({
      %run_scoped3A = tpu.sem_alloc : memref<!tpu.dma_semaphore, #tpu.memory_space<semaphore_mem>>
      %dma_start3A_171 = arith.constant 10016 : i32
      %dma_start3A_172 = tpu.memref_slice %arg13[%dma_start3A_171] : memref<20032xf32, #tpu.memory_space<vmem>> -> memref<5000xf32, #tpu.memory_space<vmem>>
      %dma_start3A_173 = tpu.memref_slice %arg3[%multiple_of3A_41] : memref<640000xf32, #tpu.memory_space<hbm>> -> memref<5000xf32, #tpu.memory_space<hbm>>
      %dma_start3A_174 = arith.constant 10016 : i32
      %dma_start3A_175 = tpu.memref_slice %arg13[%dma_start3A_174] : memref<20032xf32, #tpu.memory_space<vmem>> -> memref<5000xf32, #tpu.memory_space<vmem>>
      %dma_start3A_176 = tpu.memref_slice %arg3[%multiple_of3A_41] : memref<640000xf32, #tpu.memory_space<hbm>> -> memref<5000xf32, #tpu.memory_space<hbm>>
      tpu.enqueue_dma source(%dma_start3A_176 : memref<5000xf32, #tpu.memory_space<hbm>>) target(%dma_start3A_175 : memref<5000xf32, #tpu.memory_space<vmem>>) target_semaphore(%run_scoped3A : memref<!tpu.dma_semaphore, #tpu.memory_space<semaphore_mem>>)
      %dma_wait3A_177 = arith.constant 10016 : i32
      %dma_wait3A_178 = tpu.memref_slice %arg13[%dma_wait3A_177] : memref<20032xf32, #tpu.memory_space<vmem>> -> memref<5000xf32, #tpu.memory_space<vmem>>
      %dma_wait3A_179 = tpu.memref_slice %arg3[%multiple_of3A_41] : memref<640000xf32, #tpu.memory_space<hbm>> -> memref<5000xf32, #tpu.memory_space<hbm>>
      %dma_wait3A_180 = arith.constant 10016 : i32
      %dma_wait3A_181 = tpu.memref_slice %arg13[%dma_wait3A_180] : memref<20032xf32, #tpu.memory_space<vmem>> -> memref<5000xf32, #tpu.memory_space<vmem>>
      %dma_wait3A_182 = tpu.memref_slice %arg3[%multiple_of3A_41] : memref<640000xf32, #tpu.memory_space<hbm>> -> memref<5000xf32, #tpu.memory_space<hbm>>
      tpu.wait_dma2 semaphore(%run_scoped3A : memref<!tpu.dma_semaphore, #tpu.memory_space<semaphore_mem>>) src(%dma_wait3A_182 : memref<5000xf32, #tpu.memory_space<hbm>>) dst(%dma_wait3A_181 : memref<5000xf32, #tpu.memory_space<vmem>>)
      tpu.yield
    }) : () -> ()
    %mul3A_42 = arith.constant 4 : i32
    %mul3A_43 = arith.muli %add3A, %mul3A_42 : i32
    %add3A_44 = arith.constant 3 : i32
    %add3A_45 = arith.addi %mul3A_43, %add3A_44 : i32
    %mul3A_46 = arith.constant 5000 : i32
    %mul3A_47 = arith.muli %add3A_45, %mul3A_46 : i32
    %multiple_of3A_48 = tpu.assume_multiple %mul3A_47, 8 : i32
    "tpu.region"() ({
      %run_scoped3A = tpu.sem_alloc : memref<!tpu.dma_semaphore, #tpu.memory_space<semaphore_mem>>
      %dma_start3A_171 = arith.constant 0 : i32
      %dma_start3A_172 = tpu.memref_slice %arg12[%dma_start3A_171] : memref<5008xf32, #tpu.memory_space<vmem>> -> memref<5000xf32, #tpu.memory_space<vmem>>
      %dma_start3A_173 = tpu.memref_slice %arg2[%multiple_of3A_48] : memref<640000xf32, #tpu.memory_space<hbm>> -> memref<5000xf32, #tpu.memory_space<hbm>>
      %dma_start3A_174 = arith.constant 0 : i32
      %dma_start3A_175 = tpu.memref_slice %arg12[%dma_start3A_174] : memref<5008xf32, #tpu.memory_space<vmem>> -> memref<5000xf32, #tpu.memory_space<vmem>>
      %dma_start3A_176 = tpu.memref_slice %arg2[%multiple_of3A_48] : memref<640000xf32, #tpu.memory_space<hbm>> -> memref<5000xf32, #tpu.memory_space<hbm>>
      tpu.enqueue_dma source(%dma_start3A_176 : memref<5000xf32, #tpu.memory_space<hbm>>) target(%dma_start3A_175 : memref<5000xf32, #tpu.memory_space<vmem>>) target_semaphore(%run_scoped3A : memref<!tpu.dma_semaphore, #tpu.memory_space<semaphore_mem>>)
      %dma_wait3A_177 = arith.constant 0 : i32
      %dma_wait3A_178 = tpu.memref_slice %arg12[%dma_wait3A_177] : memref<5008xf32, #tpu.memory_space<vmem>> -> memref<5000xf32, #tpu.memory_space<vmem>>
      %dma_wait3A_179 = tpu.memref_slice %arg2[%multiple_of3A_48] : memref<640000xf32, #tpu.memory_space<hbm>> -> memref<5000xf32, #tpu.memory_space<hbm>>
      %dma_wait3A_180 = arith.constant 0 : i32
      %dma_wait3A_181 = tpu.memref_slice %arg12[%dma_wait3A_180] : memref<5008xf32, #tpu.memory_space<vmem>> -> memref<5000xf32, #tpu.memory_space<vmem>>
      %dma_wait3A_182 = tpu.memref_slice %arg2[%multiple_of3A_48] : memref<640000xf32, #tpu.memory_space<hbm>> -> memref<5000xf32, #tpu.memory_space<hbm>>
      tpu.wait_dma2 semaphore(%run_scoped3A : memref<!tpu.dma_semaphore, #tpu.memory_space<semaphore_mem>>) src(%dma_wait3A_182 : memref<5000xf32, #tpu.memory_space<hbm>>) dst(%dma_wait3A_181 : memref<5000xf32, #tpu.memory_space<vmem>>)
      tpu.yield
    }) : () -> ()
    %mul3A_49 = arith.constant 4 : i32
    %mul3A_50 = arith.muli %add3A, %mul3A_49 : i32
    %add3A_51 = arith.constant 3 : i32
    %add3A_52 = arith.addi %mul3A_50, %add3A_51 : i32
    %mul3A_53 = arith.constant 5000 : i32
    %mul3A_54 = arith.muli %add3A_52, %mul3A_53 : i32
    %multiple_of3A_55 = tpu.assume_multiple %mul3A_54, 8 : i32
    "tpu.region"() ({
      %run_scoped3A = tpu.sem_alloc : memref<!tpu.dma_semaphore, #tpu.memory_space<semaphore_mem>>
      %dma_start3A_171 = arith.constant 15024 : i32
      %dma_start3A_172 = tpu.memref_slice %arg13[%dma_start3A_171] : memref<20032xf32, #tpu.memory_space<vmem>> -> memref<5000xf32, #tpu.memory_space<vmem>>
      %dma_start3A_173 = tpu.memref_slice %arg3[%multiple_of3A_55] : memref<640000xf32, #tpu.memory_space<hbm>> -> memref<5000xf32, #tpu.memory_space<hbm>>
      %dma_start3A_174 = arith.constant 15024 : i32
      %dma_start3A_175 = tpu.memref_slice %arg13[%dma_start3A_174] : memref<20032xf32, #tpu.memory_space<vmem>> -> memref<5000xf32, #tpu.memory_space<vmem>>
      %dma_start3A_176 = tpu.memref_slice %arg3[%multiple_of3A_55] : memref<640000xf32, #tpu.memory_space<hbm>> -> memref<5000xf32, #tpu.memory_space<hbm>>
      tpu.enqueue_dma source(%dma_start3A_176 : memref<5000xf32, #tpu.memory_space<hbm>>) target(%dma_start3A_175 : memref<5000xf32, #tpu.memory_space<vmem>>) target_semaphore(%run_scoped3A : memref<!tpu.dma_semaphore, #tpu.memory_space<semaphore_mem>>)
      %dma_wait3A_177 = arith.constant 15024 : i32
      %dma_wait3A_178 = tpu.memref_slice %arg13[%dma_wait3A_177] : memref<20032xf32, #tpu.memory_space<vmem>> -> memref<5000xf32, #tpu.memory_space<vmem>>
      %dma_wait3A_179 = tpu.memref_slice %arg3[%multiple_of3A_55] : memref<640000xf32, #tpu.memory_space<hbm>> -> memref<5000xf32, #tpu.memory_space<hbm>>
      %dma_wait3A_180 = arith.constant 15024 : i32
      %dma_wait3A_181 = tpu.memref_slice %arg13[%dma_wait3A_180] : memref<20032xf32, #tpu.memory_space<vmem>> -> memref<5000xf32, #tpu.memory_space<vmem>>
      %dma_wait3A_182 = tpu.memref_slice %arg3[%multiple_of3A_55] : memref<640000xf32, #tpu.memory_space<hbm>> -> memref<5000xf32, #tpu.memory_space<hbm>>
      tpu.wait_dma2 semaphore(%run_scoped3A : memref<!tpu.dma_semaphore, #tpu.memory_space<semaphore_mem>>) src(%dma_wait3A_182 : memref<5000xf32, #tpu.memory_space<hbm>>) dst(%dma_wait3A_181 : memref<5000xf32, #tpu.memory_space<vmem>>)
      tpu.yield
    }) : () -> ()
    "tpu.region"() ({
      %run_scoped3A = tpu.sem_alloc : memref<!tpu.dma_semaphore, #tpu.memory_space<semaphore_mem>>
      tpu.enqueue_dma source(%arg5 : memref<384xf32, #tpu.memory_space<hbm>>) target(%arg18 : memref<384xf32, #tpu.memory_space<vmem>>) target_semaphore(%run_scoped3A : memref<!tpu.dma_semaphore, #tpu.memory_space<semaphore_mem>>)
      tpu.wait_dma2 semaphore(%run_scoped3A : memref<!tpu.dma_semaphore, #tpu.memory_space<semaphore_mem>>) src(%arg5 : memref<384xf32, #tpu.memory_space<hbm>>) dst(%arg18 : memref<384xf32, #tpu.memory_space<vmem>>)
      tpu.yield
    }) : () -> ()
    "tpu.region"() ({
      %run_scoped3A = tpu.sem_alloc : memref<!tpu.dma_semaphore, #tpu.memory_space<semaphore_mem>>
      tpu.enqueue_dma source(%arg6 : memref<5000xf32, #tpu.memory_space<hbm>>) target(%arg19 : memref<5000xf32, #tpu.memory_space<vmem>>) target_semaphore(%run_scoped3A : memref<!tpu.dma_semaphore, #tpu.memory_space<semaphore_mem>>)
      tpu.wait_dma2 semaphore(%run_scoped3A : memref<!tpu.dma_semaphore, #tpu.memory_space<semaphore_mem>>) src(%arg6 : memref<5000xf32, #tpu.memory_space<hbm>>) dst(%arg19 : memref<5000xf32, #tpu.memory_space<vmem>>)
      tpu.yield
    }) : () -> ()
    %mul3A_56 = arith.constant 4 : i32
    %mul3A_57 = arith.muli %add3A, %mul3A_56 : i32
    %broadcast_in_dim3A = vector.broadcast %mul3A_57 : i32 to vector<16xi32>
    %add3A_58 = arith.constant 0 : i32
    %add3A_59 = vector.broadcast %add3A_58 : i32 to vector<16xi32>
    %add3A_60 = arith.addi %broadcast_in_dim3A, %add3A_59 : vector<16xi32>
    %gather3A = tpu.vector_load_idx %arg18[%add3A_60] : memref<384xf32, #tpu.memory_space<vmem>>[vector<16xi32>], vector<16xf32>,
    %add3A_61 = arith.constant 1 : i32
    %add3A_62 = vector.broadcast %add3A_61 : i32 to vector<16xi32>
    %add3A_63 = arith.addi %broadcast_in_dim3A, %add3A_62 : vector<16xi32>
    %gather3A_64 = tpu.vector_load_idx %arg18[%add3A_63] : memref<384xf32, #tpu.memory_space<vmem>>[vector<16xi32>], vector<16xf32>,
    %add3A_65 = arith.constant 2 : i32
    %add3A_66 = vector.broadcast %add3A_65 : i32 to vector<16xi32>
    %add3A_67 = arith.addi %broadcast_in_dim3A, %add3A_66 : vector<16xi32>
    %gather3A_68 = tpu.vector_load_idx %arg18[%add3A_67] : memref<384xf32, #tpu.memory_space<vmem>>[vector<16xi32>], vector<16xf32>,
    %add3A_69 = arith.constant 3 : i32
    %add3A_70 = vector.broadcast %add3A_69 : i32 to vector<16xi32>
    %add3A_71 = arith.addi %broadcast_in_dim3A, %add3A_70 : vector<16xi32>
    %gather3A_72 = tpu.vector_load_idx %arg18[%add3A_71] : memref<384xf32, #tpu.memory_space<vmem>>[vector<16xi32>], vector<16xf32>,
    %add3A_73 = arith.constant 128 : i32
    %add3A_74 = vector.broadcast %add3A_73 : i32 to vector<16xi32>
    %add3A_75 = arith.addi %broadcast_in_dim3A, %add3A_74 : vector<16xi32>
    %gather3A_76 = tpu.vector_load_idx %arg18[%add3A_75] : memref<384xf32, #tpu.memory_space<vmem>>[vector<16xi32>], vector<16xf32>,
    %add3A_77 = arith.constant 129 : i32
    %add3A_78 = vector.broadcast %add3A_77 : i32 to vector<16xi32>
    %add3A_79 = arith.addi %broadcast_in_dim3A, %add3A_78 : vector<16xi32>
    %gather3A_80 = tpu.vector_load_idx %arg18[%add3A_79] : memref<384xf32, #tpu.memory_space<vmem>>[vector<16xi32>], vector<16xf32>,
    %add3A_81 = arith.constant 130 : i32
    %add3A_82 = vector.broadcast %add3A_81 : i32 to vector<16xi32>
    %add3A_83 = arith.addi %broadcast_in_dim3A, %add3A_82 : vector<16xi32>
    %gather3A_84 = tpu.vector_load_idx %arg18[%add3A_83] : memref<384xf32, #tpu.memory_space<vmem>>[vector<16xi32>], vector<16xf32>,
    %add3A_85 = arith.constant 131 : i32
    %add3A_86 = vector.broadcast %add3A_85 : i32 to vector<16xi32>
    %add3A_87 = arith.addi %broadcast_in_dim3A, %add3A_86 : vector<16xi32>
    %gather3A_88 = tpu.vector_load_idx %arg18[%add3A_87] : memref<384xf32, #tpu.memory_space<vmem>>[vector<16xi32>], vector<16xf32>,
    %add3A_89 = arith.constant 256 : i32
    %add3A_90 = vector.broadcast %add3A_89 : i32 to vector<16xi32>
    %add3A_91 = arith.addi %broadcast_in_dim3A, %add3A_90 : vector<16xi32>
    %gather3A_92 = tpu.vector_load_idx %arg18[%add3A_91] : memref<384xf32, #tpu.memory_space<vmem>>[vector<16xi32>], vector<16xf32>,
    %add3A_93 = arith.constant 257 : i32
    %add3A_94 = vector.broadcast %add3A_93 : i32 to vector<16xi32>
    %add3A_95 = arith.addi %broadcast_in_dim3A, %add3A_94 : vector<16xi32>
    %gather3A_96 = tpu.vector_load_idx %arg18[%add3A_95] : memref<384xf32, #tpu.memory_space<vmem>>[vector<16xi32>], vector<16xf32>,
    %add3A_97 = arith.constant 258 : i32
    %add3A_98 = vector.broadcast %add3A_97 : i32 to vector<16xi32>
    %add3A_99 = arith.addi %broadcast_in_dim3A, %add3A_98 : vector<16xi32>
    %gather3A_100 = tpu.vector_load_idx %arg18[%add3A_99] : memref<384xf32, #tpu.memory_space<vmem>>[vector<16xi32>], vector<16xf32>,
    %add3A_101 = arith.constant 259 : i32
    %add3A_102 = vector.broadcast %add3A_101 : i32 to vector<16xi32>
    %add3A_103 = arith.addi %broadcast_in_dim3A, %add3A_102 : vector<16xi32>
    %gather3A_104 = tpu.vector_load_idx %arg18[%add3A_103] : memref<384xf32, #tpu.memory_space<vmem>>[vector<16xi32>], vector<16xf32>,
    %scan3A = arith.constant 0 : i32
    %scan3A_105 = arith.constant 0 : i32
    %scan3A_106 = arith.constant 313 : i32
    %scan3A_107 = arith.addi %scan3A_105, %scan3A_106 : i32
    %scan3A_108 = arith.constant 1 : i32
    scf.for %scan3A_171 = %scan3A_105 to %scan3A_107 step %scan3A_108  : i32 {
      %mul3A_172 = arith.constant 16 : i32
      %mul3A_173 = arith.muli %scan3A_171, %mul3A_172 : i32
      %get3A = arith.index_cast %mul3A_173 : i32 to index
      %get3A_174 = tpu.vector_load %arg9[%get3A] {strides = array<i32>} : memref<5008xf32, #tpu.memory_space<vmem>>, vector<16xf32>,
      %mul3A_175 = arith.mulf %get3A_174, %gather3A : vector<16xf32>
      %mul3A_176 = arith.constant 16 : i32
      %mul3A_177 = arith.muli %scan3A_171, %mul3A_176 : i32
      %swap3A = arith.index_cast %mul3A_177 : i32 to index
      %swap3A_178 = tpu.vector_load %arg9[%swap3A] {strides = array<i32>} : memref<5008xf32, #tpu.memory_space<vmem>>, vector<16xf32>,
      tpu.vector_store %arg9[%swap3A], %mul3A_175 {strides = array<i32>} : memref<5008xf32, #tpu.memory_space<vmem>>, vector<16xf32>,
      %mul3A_179 = arith.constant 16 : i32
      %mul3A_180 = arith.muli %scan3A_171, %mul3A_179 : i32
      %get3A_181 = arith.index_cast %mul3A_180 : i32 to index
      %get3A_182 = tpu.vector_load %arg10[%get3A_181] {strides = array<i32>} : memref<5008xf32, #tpu.memory_space<vmem>>, vector<16xf32>,
      %mul3A_183 = arith.mulf %get3A_182, %gather3A_64 : vector<16xf32>
      %mul3A_184 = arith.constant 16 : i32
      %mul3A_185 = arith.muli %scan3A_171, %mul3A_184 : i32
      %swap3A_186 = arith.index_cast %mul3A_185 : i32 to index
      %swap3A_187 = tpu.vector_load %arg10[%swap3A_186] {strides = array<i32>} : memref<5008xf32, #tpu.memory_space<vmem>>, vector<16xf32>,
      tpu.vector_store %arg10[%swap3A_186], %mul3A_183 {strides = array<i32>} : memref<5008xf32, #tpu.memory_space<vmem>>, vector<16xf32>,
      %mul3A_188 = arith.constant 16 : i32
      %mul3A_189 = arith.muli %scan3A_171, %mul3A_188 : i32
      %get3A_190 = arith.index_cast %mul3A_189 : i32 to index
      %get3A_191 = tpu.vector_load %arg11[%get3A_190] {strides = array<i32>} : memref<5008xf32, #tpu.memory_space<vmem>>, vector<16xf32>,
      %mul3A_192 = arith.mulf %get3A_191, %gather3A_68 : vector<16xf32>
      %mul3A_193 = arith.constant 16 : i32
      %mul3A_194 = arith.muli %scan3A_171, %mul3A_193 : i32
      %swap3A_195 = arith.index_cast %mul3A_194 : i32 to index
      %swap3A_196 = tpu.vector_load %arg11[%swap3A_195] {strides = array<i32>} : memref<5008xf32, #tpu.memory_space<vmem>>, vector<16xf32>,
      tpu.vector_store %arg11[%swap3A_195], %mul3A_192 {strides = array<i32>} : memref<5008xf32, #tpu.memory_space<vmem>>, vector<16xf32>,
      %mul3A_197 = arith.constant 16 : i32
      %mul3A_198 = arith.muli %scan3A_171, %mul3A_197 : i32
      %get3A_199 = arith.index_cast %mul3A_198 : i32 to index
      %get3A_200 = tpu.vector_load %arg12[%get3A_199] {strides = array<i32>} : memref<5008xf32, #tpu.memory_space<vmem>>, vector<16xf32>,
      %mul3A_201 = arith.mulf %get3A_200, %gather3A_72 : vector<16xf32>
      %mul3A_202 = arith.constant 16 : i32
      %mul3A_203 = arith.muli %scan3A_171, %mul3A_202 : i32
      %swap3A_204 = arith.index_cast %mul3A_203 : i32 to index
      %swap3A_205 = tpu.vector_load %arg12[%swap3A_204] {strides = array<i32>} : memref<5008xf32, #tpu.memory_space<vmem>>, vector<16xf32>,
      tpu.vector_store %arg12[%swap3A_204], %mul3A_201 {strides = array<i32>} : memref<5008xf32, #tpu.memory_space<vmem>>, vector<16xf32>,
    }
    %scan3A_109 = arith.constant 313 : i32
    %scan3A_110 = arith.constant 0 : i32
    %scan3A_111 = arith.constant 0 : i32
    %scan3A_112 = arith.constant 313 : i32
    %scan3A_113 = arith.addi %scan3A_111, %scan3A_112 : i32
    %scan3A_114 = arith.constant 1 : i32
    scf.for %scan3A_171 = %scan3A_111 to %scan3A_113 step %scan3A_114  : i32 {
      %mul3A_172 = arith.constant 16 : i32
      %mul3A_173 = arith.muli %scan3A_171, %mul3A_172 : i32
      %add3A_174 = arith.constant 0 : i32
      %add3A_175 = arith.addi %add3A_174, %mul3A_173 : i32
      %get3A = arith.index_cast %add3A_175 : i32 to index
      %get3A_176 = tpu.vector_load %arg13[%get3A] {strides = array<i32>} : memref<20032xf32, #tpu.memory_space<vmem>>, vector<16xf32>,
      %mul3A_177 = arith.mulf %get3A_176, %gather3A : vector<16xf32>
      %add3A_178 = arith.addf %mul3A_177, %gather3A_76 : vector<16xf32>
      %mul3A_179 = arith.constant 16 : i32
      %mul3A_180 = arith.muli %scan3A_171, %mul3A_179 : i32
      %add3A_181 = arith.constant 0 : i32
      %add3A_182 = arith.addi %add3A_181, %mul3A_180 : i32
      %swap3A = arith.index_cast %add3A_182 : i32 to index
      %swap3A_183 = tpu.vector_load %arg13[%swap3A] {strides = array<i32>} : memref<20032xf32, #tpu.memory_space<vmem>>, vector<16xf32>,
      tpu.vector_store %arg13[%swap3A], %add3A_178 {strides = array<i32>} : memref<20032xf32, #tpu.memory_space<vmem>>, vector<16xf32>,
      %mul3A_184 = arith.constant 16 : i32
      %mul3A_185 = arith.muli %scan3A_171, %mul3A_184 : i32
      %add3A_186 = arith.constant 5008 : i32
      %add3A_187 = arith.addi %add3A_186, %mul3A_185 : i32
      %get3A_188 = arith.index_cast %add3A_187 : i32 to index
      %get3A_189 = tpu.vector_load %arg13[%get3A_188] {strides = array<i32>} : memref<20032xf32, #tpu.memory_space<vmem>>, vector<16xf32>,
      %mul3A_190 = arith.mulf %get3A_189, %gather3A_64 : vector<16xf32>
      %add3A_191 = arith.addf %mul3A_190, %gather3A_80 : vector<16xf32>
      %mul3A_192 = arith.constant 16 : i32
      %mul3A_193 = arith.muli %scan3A_171, %mul3A_192 : i32
      %add3A_194 = arith.constant 5008 : i32
      %add3A_195 = arith.addi %add3A_194, %mul3A_193 : i32
      %swap3A_196 = arith.index_cast %add3A_195 : i32 to index
      %swap3A_197 = tpu.vector_load %arg13[%swap3A_196] {strides = array<i32>} : memref<20032xf32, #tpu.memory_space<vmem>>, vector<16xf32>,
      tpu.vector_store %arg13[%swap3A_196], %add3A_191 {strides = array<i32>} : memref<20032xf32, #tpu.memory_space<vmem>>, vector<16xf32>,
      %mul3A_198 = arith.constant 16 : i32
      %mul3A_199 = arith.muli %scan3A_171, %mul3A_198 : i32
      %add3A_200 = arith.constant 10016 : i32
      %add3A_201 = arith.addi %add3A_200, %mul3A_199 : i32
      %get3A_202 = arith.index_cast %add3A_201 : i32 to index
      %get3A_203 = tpu.vector_load %arg13[%get3A_202] {strides = array<i32>} : memref<20032xf32, #tpu.memory_space<vmem>>, vector<16xf32>,
      %mul3A_204 = arith.mulf %get3A_203, %gather3A_68 : vector<16xf32>
      %add3A_205 = arith.addf %mul3A_204, %gather3A_84 : vector<16xf32>
      %mul3A_206 = arith.constant 16 : i32
      %mul3A_207 = arith.muli %scan3A_171, %mul3A_206 : i32
      %add3A_208 = arith.constant 10016 : i32
      %add3A_209 = arith.addi %add3A_208, %mul3A_207 : i32
      %swap3A_210 = arith.index_cast %add3A_209 : i32 to index
      %swap3A_211 = tpu.vector_load %arg13[%swap3A_210] {strides = array<i32>} : memref<20032xf32, #tpu.memory_space<vmem>>, vector<16xf32>,
      tpu.vector_store %arg13[%swap3A_210], %add3A_205 {strides = array<i32>} : memref<20032xf32, #tpu.memory_space<vmem>>, vector<16xf32>,
      %mul3A_212 = arith.constant 16 : i32
      %mul3A_213 = arith.muli %scan3A_171, %mul3A_212 : i32
      %add3A_214 = arith.constant 15024 : i32
      %add3A_215 = arith.addi %add3A_214, %mul3A_213 : i32
      %get3A_216 = arith.index_cast %add3A_215 : i32 to index
      %get3A_217 = tpu.vector_load %arg13[%get3A_216] {strides = array<i32>} : memref<20032xf32, #tpu.memory_space<vmem>>, vector<16xf32>,
      %mul3A_218 = arith.mulf %get3A_217, %gather3A_72 : vector<16xf32>
      %add3A_219 = arith.addf %mul3A_218, %gather3A_88 : vector<16xf32>
      %mul3A_220 = arith.constant 16 : i32
      %mul3A_221 = arith.muli %scan3A_171, %mul3A_220 : i32
      %add3A_222 = arith.constant 15024 : i32
      %add3A_223 = arith.addi %add3A_222, %mul3A_221 : i32
      %swap3A_224 = arith.index_cast %add3A_223 : i32 to index
      %swap3A_225 = tpu.vector_load %arg13[%swap3A_224] {strides = array<i32>} : memref<20032xf32, #tpu.memory_space<vmem>>, vector<16xf32>,
      tpu.vector_store %arg13[%swap3A_224], %add3A_219 {strides = array<i32>} : memref<20032xf32, #tpu.memory_space<vmem>>, vector<16xf32>,
    }
    %scan3A_115 = arith.constant 313 : i32
    %dma_start3A = arith.constant 0 : i32
    %dma_start3A_116 = tpu.memref_slice %arg4[%dma_start3A] : memref<320000xi32, #tpu.memory_space<hbm>> -> memref<6400xi32, #tpu.memory_space<hbm>>
    %dma_start3A_117 = arith.constant 0 : i32
    %dma_start3A_118 = tpu.memref_slice %arg4[%dma_start3A_117] : memref<320000xi32, #tpu.memory_space<hbm>> -> memref<6400xi32, #tpu.memory_space<hbm>>
    tpu.enqueue_dma source(%dma_start3A_118 : memref<6400xi32, #tpu.memory_space<hbm>>) target(%arg14 : memref<6400xi32, #tpu.memory_space<vmem>>) target_semaphore(%arg22 : memref<!tpu.dma_semaphore, #tpu.memory_space<semaphore_mem>>)
    %scan3A_119 = arith.constant 0 : i32
    %scan3A_120 = arith.constant 0 : i32
    %scan3A_121 = arith.constant 25 : i32
    %scan3A_122 = arith.addi %scan3A_120, %scan3A_121 : i32
    %scan3A_123 = arith.constant 1 : i32
    scf.for %scan3A_171 = %scan3A_120 to %scan3A_122 step %scan3A_123  : i32 {
      %mul3A_172 = arith.constant 2 : i32
      %mul3A_173 = arith.muli %mul3A_172, %scan3A_171 : i32
      %mul3A_174 = arith.constant 2 : i32
      %mul3A_175 = arith.muli %mul3A_174, %scan3A_171 : i32
      %add3A_176 = arith.constant 1 : i32
      %add3A_177 = arith.addi %mul3A_175, %add3A_176 : i32
      %mul3A_178 = arith.constant 6400 : i32
      %mul3A_179 = arith.muli %mul3A_173, %mul3A_178 : i32
      "tpu.region"() ({
        %run_scoped3A = tpu.sem_alloc : memref<!tpu.dma_semaphore, #tpu.memory_space<semaphore_mem>>
        %dma_start3A_219 = tpu.memref_slice %arg4[%mul3A_179] : memref<320000xi32, #tpu.memory_space<hbm>> -> memref<6400xi32, #tpu.memory_space<hbm>>
        %dma_start3A_220 = tpu.memref_slice %arg4[%mul3A_179] : memref<320000xi32, #tpu.memory_space<hbm>> -> memref<6400xi32, #tpu.memory_space<hbm>>
        tpu.enqueue_dma source(%dma_start3A_220 : memref<6400xi32, #tpu.memory_space<hbm>>) target(%arg14 : memref<6400xi32, #tpu.memory_space<vmem>>) target_semaphore(%run_scoped3A : memref<!tpu.dma_semaphore, #tpu.memory_space<semaphore_mem>>)
        %dma_wait3A_221 = tpu.memref_slice %arg4[%mul3A_179] : memref<320000xi32, #tpu.memory_space<hbm>> -> memref<6400xi32, #tpu.memory_space<hbm>>
        %dma_wait3A_222 = tpu.memref_slice %arg4[%mul3A_179] : memref<320000xi32, #tpu.memory_space<hbm>> -> memref<6400xi32, #tpu.memory_space<hbm>>
        tpu.wait_dma2 semaphore(%run_scoped3A : memref<!tpu.dma_semaphore, #tpu.memory_space<semaphore_mem>>) src(%dma_wait3A_222 : memref<6400xi32, #tpu.memory_space<hbm>>) dst(%arg14 : memref<6400xi32, #tpu.memory_space<vmem>>)
        tpu.yield
      }) : () -> ()
      %gt3A = arith.constant 0 : i32
      %gt3A_180 = arith.cmpi sgt, %scan3A_171, %gt3A : i32
      %convert_element_type3A = arith.extui %gt3A_180 : i1 to i32
      %cond3A = arith.constant 0 : i32
      %cond3A_181 = arith.cmpi ne, %convert_element_type3A, %cond3A : i32
      scf.if %cond3A_181 {
        %sub3A = arith.constant 2 : i32
        %sub3A_219 = arith.subi %mul3A_173, %sub3A : i32
        %mul3A_220 = arith.constant 320000 : i32
        %mul3A_221 = arith.muli %add3A, %mul3A_220 : i32
        %mul3A_222 = arith.constant 6400 : i32
        %mul3A_223 = arith.muli %sub3A_219, %mul3A_222 : i32
        %add3A_224 = arith.addi %mul3A_221, %mul3A_223 : i32
        %multiple_of3A_225 = tpu.assume_multiple %add3A_224, 8 : i32
        %dma_wait3A_226 = tpu.memref_slice %arg7[%multiple_of3A_225] : memref<10240000xf32, #tpu.memory_space<hbm>> -> memref<6400xf32, #tpu.memory_space<hbm>>
        %dma_wait3A_227 = tpu.memref_slice %arg7[%multiple_of3A_225] : memref<10240000xf32, #tpu.memory_space<hbm>> -> memref<6400xf32, #tpu.memory_space<hbm>>
        tpu.wait_dma2 semaphore(%arg24 : memref<!tpu.dma_semaphore, #tpu.memory_space<semaphore_mem>>) src(%arg16 : memref<6400xf32, #tpu.memory_space<vmem>>) dst(%dma_wait3A_227 : memref<6400xf32, #tpu.memory_space<hbm>>)
      } else {
      }
      %scan3A_182 = arith.constant 0 : i32
      %scan3A_183 = arith.constant 0 : i32
      %scan3A_184 = arith.constant 100 : i32
      %scan3A_185 = arith.addi %scan3A_183, %scan3A_184 : i32
      %scan3A_186 = arith.constant 1 : i32
      %scan3A_187 = scf.for %scan3A_219 = %scan3A_183 to %scan3A_185 step %scan3A_186 iter_args(%scan3A_220 = %scan3A_182) -> (i32)  : i32 {
        %mul3A_221 = arith.constant 100 : i32
        %mul3A_222 = arith.muli %mul3A_173, %mul3A_221 : i32
        %add3A_223 = arith.addi %mul3A_222, %scan3A_219 : i32
        %broadcast_in_dim3A_224 = vector.broadcast %add3A_223 : i32 to vector<16xi32>
        %mul3A_225 = arith.constant 64 : i32
        %mul3A_226 = arith.muli %scan3A_219, %mul3A_225 : i32
        %add3A_227 = arith.constant 0 : i32
        %add3A_228 = arith.addi %mul3A_226, %add3A_227 : i32
        %get3A = arith.index_cast %add3A_228 : i32 to index
        %get3A_229 = tpu.vector_load %arg14[%get3A] {strides = array<i32>} : memref<6400xi32, #tpu.memory_space<vmem>>, vector<16xi32>,
        %mul3A_230 = arith.constant 64 : i32
        %mul3A_231 = arith.muli %scan3A_219, %mul3A_230 : i32
        %add3A_232 = arith.constant 16 : i32
        %add3A_233 = arith.addi %mul3A_231, %add3A_232 : i32
        %get3A_234 = arith.index_cast %add3A_233 : i32 to index
        %get3A_235 = tpu.vector_load %arg14[%get3A_234] {strides = array<i32>} : memref<6400xi32, #tpu.memory_space<vmem>>, vector<16xi32>,
        %mul3A_236 = arith.constant 64 : i32
        %mul3A_237 = arith.muli %scan3A_219, %mul3A_236 : i32
        %add3A_238 = arith.constant 32 : i32
        %add3A_239 = arith.addi %mul3A_237, %add3A_238 : i32
        %get3A_240 = arith.index_cast %add3A_239 : i32 to index
        %get3A_241 = tpu.vector_load %arg14[%get3A_240] {strides = array<i32>} : memref<6400xi32, #tpu.memory_space<vmem>>, vector<16xi32>,
        %mul3A_242 = arith.constant 64 : i32
        %mul3A_243 = arith.muli %scan3A_219, %mul3A_242 : i32
        %add3A_244 = arith.constant 48 : i32
        %add3A_245 = arith.addi %mul3A_243, %add3A_244 : i32
        %get3A_246 = arith.index_cast %add3A_245 : i32 to index
        %get3A_247 = tpu.vector_load %arg14[%get3A_246] {strides = array<i32>} : memref<6400xi32, #tpu.memory_space<vmem>>, vector<16xi32>,
        %gather3A_248 = tpu.vector_load_idx %arg9[%get3A_229] : memref<5008xf32, #tpu.memory_space<vmem>>[vector<16xi32>], vector<16xf32>,
        %gather3A_249 = tpu.vector_load_idx %arg10[%get3A_229] : memref<5008xf32, #tpu.memory_space<vmem>>[vector<16xi32>], vector<16xf32>,
        %gather3A_250 = tpu.vector_load_idx %arg11[%get3A_229] : memref<5008xf32, #tpu.memory_space<vmem>>[vector<16xi32>], vector<16xf32>,
        %gather3A_251 = tpu.vector_load_idx %arg12[%get3A_229] : memref<5008xf32, #tpu.memory_space<vmem>>[vector<16xi32>], vector<16xf32>,
        %gather3A_252 = tpu.vector_load_idx %arg9[%get3A_235] : memref<5008xf32, #tpu.memory_space<vmem>>[vector<16xi32>], vector<16xf32>,
        %gather3A_253 = tpu.vector_load_idx %arg10[%get3A_235] : memref<5008xf32, #tpu.memory_space<vmem>>[vector<16xi32>], vector<16xf32>,
        %gather3A_254 = tpu.vector_load_idx %arg11[%get3A_235] : memref<5008xf32, #tpu.memory_space<vmem>>[vector<16xi32>], vector<16xf32>,
        %gather3A_255 = tpu.vector_load_idx %arg12[%get3A_235] : memref<5008xf32, #tpu.memory_space<vmem>>[vector<16xi32>], vector<16xf32>,
        %gather3A_256 = tpu.vector_load_idx %arg9[%get3A_241] : memref<5008xf32, #tpu.memory_space<vmem>>[vector<16xi32>], vector<16xf32>,
        %gather3A_257 = tpu.vector_load_idx %arg10[%get3A_241] : memref<5008xf32, #tpu.memory_space<vmem>>[vector<16xi32>], vector<16xf32>,
        %gather3A_258 = tpu.vector_load_idx %arg11[%get3A_241] : memref<5008xf32, #tpu.memory_space<vmem>>[vector<16xi32>], vector<16xf32>,
        %gather3A_259 = tpu.vector_load_idx %arg12[%get3A_241] : memref<5008xf32, #tpu.memory_space<vmem>>[vector<16xi32>], vector<16xf32>,
        %gather3A_260 = tpu.vector_load_idx %arg9[%get3A_247] : memref<5008xf32, #tpu.memory_space<vmem>>[vector<16xi32>], vector<16xf32>,
        %gather3A_261 = tpu.vector_load_idx %arg10[%get3A_247] : memref<5008xf32, #tpu.memory_space<vmem>>[vector<16xi32>], vector<16xf32>,
        %gather3A_262 = tpu.vector_load_idx %arg11[%get3A_247] : memref<5008xf32, #tpu.memory_space<vmem>>[vector<16xi32>], vector<16xf32>,
        %gather3A_263 = tpu.vector_load_idx %arg12[%get3A_247] : memref<5008xf32, #tpu.memory_space<vmem>>[vector<16xi32>], vector<16xf32>,
        %add3A_264 = arith.constant 0 : i32
        %add3A_265 = vector.broadcast %add3A_264 : i32 to vector<16xi32>
        %add3A_266 = arith.addi %broadcast_in_dim3A_224, %add3A_265 : vector<16xi32>
        %gather3A_267 = tpu.vector_load_idx %arg13[%add3A_266] : memref<20032xf32, #tpu.memory_space<vmem>>[vector<16xi32>], vector<16xf32>,
        %add3A_268 = arith.constant 5008 : i32
        %add3A_269 = vector.broadcast %add3A_268 : i32 to vector<16xi32>
        %add3A_270 = arith.addi %broadcast_in_dim3A_224, %add3A_269 : vector<16xi32>
        %gather3A_271 = tpu.vector_load_idx %arg13[%add3A_270] : memref<20032xf32, #tpu.memory_space<vmem>>[vector<16xi32>], vector<16xf32>,
        %add3A_272 = arith.constant 10016 : i32
        %add3A_273 = vector.broadcast %add3A_272 : i32 to vector<16xi32>
        %add3A_274 = arith.addi %broadcast_in_dim3A_224, %add3A_273 : vector<16xi32>
        %gather3A_275 = tpu.vector_load_idx %arg13[%add3A_274] : memref<20032xf32, #tpu.memory_space<vmem>>[vector<16xi32>], vector<16xf32>,
        %add3A_276 = arith.constant 15024 : i32
        %add3A_277 = vector.broadcast %add3A_276 : i32 to vector<16xi32>
        %add3A_278 = arith.addi %broadcast_in_dim3A_224, %add3A_277 : vector<16xi32>
        %gather3A_279 = tpu.vector_load_idx %arg13[%add3A_278] : memref<20032xf32, #tpu.memory_space<vmem>>[vector<16xi32>], vector<16xf32>,
        %add3A_280 = arith.addf %gather3A_248, %gather3A_267 : vector<16xf32>
        %mul3A_281 = arith.constant 0.00999999977 : f32
        %mul3A_282 = vector.broadcast %mul3A_281 : f32 to vector<16xf32>
        %mul3A_283 = arith.mulf %add3A_280, %mul3A_282 : vector<16xf32>
        %max3A = arith.maximumf %add3A_280, %mul3A_283 : vector<16xf32>
        %mul3A_284 = arith.mulf %max3A, %gather3A_92 : vector<16xf32>
        %add3A_285 = arith.addf %gather3A_249, %gather3A_271 : vector<16xf32>
        %mul3A_286 = arith.constant 0.00999999977 : f32
        %mul3A_287 = vector.broadcast %mul3A_286 : f32 to vector<16xf32>
        %mul3A_288 = arith.mulf %add3A_285, %mul3A_287 : vector<16xf32>
        %max3A_289 = arith.maximumf %add3A_285, %mul3A_288 : vector<16xf32>
        %mul3A_290 = arith.mulf %max3A_289, %gather3A_96 : vector<16xf32>
        %add3A_291 = arith.addf %gather3A_250, %gather3A_275 : vector<16xf32>
        %mul3A_292 = arith.constant 0.00999999977 : f32
        %mul3A_293 = vector.broadcast %mul3A_292 : f32 to vector<16xf32>
        %mul3A_294 = arith.mulf %add3A_291, %mul3A_293 : vector<16xf32>
        %max3A_295 = arith.maximumf %add3A_291, %mul3A_294 : vector<16xf32>
        %mul3A_296 = arith.mulf %max3A_295, %gather3A_100 : vector<16xf32>
        %add3A_297 = arith.addf %mul3A_284, %mul3A_296 : vector<16xf32>
        %add3A_298 = arith.addf %gather3A_251, %gather3A_279 : vector<16xf32>
        %mul3A_299 = arith.constant 0.00999999977 : f32
        %mul3A_300 = vector.broadcast %mul3A_299 : f32 to vector<16xf32>
        %mul3A_301 = arith.mulf %add3A_298, %mul3A_300 : vector<16xf32>
        %max3A_302 = arith.maximumf %add3A_298, %mul3A_301 : vector<16xf32>
        %mul3A_303 = arith.mulf %max3A_302, %gather3A_104 : vector<16xf32>
        %add3A_304 = arith.addf %mul3A_290, %mul3A_303 : vector<16xf32>
        %add3A_305 = arith.addf %add3A_297, %add3A_304 : vector<16xf32>
        %mul3A_306 = arith.constant 64 : i32
        %mul3A_307 = arith.muli %scan3A_219, %mul3A_306 : i32
        %add3A_308 = arith.constant 0 : i32
        %add3A_309 = arith.addi %mul3A_307, %add3A_308 : i32
        %swap3A = arith.index_cast %add3A_309 : i32 to index
        %swap3A_310 = tpu.vector_load %arg16[%swap3A] {strides = array<i32>} : memref<6400xf32, #tpu.memory_space<vmem>>, vector<16xf32>,
        tpu.vector_store %arg16[%swap3A], %add3A_305 {strides = array<i32>} : memref<6400xf32, #tpu.memory_space<vmem>>, vector<16xf32>,
        %add3A_311 = arith.addf %gather3A_252, %gather3A_267 : vector<16xf32>
        %mul3A_312 = arith.constant 0.00999999977 : f32
        %mul3A_313 = vector.broadcast %mul3A_312 : f32 to vector<16xf32>
        %mul3A_314 = arith.mulf %add3A_311, %mul3A_313 : vector<16xf32>
        %max3A_315 = arith.maximumf %add3A_311, %mul3A_314 : vector<16xf32>
        %mul3A_316 = arith.mulf %max3A_315, %gather3A_92 : vector<16xf32>
        %add3A_317 = arith.addf %gather3A_253, %gather3A_271 : vector<16xf32>
        %mul3A_318 = arith.constant 0.00999999977 : f32
        %mul3A_319 = vector.broadcast %mul3A_318 : f32 to vector<16xf32>
        %mul3A_320 = arith.mulf %add3A_317, %mul3A_319 : vector<16xf32>
        %max3A_321 = arith.maximumf %add3A_317, %mul3A_320 : vector<16xf32>
        %mul3A_322 = arith.mulf %max3A_321, %gather3A_96 : vector<16xf32>
        %add3A_323 = arith.addf %gather3A_254, %gather3A_275 : vector<16xf32>
        %mul3A_324 = arith.constant 0.00999999977 : f32
        %mul3A_325 = vector.broadcast %mul3A_324 : f32 to vector<16xf32>
        %mul3A_326 = arith.mulf %add3A_323, %mul3A_325 : vector<16xf32>
        %max3A_327 = arith.maximumf %add3A_323, %mul3A_326 : vector<16xf32>
        %mul3A_328 = arith.mulf %max3A_327, %gather3A_100 : vector<16xf32>
        %add3A_329 = arith.addf %mul3A_316, %mul3A_328 : vector<16xf32>
        %add3A_330 = arith.addf %gather3A_255, %gather3A_279 : vector<16xf32>
        %mul3A_331 = arith.constant 0.00999999977 : f32
        %mul3A_332 = vector.broadcast %mul3A_331 : f32 to vector<16xf32>
        %mul3A_333 = arith.mulf %add3A_330, %mul3A_332 : vector<16xf32>
        %max3A_334 = arith.maximumf %add3A_330, %mul3A_333 : vector<16xf32>
        %mul3A_335 = arith.mulf %max3A_334, %gather3A_104 : vector<16xf32>
        %add3A_336 = arith.addf %mul3A_322, %mul3A_335 : vector<16xf32>
        %add3A_337 = arith.addf %add3A_329, %add3A_336 : vector<16xf32>
        %mul3A_338 = arith.constant 64 : i32
        %mul3A_339 = arith.muli %scan3A_219, %mul3A_338 : i32
        %add3A_340 = arith.constant 16 : i32
        %add3A_341 = arith.addi %mul3A_339, %add3A_340 : i32
        %swap3A_342 = arith.index_cast %add3A_341 : i32 to index
        %swap3A_343 = tpu.vector_load %arg16[%swap3A_342] {strides = array<i32>} : memref<6400xf32, #tpu.memory_space<vmem>>, vector<16xf32>,
        tpu.vector_store %arg16[%swap3A_342], %add3A_337 {strides = array<i32>} : memref<6400xf32, #tpu.memory_space<vmem>>, vector<16xf32>,
        %add3A_344 = arith.addf %gather3A_256, %gather3A_267 : vector<16xf32>
        %mul3A_345 = arith.constant 0.00999999977 : f32
        %mul3A_346 = vector.broadcast %mul3A_345 : f32 to vector<16xf32>
        %mul3A_347 = arith.mulf %add3A_344, %mul3A_346 : vector<16xf32>
        %max3A_348 = arith.maximumf %add3A_344, %mul3A_347 : vector<16xf32>
        %mul3A_349 = arith.mulf %max3A_348, %gather3A_92 : vector<16xf32>
        %add3A_350 = arith.addf %gather3A_257, %gather3A_271 : vector<16xf32>
        %mul3A_351 = arith.constant 0.00999999977 : f32
        %mul3A_352 = vector.broadcast %mul3A_351 : f32 to vector<16xf32>
        %mul3A_353 = arith.mulf %add3A_350, %mul3A_352 : vector<16xf32>
        %max3A_354 = arith.maximumf %add3A_350, %mul3A_353 : vector<16xf32>
        %mul3A_355 = arith.mulf %max3A_354, %gather3A_96 : vector<16xf32>
        %add3A_356 = arith.addf %gather3A_258, %gather3A_275 : vector<16xf32>
        %mul3A_357 = arith.constant 0.00999999977 : f32
        %mul3A_358 = vector.broadcast %mul3A_357 : f32 to vector<16xf32>
        %mul3A_359 = arith.mulf %add3A_356, %mul3A_358 : vector<16xf32>
        %max3A_360 = arith.maximumf %add3A_356, %mul3A_359 : vector<16xf32>
        %mul3A_361 = arith.mulf %max3A_360, %gather3A_100 : vector<16xf32>
        %add3A_362 = arith.addf %mul3A_349, %mul3A_361 : vector<16xf32>
        %add3A_363 = arith.addf %gather3A_259, %gather3A_279 : vector<16xf32>
        %mul3A_364 = arith.constant 0.00999999977 : f32
        %mul3A_365 = vector.broadcast %mul3A_364 : f32 to vector<16xf32>
        %mul3A_366 = arith.mulf %add3A_363, %mul3A_365 : vector<16xf32>
        %max3A_367 = arith.maximumf %add3A_363, %mul3A_366 : vector<16xf32>
        %mul3A_368 = arith.mulf %max3A_367, %gather3A_104 : vector<16xf32>
        %add3A_369 = arith.addf %mul3A_355, %mul3A_368 : vector<16xf32>
        %add3A_370 = arith.addf %add3A_362, %add3A_369 : vector<16xf32>
        %mul3A_371 = arith.constant 64 : i32
        %mul3A_372 = arith.muli %scan3A_219, %mul3A_371 : i32
        %add3A_373 = arith.constant 32 : i32
        %add3A_374 = arith.addi %mul3A_372, %add3A_373 : i32
        %swap3A_375 = arith.index_cast %add3A_374 : i32 to index
        %swap3A_376 = tpu.vector_load %arg16[%swap3A_375] {strides = array<i32>} : memref<6400xf32, #tpu.memory_space<vmem>>, vector<16xf32>,
        tpu.vector_store %arg16[%swap3A_375], %add3A_370 {strides = array<i32>} : memref<6400xf32, #tpu.memory_space<vmem>>, vector<16xf32>,
        %add3A_377 = arith.addf %gather3A_260, %gather3A_267 : vector<16xf32>
        %mul3A_378 = arith.constant 0.00999999977 : f32
        %mul3A_379 = vector.broadcast %mul3A_378 : f32 to vector<16xf32>
        %mul3A_380 = arith.mulf %add3A_377, %mul3A_379 : vector<16xf32>
        %max3A_381 = arith.maximumf %add3A_377, %mul3A_380 : vector<16xf32>
        %mul3A_382 = arith.mulf %max3A_381, %gather3A_92 : vector<16xf32>
        %add3A_383 = arith.addf %gather3A_261, %gather3A_271 : vector<16xf32>
        %mul3A_384 = arith.constant 0.00999999977 : f32
        %mul3A_385 = vector.broadcast %mul3A_384 : f32 to vector<16xf32>
        %mul3A_386 = arith.mulf %add3A_383, %mul3A_385 : vector<16xf32>
        %max3A_387 = arith.maximumf %add3A_383, %mul3A_386 : vector<16xf32>
        %mul3A_388 = arith.mulf %max3A_387, %gather3A_96 : vector<16xf32>
        %add3A_389 = arith.addf %gather3A_262, %gather3A_275 : vector<16xf32>
        %mul3A_390 = arith.constant 0.00999999977 : f32
        %mul3A_391 = vector.broadcast %mul3A_390 : f32 to vector<16xf32>
        %mul3A_392 = arith.mulf %add3A_389, %mul3A_391 : vector<16xf32>
        %max3A_393 = arith.maximumf %add3A_389, %mul3A_392 : vector<16xf32>
        %mul3A_394 = arith.mulf %max3A_393, %gather3A_100 : vector<16xf32>
        %add3A_395 = arith.addf %mul3A_382, %mul3A_394 : vector<16xf32>
        %add3A_396 = arith.addf %gather3A_263, %gather3A_279 : vector<16xf32>
        %mul3A_397 = arith.constant 0.00999999977 : f32
        %mul3A_398 = vector.broadcast %mul3A_397 : f32 to vector<16xf32>
        %mul3A_399 = arith.mulf %add3A_396, %mul3A_398 : vector<16xf32>
        %max3A_400 = arith.maximumf %add3A_396, %mul3A_399 : vector<16xf32>
        %mul3A_401 = arith.mulf %max3A_400, %gather3A_104 : vector<16xf32>
        %add3A_402 = arith.addf %mul3A_388, %mul3A_401 : vector<16xf32>
        %add3A_403 = arith.addf %add3A_395, %add3A_402 : vector<16xf32>
        %mul3A_404 = arith.constant 64 : i32
        %mul3A_405 = arith.muli %scan3A_219, %mul3A_404 : i32
        %add3A_406 = arith.constant 48 : i32
        %add3A_407 = arith.addi %mul3A_405, %add3A_406 : i32
        %swap3A_408 = arith.index_cast %add3A_407 : i32 to index
        %swap3A_409 = tpu.vector_load %arg16[%swap3A_408] {strides = array<i32>} : memref<6400xf32, #tpu.memory_space<vmem>>, vector<16xf32>,
        tpu.vector_store %arg16[%swap3A_408], %add3A_403 {strides = array<i32>} : memref<6400xf32, #tpu.memory_space<vmem>>, vector<16xf32>,
        %scan3A_410 = arith.constant 0 : i32
        scf.yield %scan3A_410 : i32
      }
      %scan3A_188 = arith.constant 100 : i32
      %mul3A_189 = arith.constant 320000 : i32
      %mul3A_190 = arith.muli %add3A, %mul3A_189 : i32
      %mul3A_191 = arith.constant 6400 : i32
      %mul3A_192 = arith.muli %mul3A_173, %mul3A_191 : i32
      %add3A_193 = arith.addi %mul3A_190, %mul3A_192 : i32
      %multiple_of3A_194 = tpu.assume_multiple %add3A_193, 8 : i32
      %dma_start3A_195 = tpu.memref_slice %arg7[%multiple_of3A_194] : memref<10240000xf32, #tpu.memory_space<hbm>> -> memref<6400xf32, #tpu.memory_space<hbm>>
      %dma_start3A_196 = tpu.memref_slice %arg7[%multiple_of3A_194] : memref<10240000xf32, #tpu.memory_space<hbm>> -> memref<6400xf32, #tpu.memory_space<hbm>>
      tpu.enqueue_dma source(%arg16 : memref<6400xf32, #tpu.memory_space<vmem>>) target(%dma_start3A_196 : memref<6400xf32, #tpu.memory_space<hbm>>) target_semaphore(%arg24 : memref<!tpu.dma_semaphore, #tpu.memory_space<semaphore_mem>>)
      %mul3A_197 = arith.constant 6400 : i32
      %mul3A_198 = arith.muli %add3A_177, %mul3A_197 : i32
      "tpu.region"() ({
        %run_scoped3A = tpu.sem_alloc : memref<!tpu.dma_semaphore, #tpu.memory_space<semaphore_mem>>
        %dma_start3A_219 = tpu.memref_slice %arg4[%mul3A_198] : memref<320000xi32, #tpu.memory_space<hbm>> -> memref<6400xi32, #tpu.memory_space<hbm>>
        %dma_start3A_220 = tpu.memref_slice %arg4[%mul3A_198] : memref<320000xi32, #tpu.memory_space<hbm>> -> memref<6400xi32, #tpu.memory_space<hbm>>
        tpu.enqueue_dma source(%dma_start3A_220 : memref<6400xi32, #tpu.memory_space<hbm>>) target(%arg15 : memref<6400xi32, #tpu.memory_space<vmem>>) target_semaphore(%run_scoped3A : memref<!tpu.dma_semaphore, #tpu.memory_space<semaphore_mem>>)
        %dma_wait3A_221 = tpu.memref_slice %arg4[%mul3A_198] : memref<320000xi32, #tpu.memory_space<hbm>> -> memref<6400xi32, #tpu.memory_space<hbm>>
        %dma_wait3A_222 = tpu.memref_slice %arg4[%mul3A_198] : memref<320000xi32, #tpu.memory_space<hbm>> -> memref<6400xi32, #tpu.memory_space<hbm>>
        tpu.wait_dma2 semaphore(%run_scoped3A : memref<!tpu.dma_semaphore, #tpu.memory_space<semaphore_mem>>) src(%dma_wait3A_222 : memref<6400xi32, #tpu.memory_space<hbm>>) dst(%arg15 : memref<6400xi32, #tpu.memory_space<vmem>>)
        tpu.yield
      }) : () -> ()
      %gt3A_199 = arith.constant 0 : i32
      %gt3A_200 = arith.cmpi sgt, %scan3A_171, %gt3A_199 : i32
      %convert_element_type3A_201 = arith.extui %gt3A_200 : i1 to i32
      %cond3A_202 = arith.constant 0 : i32
      %cond3A_203 = arith.cmpi ne, %convert_element_type3A_201, %cond3A_202 : i32
      scf.if %cond3A_203 {
        %sub3A = arith.constant 2 : i32
        %sub3A_219 = arith.subi %add3A_177, %sub3A : i32
        %mul3A_220 = arith.constant 320000 : i32
        %mul3A_221 = arith.muli %add3A, %mul3A_220 : i32
        %mul3A_222 = arith.constant 6400 : i32
        %mul3A_223 = arith.muli %sub3A_219, %mul3A_222 : i32
        %add3A_224 = arith.addi %mul3A_221, %mul3A_223 : i32
        %multiple_of3A_225 = tpu.assume_multiple %add3A_224, 8 : i32
        %dma_wait3A_226 = tpu.memref_slice %arg7[%multiple_of3A_225] : memref<10240000xf32, #tpu.memory_space<hbm>> -> memref<6400xf32, #tpu.memory_space<hbm>>
        %dma_wait3A_227 = tpu.memref_slice %arg7[%multiple_of3A_225] : memref<10240000xf32, #tpu.memory_space<hbm>> -> memref<6400xf32, #tpu.memory_space<hbm>>
        tpu.wait_dma2 semaphore(%arg25 : memref<!tpu.dma_semaphore, #tpu.memory_space<semaphore_mem>>) src(%arg17 : memref<6400xf32, #tpu.memory_space<vmem>>) dst(%dma_wait3A_227 : memref<6400xf32, #tpu.memory_space<hbm>>)
      } else {
      }
      %scan3A_204 = arith.constant 0 : i32
      %scan3A_205 = arith.constant 0 : i32
      %scan3A_206 = arith.constant 100 : i32
      %scan3A_207 = arith.addi %scan3A_205, %scan3A_206 : i32
      %scan3A_208 = arith.constant 1 : i32
      %scan3A_209 = scf.for %scan3A_219 = %scan3A_205 to %scan3A_207 step %scan3A_208 iter_args(%scan3A_220 = %scan3A_204) -> (i32)  : i32 {
        %mul3A_221 = arith.constant 100 : i32
        %mul3A_222 = arith.muli %add3A_177, %mul3A_221 : i32
        %add3A_223 = arith.addi %mul3A_222, %scan3A_219 : i32
        %broadcast_in_dim3A_224 = vector.broadcast %add3A_223 : i32 to vector<16xi32>
        %mul3A_225 = arith.constant 64 : i32
        %mul3A_226 = arith.muli %scan3A_219, %mul3A_225 : i32
        %add3A_227 = arith.constant 0 : i32
        %add3A_228 = arith.addi %mul3A_226, %add3A_227 : i32
        %get3A = arith.index_cast %add3A_228 : i32 to index
        %get3A_229 = tpu.vector_load %arg15[%get3A] {strides = array<i32>} : memref<6400xi32, #tpu.memory_space<vmem>>, vector<16xi32>,
        %mul3A_230 = arith.constant 64 : i32
        %mul3A_231 = arith.muli %scan3A_219, %mul3A_230 : i32
        %add3A_232 = arith.constant 16 : i32
        %add3A_233 = arith.addi %mul3A_231, %add3A_232 : i32
        %get3A_234 = arith.index_cast %add3A_233 : i32 to index
        %get3A_235 = tpu.vector_load %arg15[%get3A_234] {strides = array<i32>} : memref<6400xi32, #tpu.memory_space<vmem>>, vector<16xi32>,
        %mul3A_236 = arith.constant 64 : i32
        %mul3A_237 = arith.muli %scan3A_219, %mul3A_236 : i32
        %add3A_238 = arith.constant 32 : i32
        %add3A_239 = arith.addi %mul3A_237, %add3A_238 : i32
        %get3A_240 = arith.index_cast %add3A_239 : i32 to index
        %get3A_241 = tpu.vector_load %arg15[%get3A_240] {strides = array<i32>} : memref<6400xi32, #tpu.memory_space<vmem>>, vector<16xi32>,
        %mul3A_242 = arith.constant 64 : i32
        %mul3A_243 = arith.muli %scan3A_219, %mul3A_242 : i32
        %add3A_244 = arith.constant 48 : i32
        %add3A_245 = arith.addi %mul3A_243, %add3A_244 : i32
        %get3A_246 = arith.index_cast %add3A_245 : i32 to index
        %get3A_247 = tpu.vector_load %arg15[%get3A_246] {strides = array<i32>} : memref<6400xi32, #tpu.memory_space<vmem>>, vector<16xi32>,
        %gather3A_248 = tpu.vector_load_idx %arg9[%get3A_229] : memref<5008xf32, #tpu.memory_space<vmem>>[vector<16xi32>], vector<16xf32>,
        %gather3A_249 = tpu.vector_load_idx %arg10[%get3A_229] : memref<5008xf32, #tpu.memory_space<vmem>>[vector<16xi32>], vector<16xf32>,
        %gather3A_250 = tpu.vector_load_idx %arg11[%get3A_229] : memref<5008xf32, #tpu.memory_space<vmem>>[vector<16xi32>], vector<16xf32>,
        %gather3A_251 = tpu.vector_load_idx %arg12[%get3A_229] : memref<5008xf32, #tpu.memory_space<vmem>>[vector<16xi32>], vector<16xf32>,
        %gather3A_252 = tpu.vector_load_idx %arg9[%get3A_235] : memref<5008xf32, #tpu.memory_space<vmem>>[vector<16xi32>], vector<16xf32>,
        %gather3A_253 = tpu.vector_load_idx %arg10[%get3A_235] : memref<5008xf32, #tpu.memory_space<vmem>>[vector<16xi32>], vector<16xf32>,
        %gather3A_254 = tpu.vector_load_idx %arg11[%get3A_235] : memref<5008xf32, #tpu.memory_space<vmem>>[vector<16xi32>], vector<16xf32>,
        %gather3A_255 = tpu.vector_load_idx %arg12[%get3A_235] : memref<5008xf32, #tpu.memory_space<vmem>>[vector<16xi32>], vector<16xf32>,
        %gather3A_256 = tpu.vector_load_idx %arg9[%get3A_241] : memref<5008xf32, #tpu.memory_space<vmem>>[vector<16xi32>], vector<16xf32>,
        %gather3A_257 = tpu.vector_load_idx %arg10[%get3A_241] : memref<5008xf32, #tpu.memory_space<vmem>>[vector<16xi32>], vector<16xf32>,
        %gather3A_258 = tpu.vector_load_idx %arg11[%get3A_241] : memref<5008xf32, #tpu.memory_space<vmem>>[vector<16xi32>], vector<16xf32>,
        %gather3A_259 = tpu.vector_load_idx %arg12[%get3A_241] : memref<5008xf32, #tpu.memory_space<vmem>>[vector<16xi32>], vector<16xf32>,
        %gather3A_260 = tpu.vector_load_idx %arg9[%get3A_247] : memref<5008xf32, #tpu.memory_space<vmem>>[vector<16xi32>], vector<16xf32>,
        %gather3A_261 = tpu.vector_load_idx %arg10[%get3A_247] : memref<5008xf32, #tpu.memory_space<vmem>>[vector<16xi32>], vector<16xf32>,
        %gather3A_262 = tpu.vector_load_idx %arg11[%get3A_247] : memref<5008xf32, #tpu.memory_space<vmem>>[vector<16xi32>], vector<16xf32>,
        %gather3A_263 = tpu.vector_load_idx %arg12[%get3A_247] : memref<5008xf32, #tpu.memory_space<vmem>>[vector<16xi32>], vector<16xf32>,
        %add3A_264 = arith.constant 0 : i32
        %add3A_265 = vector.broadcast %add3A_264 : i32 to vector<16xi32>
        %add3A_266 = arith.addi %broadcast_in_dim3A_224, %add3A_265 : vector<16xi32>
        %gather3A_267 = tpu.vector_load_idx %arg13[%add3A_266] : memref<20032xf32, #tpu.memory_space<vmem>>[vector<16xi32>], vector<16xf32>,
        %add3A_268 = arith.constant 5008 : i32
        %add3A_269 = vector.broadcast %add3A_268 : i32 to vector<16xi32>
        %add3A_270 = arith.addi %broadcast_in_dim3A_224, %add3A_269 : vector<16xi32>
        %gather3A_271 = tpu.vector_load_idx %arg13[%add3A_270] : memref<20032xf32, #tpu.memory_space<vmem>>[vector<16xi32>], vector<16xf32>,
        %add3A_272 = arith.constant 10016 : i32
        %add3A_273 = vector.broadcast %add3A_272 : i32 to vector<16xi32>
        %add3A_274 = arith.addi %broadcast_in_dim3A_224, %add3A_273 : vector<16xi32>
        %gather3A_275 = tpu.vector_load_idx %arg13[%add3A_274] : memref<20032xf32, #tpu.memory_space<vmem>>[vector<16xi32>], vector<16xf32>,
        %add3A_276 = arith.constant 15024 : i32
        %add3A_277 = vector.broadcast %add3A_276 : i32 to vector<16xi32>
        %add3A_278 = arith.addi %broadcast_in_dim3A_224, %add3A_277 : vector<16xi32>
        %gather3A_279 = tpu.vector_load_idx %arg13[%add3A_278] : memref<20032xf32, #tpu.memory_space<vmem>>[vector<16xi32>], vector<16xf32>,
        %add3A_280 = arith.addf %gather3A_248, %gather3A_267 : vector<16xf32>
        %mul3A_281 = arith.constant 0.00999999977 : f32
        %mul3A_282 = vector.broadcast %mul3A_281 : f32 to vector<16xf32>
        %mul3A_283 = arith.mulf %add3A_280, %mul3A_282 : vector<16xf32>
        %max3A = arith.maximumf %add3A_280, %mul3A_283 : vector<16xf32>
        %mul3A_284 = arith.mulf %max3A, %gather3A_92 : vector<16xf32>
        %add3A_285 = arith.addf %gather3A_249, %gather3A_271 : vector<16xf32>
        %mul3A_286 = arith.constant 0.00999999977 : f32
        %mul3A_287 = vector.broadcast %mul3A_286 : f32 to vector<16xf32>
        %mul3A_288 = arith.mulf %add3A_285, %mul3A_287 : vector<16xf32>
        %max3A_289 = arith.maximumf %add3A_285, %mul3A_288 : vector<16xf32>
        %mul3A_290 = arith.mulf %max3A_289, %gather3A_96 : vector<16xf32>
        %add3A_291 = arith.addf %gather3A_250, %gather3A_275 : vector<16xf32>
        %mul3A_292 = arith.constant 0.00999999977 : f32
        %mul3A_293 = vector.broadcast %mul3A_292 : f32 to vector<16xf32>
        %mul3A_294 = arith.mulf %add3A_291, %mul3A_293 : vector<16xf32>
        %max3A_295 = arith.maximumf %add3A_291, %mul3A_294 : vector<16xf32>
        %mul3A_296 = arith.mulf %max3A_295, %gather3A_100 : vector<16xf32>
        %add3A_297 = arith.addf %mul3A_284, %mul3A_296 : vector<16xf32>
        %add3A_298 = arith.addf %gather3A_251, %gather3A_279 : vector<16xf32>
        %mul3A_299 = arith.constant 0.00999999977 : f32
        %mul3A_300 = vector.broadcast %mul3A_299 : f32 to vector<16xf32>
        %mul3A_301 = arith.mulf %add3A_298, %mul3A_300 : vector<16xf32>
        %max3A_302 = arith.maximumf %add3A_298, %mul3A_301 : vector<16xf32>
        %mul3A_303 = arith.mulf %max3A_302, %gather3A_104 : vector<16xf32>
        %add3A_304 = arith.addf %mul3A_290, %mul3A_303 : vector<16xf32>
        %add3A_305 = arith.addf %add3A_297, %add3A_304 : vector<16xf32>
        %mul3A_306 = arith.constant 64 : i32
        %mul3A_307 = arith.muli %scan3A_219, %mul3A_306 : i32
        %add3A_308 = arith.constant 0 : i32
        %add3A_309 = arith.addi %mul3A_307, %add3A_308 : i32
        %swap3A = arith.index_cast %add3A_309 : i32 to index
        %swap3A_310 = tpu.vector_load %arg17[%swap3A] {strides = array<i32>} : memref<6400xf32, #tpu.memory_space<vmem>>, vector<16xf32>,
        tpu.vector_store %arg17[%swap3A], %add3A_305 {strides = array<i32>} : memref<6400xf32, #tpu.memory_space<vmem>>, vector<16xf32>,
        %add3A_311 = arith.addf %gather3A_252, %gather3A_267 : vector<16xf32>
        %mul3A_312 = arith.constant 0.00999999977 : f32
        %mul3A_313 = vector.broadcast %mul3A_312 : f32 to vector<16xf32>
        %mul3A_314 = arith.mulf %add3A_311, %mul3A_313 : vector<16xf32>
        %max3A_315 = arith.maximumf %add3A_311, %mul3A_314 : vector<16xf32>
        %mul3A_316 = arith.mulf %max3A_315, %gather3A_92 : vector<16xf32>
        %add3A_317 = arith.addf %gather3A_253, %gather3A_271 : vector<16xf32>
        %mul3A_318 = arith.constant 0.00999999977 : f32
        %mul3A_319 = vector.broadcast %mul3A_318 : f32 to vector<16xf32>
        %mul3A_320 = arith.mulf %add3A_317, %mul3A_319 : vector<16xf32>
        %max3A_321 = arith.maximumf %add3A_317, %mul3A_320 : vector<16xf32>
        %mul3A_322 = arith.mulf %max3A_321, %gather3A_96 : vector<16xf32>
        %add3A_323 = arith.addf %gather3A_254, %gather3A_275 : vector<16xf32>
        %mul3A_324 = arith.constant 0.00999999977 : f32
        %mul3A_325 = vector.broadcast %mul3A_324 : f32 to vector<16xf32>
        %mul3A_326 = arith.mulf %add3A_323, %mul3A_325 : vector<16xf32>
        %max3A_327 = arith.maximumf %add3A_323, %mul3A_326 : vector<16xf32>
        %mul3A_328 = arith.mulf %max3A_327, %gather3A_100 : vector<16xf32>
        %add3A_329 = arith.addf %mul3A_316, %mul3A_328 : vector<16xf32>
        %add3A_330 = arith.addf %gather3A_255, %gather3A_279 : vector<16xf32>
        %mul3A_331 = arith.constant 0.00999999977 : f32
        %mul3A_332 = vector.broadcast %mul3A_331 : f32 to vector<16xf32>
        %mul3A_333 = arith.mulf %add3A_330, %mul3A_332 : vector<16xf32>
        %max3A_334 = arith.maximumf %add3A_330, %mul3A_333 : vector<16xf32>
        %mul3A_335 = arith.mulf %max3A_334, %gather3A_104 : vector<16xf32>
        %add3A_336 = arith.addf %mul3A_322, %mul3A_335 : vector<16xf32>
        %add3A_337 = arith.addf %add3A_329, %add3A_336 : vector<16xf32>
        %mul3A_338 = arith.constant 64 : i32
        %mul3A_339 = arith.muli %scan3A_219, %mul3A_338 : i32
        %add3A_340 = arith.constant 16 : i32
        %add3A_341 = arith.addi %mul3A_339, %add3A_340 : i32
        %swap3A_342 = arith.index_cast %add3A_341 : i32 to index
        %swap3A_343 = tpu.vector_load %arg17[%swap3A_342] {strides = array<i32>} : memref<6400xf32, #tpu.memory_space<vmem>>, vector<16xf32>,
        tpu.vector_store %arg17[%swap3A_342], %add3A_337 {strides = array<i32>} : memref<6400xf32, #tpu.memory_space<vmem>>, vector<16xf32>,
        %add3A_344 = arith.addf %gather3A_256, %gather3A_267 : vector<16xf32>
        %mul3A_345 = arith.constant 0.00999999977 : f32
        %mul3A_346 = vector.broadcast %mul3A_345 : f32 to vector<16xf32>
        %mul3A_347 = arith.mulf %add3A_344, %mul3A_346 : vector<16xf32>
        %max3A_348 = arith.maximumf %add3A_344, %mul3A_347 : vector<16xf32>
        %mul3A_349 = arith.mulf %max3A_348, %gather3A_92 : vector<16xf32>
        %add3A_350 = arith.addf %gather3A_257, %gather3A_271 : vector<16xf32>
        %mul3A_351 = arith.constant 0.00999999977 : f32
        %mul3A_352 = vector.broadcast %mul3A_351 : f32 to vector<16xf32>
        %mul3A_353 = arith.mulf %add3A_350, %mul3A_352 : vector<16xf32>
        %max3A_354 = arith.maximumf %add3A_350, %mul3A_353 : vector<16xf32>
        %mul3A_355 = arith.mulf %max3A_354, %gather3A_96 : vector<16xf32>
        %add3A_356 = arith.addf %gather3A_258, %gather3A_275 : vector<16xf32>
        %mul3A_357 = arith.constant 0.00999999977 : f32
        %mul3A_358 = vector.broadcast %mul3A_357 : f32 to vector<16xf32>
        %mul3A_359 = arith.mulf %add3A_356, %mul3A_358 : vector<16xf32>
        %max3A_360 = arith.maximumf %add3A_356, %mul3A_359 : vector<16xf32>
        %mul3A_361 = arith.mulf %max3A_360, %gather3A_100 : vector<16xf32>
        %add3A_362 = arith.addf %mul3A_349, %mul3A_361 : vector<16xf32>
        %add3A_363 = arith.addf %gather3A_259, %gather3A_279 : vector<16xf32>
        %mul3A_364 = arith.constant 0.00999999977 : f32
        %mul3A_365 = vector.broadcast %mul3A_364 : f32 to vector<16xf32>
        %mul3A_366 = arith.mulf %add3A_363, %mul3A_365 : vector<16xf32>
        %max3A_367 = arith.maximumf %add3A_363, %mul3A_366 : vector<16xf32>
        %mul3A_368 = arith.mulf %max3A_367, %gather3A_104 : vector<16xf32>
        %add3A_369 = arith.addf %mul3A_355, %mul3A_368 : vector<16xf32>
        %add3A_370 = arith.addf %add3A_362, %add3A_369 : vector<16xf32>
        %mul3A_371 = arith.constant 64 : i32
        %mul3A_372 = arith.muli %scan3A_219, %mul3A_371 : i32
        %add3A_373 = arith.constant 32 : i32
        %add3A_374 = arith.addi %mul3A_372, %add3A_373 : i32
        %swap3A_375 = arith.index_cast %add3A_374 : i32 to index
        %swap3A_376 = tpu.vector_load %arg17[%swap3A_375] {strides = array<i32>} : memref<6400xf32, #tpu.memory_space<vmem>>, vector<16xf32>,
        tpu.vector_store %arg17[%swap3A_375], %add3A_370 {strides = array<i32>} : memref<6400xf32, #tpu.memory_space<vmem>>, vector<16xf32>,
        %add3A_377 = arith.addf %gather3A_260, %gather3A_267 : vector<16xf32>
        %mul3A_378 = arith.constant 0.00999999977 : f32
        %mul3A_379 = vector.broadcast %mul3A_378 : f32 to vector<16xf32>
        %mul3A_380 = arith.mulf %add3A_377, %mul3A_379 : vector<16xf32>
        %max3A_381 = arith.maximumf %add3A_377, %mul3A_380 : vector<16xf32>
        %mul3A_382 = arith.mulf %max3A_381, %gather3A_92 : vector<16xf32>
        %add3A_383 = arith.addf %gather3A_261, %gather3A_271 : vector<16xf32>
        %mul3A_384 = arith.constant 0.00999999977 : f32
        %mul3A_385 = vector.broadcast %mul3A_384 : f32 to vector<16xf32>
        %mul3A_386 = arith.mulf %add3A_383, %mul3A_385 : vector<16xf32>
        %max3A_387 = arith.maximumf %add3A_383, %mul3A_386 : vector<16xf32>
        %mul3A_388 = arith.mulf %max3A_387, %gather3A_96 : vector<16xf32>
        %add3A_389 = arith.addf %gather3A_262, %gather3A_275 : vector<16xf32>
        %mul3A_390 = arith.constant 0.00999999977 : f32
        %mul3A_391 = vector.broadcast %mul3A_390 : f32 to vector<16xf32>
        %mul3A_392 = arith.mulf %add3A_389, %mul3A_391 : vector<16xf32>
        %max3A_393 = arith.maximumf %add3A_389, %mul3A_392 : vector<16xf32>
        %mul3A_394 = arith.mulf %max3A_393, %gather3A_100 : vector<16xf32>
        %add3A_395 = arith.addf %mul3A_382, %mul3A_394 : vector<16xf32>
        %add3A_396 = arith.addf %gather3A_263, %gather3A_279 : vector<16xf32>
        %mul3A_397 = arith.constant 0.00999999977 : f32
        %mul3A_398 = vector.broadcast %mul3A_397 : f32 to vector<16xf32>
        %mul3A_399 = arith.mulf %add3A_396, %mul3A_398 : vector<16xf32>
        %max3A_400 = arith.maximumf %add3A_396, %mul3A_399 : vector<16xf32>
        %mul3A_401 = arith.mulf %max3A_400, %gather3A_104 : vector<16xf32>
        %add3A_402 = arith.addf %mul3A_388, %mul3A_401 : vector<16xf32>
        %add3A_403 = arith.addf %add3A_395, %add3A_402 : vector<16xf32>
        %mul3A_404 = arith.constant 64 : i32
        %mul3A_405 = arith.muli %scan3A_219, %mul3A_404 : i32
        %add3A_406 = arith.constant 48 : i32
        %add3A_407 = arith.addi %mul3A_405, %add3A_406 : i32
        %swap3A_408 = arith.index_cast %add3A_407 : i32 to index
        %swap3A_409 = tpu.vector_load %arg17[%swap3A_408] {strides = array<i32>} : memref<6400xf32, #tpu.memory_space<vmem>>, vector<16xf32>,
        tpu.vector_store %arg17[%swap3A_408], %add3A_403 {strides = array<i32>} : memref<6400xf32, #tpu.memory_space<vmem>>, vector<16xf32>,
        %scan3A_410 = arith.constant 0 : i32
        scf.yield %scan3A_410 : i32
      }
      %scan3A_210 = arith.constant 100 : i32
      %mul3A_211 = arith.constant 320000 : i32
      %mul3A_212 = arith.muli %add3A, %mul3A_211 : i32
      %mul3A_213 = arith.constant 6400 : i32
      %mul3A_214 = arith.muli %add3A_177, %mul3A_213 : i32
      %add3A_215 = arith.addi %mul3A_212, %mul3A_214 : i32
      %multiple_of3A_216 = tpu.assume_multiple %add3A_215, 8 : i32
      %dma_start3A_217 = tpu.memref_slice %arg7[%multiple_of3A_216] : memref<10240000xf32, #tpu.memory_space<hbm>> -> memref<6400xf32, #tpu.memory_space<hbm>>
      %dma_start3A_218 = tpu.memref_slice %arg7[%multiple_of3A_216] : memref<10240000xf32, #tpu.memory_space<hbm>> -> memref<6400xf32, #tpu.memory_space<hbm>>
      tpu.enqueue_dma source(%arg17 : memref<6400xf32, #tpu.memory_space<vmem>>) target(%dma_start3A_218 : memref<6400xf32, #tpu.memory_space<hbm>>) target_semaphore(%arg25 : memref<!tpu.dma_semaphore, #tpu.memory_space<semaphore_mem>>)
    }
    %scan3A_124 = arith.constant 25 : i32
    %mul3A_125 = arith.constant 10000 : i32
    %mul3A_126 = arith.muli %add3A, %mul3A_125 : i32
    %add3A_127 = arith.constant 0 : i32
    %add3A_128 = arith.addi %mul3A_126, %add3A_127 : i32
    %multiple_of3A_129 = tpu.assume_multiple %add3A_128, 8 : i32
    "tpu.region"() ({
      %run_scoped3A = tpu.sem_alloc : memref<!tpu.dma_semaphore, #tpu.memory_space<semaphore_mem>>
      %dma_start3A_171 = arith.constant 0 : i32
      %dma_start3A_172 = tpu.memref_slice %arg20[%dma_start3A_171] : memref<10000xi32, #tpu.memory_space<vmem>> -> memref<2000xi32, #tpu.memory_space<vmem>>
      %dma_start3A_173 = tpu.memref_slice %arg4[%multiple_of3A_129] : memref<320000xi32, #tpu.memory_space<hbm>> -> memref<2000xi32, #tpu.memory_space<hbm>>
      %dma_start3A_174 = arith.constant 0 : i32
      %dma_start3A_175 = tpu.memref_slice %arg20[%dma_start3A_174] : memref<10000xi32, #tpu.memory_space<vmem>> -> memref<2000xi32, #tpu.memory_space<vmem>>
      %dma_start3A_176 = tpu.memref_slice %arg4[%multiple_of3A_129] : memref<320000xi32, #tpu.memory_space<hbm>> -> memref<2000xi32, #tpu.memory_space<hbm>>
      tpu.enqueue_dma source(%dma_start3A_176 : memref<2000xi32, #tpu.memory_space<hbm>>) target(%dma_start3A_175 : memref<2000xi32, #tpu.memory_space<vmem>>) target_semaphore(%run_scoped3A : memref<!tpu.dma_semaphore, #tpu.memory_space<semaphore_mem>>)
      %dma_wait3A_177 = arith.constant 0 : i32
      %dma_wait3A_178 = tpu.memref_slice %arg20[%dma_wait3A_177] : memref<10000xi32, #tpu.memory_space<vmem>> -> memref<2000xi32, #tpu.memory_space<vmem>>
      %dma_wait3A_179 = tpu.memref_slice %arg4[%multiple_of3A_129] : memref<320000xi32, #tpu.memory_space<hbm>> -> memref<2000xi32, #tpu.memory_space<hbm>>
      %dma_wait3A_180 = arith.constant 0 : i32
      %dma_wait3A_181 = tpu.memref_slice %arg20[%dma_wait3A_180] : memref<10000xi32, #tpu.memory_space<vmem>> -> memref<2000xi32, #tpu.memory_space<vmem>>
      %dma_wait3A_182 = tpu.memref_slice %arg4[%multiple_of3A_129] : memref<320000xi32, #tpu.memory_space<hbm>> -> memref<2000xi32, #tpu.memory_space<hbm>>
      tpu.wait_dma2 semaphore(%run_scoped3A : memref<!tpu.dma_semaphore, #tpu.memory_space<semaphore_mem>>) src(%dma_wait3A_182 : memref<2000xi32, #tpu.memory_space<hbm>>) dst(%dma_wait3A_181 : memref<2000xi32, #tpu.memory_space<vmem>>)
      tpu.yield
    }) : () -> ()
    %mul3A_130 = arith.constant 10000 : i32
    %mul3A_131 = arith.muli %add3A, %mul3A_130 : i32
    %add3A_132 = arith.constant 2000 : i32
    %add3A_133 = arith.addi %mul3A_131, %add3A_132 : i32
    %multiple_of3A_134 = tpu.assume_multiple %add3A_133, 8 : i32
    "tpu.region"() ({
      %run_scoped3A = tpu.sem_alloc : memref<!tpu.dma_semaphore, #tpu.memory_space<semaphore_mem>>
      %dma_start3A_171 = arith.constant 2000 : i32
      %dma_start3A_172 = tpu.memref_slice %arg20[%dma_start3A_171] : memref<10000xi32, #tpu.memory_space<vmem>> -> memref<2000xi32, #tpu.memory_space<vmem>>
      %dma_start3A_173 = tpu.memref_slice %arg4[%multiple_of3A_134] : memref<320000xi32, #tpu.memory_space<hbm>> -> memref<2000xi32, #tpu.memory_space<hbm>>
      %dma_start3A_174 = arith.constant 2000 : i32
      %dma_start3A_175 = tpu.memref_slice %arg20[%dma_start3A_174] : memref<10000xi32, #tpu.memory_space<vmem>> -> memref<2000xi32, #tpu.memory_space<vmem>>
      %dma_start3A_176 = tpu.memref_slice %arg4[%multiple_of3A_134] : memref<320000xi32, #tpu.memory_space<hbm>> -> memref<2000xi32, #tpu.memory_space<hbm>>
      tpu.enqueue_dma source(%dma_start3A_176 : memref<2000xi32, #tpu.memory_space<hbm>>) target(%dma_start3A_175 : memref<2000xi32, #tpu.memory_space<vmem>>) target_semaphore(%run_scoped3A : memref<!tpu.dma_semaphore, #tpu.memory_space<semaphore_mem>>)
      %dma_wait3A_177 = arith.constant 2000 : i32
      %dma_wait3A_178 = tpu.memref_slice %arg20[%dma_wait3A_177] : memref<10000xi32, #tpu.memory_space<vmem>> -> memref<2000xi32, #tpu.memory_space<vmem>>
      %dma_wait3A_179 = tpu.memref_slice %arg4[%multiple_of3A_134] : memref<320000xi32, #tpu.memory_space<hbm>> -> memref<2000xi32, #tpu.memory_space<hbm>>
      %dma_wait3A_180 = arith.constant 2000 : i32
      %dma_wait3A_181 = tpu.memref_slice %arg20[%dma_wait3A_180] : memref<10000xi32, #tpu.memory_space<vmem>> -> memref<2000xi32, #tpu.memory_space<vmem>>
      %dma_wait3A_182 = tpu.memref_slice %arg4[%multiple_of3A_134] : memref<320000xi32, #tpu.memory_space<hbm>> -> memref<2000xi32, #tpu.memory_space<hbm>>
      tpu.wait_dma2 semaphore(%run_scoped3A : memref<!tpu.dma_semaphore, #tpu.memory_space<semaphore_mem>>) src(%dma_wait3A_182 : memref<2000xi32, #tpu.memory_space<hbm>>) dst(%dma_wait3A_181 : memref<2000xi32, #tpu.memory_space<vmem>>)
      tpu.yield
    }) : () -> ()
    %mul3A_135 = arith.constant 10000 : i32
    %mul3A_136 = arith.muli %add3A, %mul3A_135 : i32
    %add3A_137 = arith.constant 4000 : i32
    %add3A_138 = arith.addi %mul3A_136, %add3A_137 : i32
    %multiple_of3A_139 = tpu.assume_multiple %add3A_138, 8 : i32
    "tpu.region"() ({
      %run_scoped3A = tpu.sem_alloc : memref<!tpu.dma_semaphore, #tpu.memory_space<semaphore_mem>>
      %dma_start3A_171 = arith.constant 4000 : i32
      %dma_start3A_172 = tpu.memref_slice %arg20[%dma_start3A_171] : memref<10000xi32, #tpu.memory_space<vmem>> -> memref<2000xi32, #tpu.memory_space<vmem>>
      %dma_start3A_173 = tpu.memref_slice %arg4[%multiple_of3A_139] : memref<320000xi32, #tpu.memory_space<hbm>> -> memref<2000xi32, #tpu.memory_space<hbm>>
      %dma_start3A_174 = arith.constant 4000 : i32
      %dma_start3A_175 = tpu.memref_slice %arg20[%dma_start3A_174] : memref<10000xi32, #tpu.memory_space<vmem>> -> memref<2000xi32, #tpu.memory_space<vmem>>
      %dma_start3A_176 = tpu.memref_slice %arg4[%multiple_of3A_139] : memref<320000xi32, #tpu.memory_space<hbm>> -> memref<2000xi32, #tpu.memory_space<hbm>>
      tpu.enqueue_dma source(%dma_start3A_176 : memref<2000xi32, #tpu.memory_space<hbm>>) target(%dma_start3A_175 : memref<2000xi32, #tpu.memory_space<vmem>>) target_semaphore(%run_scoped3A : memref<!tpu.dma_semaphore, #tpu.memory_space<semaphore_mem>>)
      %dma_wait3A_177 = arith.constant 4000 : i32
      %dma_wait3A_178 = tpu.memref_slice %arg20[%dma_wait3A_177] : memref<10000xi32, #tpu.memory_space<vmem>> -> memref<2000xi32, #tpu.memory_space<vmem>>
      %dma_wait3A_179 = tpu.memref_slice %arg4[%multiple_of3A_139] : memref<320000xi32, #tpu.memory_space<hbm>> -> memref<2000xi32, #tpu.memory_space<hbm>>
      %dma_wait3A_180 = arith.constant 4000 : i32
      %dma_wait3A_181 = tpu.memref_slice %arg20[%dma_wait3A_180] : memref<10000xi32, #tpu.memory_space<vmem>> -> memref<2000xi32, #tpu.memory_space<vmem>>
      %dma_wait3A_182 = tpu.memref_slice %arg4[%multiple_of3A_139] : memref<320000xi32, #tpu.memory_space<hbm>> -> memref<2000xi32, #tpu.memory_space<hbm>>
      tpu.wait_dma2 semaphore(%run_scoped3A : memref<!tpu.dma_semaphore, #tpu.memory_space<semaphore_mem>>) src(%dma_wait3A_182 : memref<2000xi32, #tpu.memory_space<hbm>>) dst(%dma_wait3A_181 : memref<2000xi32, #tpu.memory_space<vmem>>)
      tpu.yield
    }) : () -> ()
    %mul3A_140 = arith.constant 10000 : i32
    %mul3A_141 = arith.muli %add3A, %mul3A_140 : i32
    %add3A_142 = arith.constant 6000 : i32
    %add3A_143 = arith.addi %mul3A_141, %add3A_142 : i32
    %multiple_of3A_144 = tpu.assume_multiple %add3A_143, 8 : i32
    "tpu.region"() ({
      %run_scoped3A = tpu.sem_alloc : memref<!tpu.dma_semaphore, #tpu.memory_space<semaphore_mem>>
      %dma_start3A_171 = arith.constant 6000 : i32
      %dma_start3A_172 = tpu.memref_slice %arg20[%dma_start3A_171] : memref<10000xi32, #tpu.memory_space<vmem>> -> memref<2000xi32, #tpu.memory_space<vmem>>
      %dma_start3A_173 = tpu.memref_slice %arg4[%multiple_of3A_144] : memref<320000xi32, #tpu.memory_space<hbm>> -> memref<2000xi32, #tpu.memory_space<hbm>>
      %dma_start3A_174 = arith.constant 6000 : i32
      %dma_start3A_175 = tpu.memref_slice %arg20[%dma_start3A_174] : memref<10000xi32, #tpu.memory_space<vmem>> -> memref<2000xi32, #tpu.memory_space<vmem>>
      %dma_start3A_176 = tpu.memref_slice %arg4[%multiple_of3A_144] : memref<320000xi32, #tpu.memory_space<hbm>> -> memref<2000xi32, #tpu.memory_space<hbm>>
      tpu.enqueue_dma source(%dma_start3A_176 : memref<2000xi32, #tpu.memory_space<hbm>>) target(%dma_start3A_175 : memref<2000xi32, #tpu.memory_space<vmem>>) target_semaphore(%run_scoped3A : memref<!tpu.dma_semaphore, #tpu.memory_space<semaphore_mem>>)
      %dma_wait3A_177 = arith.constant 6000 : i32
      %dma_wait3A_178 = tpu.memref_slice %arg20[%dma_wait3A_177] : memref<10000xi32, #tpu.memory_space<vmem>> -> memref<2000xi32, #tpu.memory_space<vmem>>
      %dma_wait3A_179 = tpu.memref_slice %arg4[%multiple_of3A_144] : memref<320000xi32, #tpu.memory_space<hbm>> -> memref<2000xi32, #tpu.memory_space<hbm>>
      %dma_wait3A_180 = arith.constant 6000 : i32
      %dma_wait3A_181 = tpu.memref_slice %arg20[%dma_wait3A_180] : memref<10000xi32, #tpu.memory_space<vmem>> -> memref<2000xi32, #tpu.memory_space<vmem>>
      %dma_wait3A_182 = tpu.memref_slice %arg4[%multiple_of3A_144] : memref<320000xi32, #tpu.memory_space<hbm>> -> memref<2000xi32, #tpu.memory_space<hbm>>
      tpu.wait_dma2 semaphore(%run_scoped3A : memref<!tpu.dma_semaphore, #tpu.memory_space<semaphore_mem>>) src(%dma_wait3A_182 : memref<2000xi32, #tpu.memory_space<hbm>>) dst(%dma_wait3A_181 : memref<2000xi32, #tpu.memory_space<vmem>>)
      tpu.yield
    }) : () -> ()
    %mul3A_145 = arith.constant 10000 : i32
    %mul3A_146 = arith.muli %add3A, %mul3A_145 : i32
    %add3A_147 = arith.constant 8000 : i32
    %add3A_148 = arith.addi %mul3A_146, %add3A_147 : i32
    %multiple_of3A_149 = tpu.assume_multiple %add3A_148, 8 : i32
    "tpu.region"() ({
      %run_scoped3A = tpu.sem_alloc : memref<!tpu.dma_semaphore, #tpu.memory_space<semaphore_mem>>
      %dma_start3A_171 = arith.constant 8000 : i32
      %dma_start3A_172 = tpu.memref_slice %arg20[%dma_start3A_171] : memref<10000xi32, #tpu.memory_space<vmem>> -> memref<2000xi32, #tpu.memory_space<vmem>>
      %dma_start3A_173 = tpu.memref_slice %arg4[%multiple_of3A_149] : memref<320000xi32, #tpu.memory_space<hbm>> -> memref<2000xi32, #tpu.memory_space<hbm>>
      %dma_start3A_174 = arith.constant 8000 : i32
      %dma_start3A_175 = tpu.memref_slice %arg20[%dma_start3A_174] : memref<10000xi32, #tpu.memory_space<vmem>> -> memref<2000xi32, #tpu.memory_space<vmem>>
      %dma_start3A_176 = tpu.memref_slice %arg4[%multiple_of3A_149] : memref<320000xi32, #tpu.memory_space<hbm>> -> memref<2000xi32, #tpu.memory_space<hbm>>
      tpu.enqueue_dma source(%dma_start3A_176 : memref<2000xi32, #tpu.memory_space<hbm>>) target(%dma_start3A_175 : memref<2000xi32, #tpu.memory_space<vmem>>) target_semaphore(%run_scoped3A : memref<!tpu.dma_semaphore, #tpu.memory_space<semaphore_mem>>)
      %dma_wait3A_177 = arith.constant 8000 : i32
      %dma_wait3A_178 = tpu.memref_slice %arg20[%dma_wait3A_177] : memref<10000xi32, #tpu.memory_space<vmem>> -> memref<2000xi32, #tpu.memory_space<vmem>>
      %dma_wait3A_179 = tpu.memref_slice %arg4[%multiple_of3A_149] : memref<320000xi32, #tpu.memory_space<hbm>> -> memref<2000xi32, #tpu.memory_space<hbm>>
      %dma_wait3A_180 = arith.constant 8000 : i32
      %dma_wait3A_181 = tpu.memref_slice %arg20[%dma_wait3A_180] : memref<10000xi32, #tpu.memory_space<vmem>> -> memref<2000xi32, #tpu.memory_space<vmem>>
      %dma_wait3A_182 = tpu.memref_slice %arg4[%multiple_of3A_149] : memref<320000xi32, #tpu.memory_space<hbm>> -> memref<2000xi32, #tpu.memory_space<hbm>>
      tpu.wait_dma2 semaphore(%run_scoped3A : memref<!tpu.dma_semaphore, #tpu.memory_space<semaphore_mem>>) src(%dma_wait3A_182 : memref<2000xi32, #tpu.memory_space<hbm>>) dst(%dma_wait3A_181 : memref<2000xi32, #tpu.memory_space<vmem>>)
      tpu.yield
    }) : () -> ()
    %scan3A_150 = arith.constant 0 : i32
    %scan3A_151 = arith.constant 0 : i32
    %scan3A_152 = arith.constant 625 : i32
    %scan3A_153 = arith.addi %scan3A_151, %scan3A_152 : i32
    %scan3A_154 = arith.constant 1 : i32
    scf.for %scan3A_171 = %scan3A_151 to %scan3A_153 step %scan3A_154  : i32 {
      %mul3A_172 = arith.constant 16 : i32
      %mul3A_173 = arith.muli %scan3A_171, %mul3A_172 : i32
      %get3A = arith.index_cast %mul3A_173 : i32 to index
      %get3A_174 = tpu.vector_load %arg20[%get3A] {strides = array<i32>} : memref<10000xi32, #tpu.memory_space<vmem>>, vector<16xi32>,
      %gather3A_175 = tpu.vector_load_idx %arg19[%get3A_174] : memref<5000xf32, #tpu.memory_space<vmem>>[vector<16xi32>], vector<16xf32>,
      %mul3A_176 = arith.constant 16 : i32
      %mul3A_177 = arith.muli %scan3A_171, %mul3A_176 : i32
      %swap3A = arith.index_cast %mul3A_177 : i32 to index
      %swap3A_178 = tpu.vector_load %arg21[%swap3A] {strides = array<i32>} : memref<10000xf32, #tpu.memory_space<vmem>>, vector<16xf32>,
      tpu.vector_store %arg21[%swap3A], %gather3A_175 {strides = array<i32>} : memref<10000xf32, #tpu.memory_space<vmem>>, vector<16xf32>,
    }
    %scan3A_155 = arith.constant 625 : i32
    %mul3A_156 = arith.constant 10000 : i32
    %mul3A_157 = arith.muli %add3A, %mul3A_156 : i32
    "tpu.region"() ({
      %run_scoped3A = tpu.sem_alloc : memref<!tpu.dma_semaphore, #tpu.memory_space<semaphore_mem>>
      %dma_start3A_171 = tpu.memref_slice %arg8[%mul3A_157] : memref<320000xf32, #tpu.memory_space<hbm>> -> memref<10000xf32, #tpu.memory_space<hbm>>
      %dma_start3A_172 = tpu.memref_slice %arg8[%mul3A_157] : memref<320000xf32, #tpu.memory_space<hbm>> -> memref<10000xf32, #tpu.memory_space<hbm>>
      tpu.enqueue_dma source(%arg21 : memref<10000xf32, #tpu.memory_space<vmem>>) target(%dma_start3A_172 : memref<10000xf32, #tpu.memory_space<hbm>>) target_semaphore(%run_scoped3A : memref<!tpu.dma_semaphore, #tpu.memory_space<semaphore_mem>>)
      %dma_wait3A_173 = tpu.memref_slice %arg8[%mul3A_157] : memref<320000xf32, #tpu.memory_space<hbm>> -> memref<10000xf32, #tpu.memory_space<hbm>>
      %dma_wait3A_174 = tpu.memref_slice %arg8[%mul3A_157] : memref<320000xf32, #tpu.memory_space<hbm>> -> memref<10000xf32, #tpu.memory_space<hbm>>
      tpu.wait_dma2 semaphore(%run_scoped3A : memref<!tpu.dma_semaphore, #tpu.memory_space<semaphore_mem>>) src(%arg21 : memref<10000xf32, #tpu.memory_space<vmem>>) dst(%dma_wait3A_174 : memref<10000xf32, #tpu.memory_space<hbm>>)
      tpu.yield
    }) : () -> ()
    %mul3A_158 = arith.constant 320000 : i32
    %mul3A_159 = arith.muli %add3A, %mul3A_158 : i32
    %add3A_160 = arith.constant 307200 : i32
    %add3A_161 = arith.addi %mul3A_159, %add3A_160 : i32
    %multiple_of3A_162 = tpu.assume_multiple %add3A_161, 8 : i32
    %dma_wait3A = tpu.memref_slice %arg7[%multiple_of3A_162] : memref<10240000xf32, #tpu.memory_space<hbm>> -> memref<6400xf32, #tpu.memory_space<hbm>>
    %dma_wait3A_163 = tpu.memref_slice %arg7[%multiple_of3A_162] : memref<10240000xf32, #tpu.memory_space<hbm>> -> memref<6400xf32, #tpu.memory_space<hbm>>
    tpu.wait_dma2 semaphore(%arg24 : memref<!tpu.dma_semaphore, #tpu.memory_space<semaphore_mem>>) src(%arg16 : memref<6400xf32, #tpu.memory_space<vmem>>) dst(%dma_wait3A_163 : memref<6400xf32, #tpu.memory_space<hbm>>)
    %mul3A_164 = arith.constant 320000 : i32
    %mul3A_165 = arith.muli %add3A, %mul3A_164 : i32
    %add3A_166 = arith.constant 313600 : i32
    %add3A_167 = arith.addi %mul3A_165, %add3A_166 : i32
    %multiple_of3A_168 = tpu.assume_multiple %add3A_167, 8 : i32
    %dma_wait3A_169 = tpu.memref_slice %arg7[%multiple_of3A_168] : memref<10240000xf32, #tpu.memory_space<hbm>> -> memref<6400xf32, #tpu.memory_space<hbm>>
    %dma_wait3A_170 = tpu.memref_slice %arg7[%multiple_of3A_168] : memref<10240000xf32, #tpu.memory_space<hbm>> -> memref<6400xf32, #tpu.memory_space<hbm>>
    tpu.wait_dma2 semaphore(%arg25 : memref<!tpu.dma_semaphore, #tpu.memory_space<semaphore_mem>>) src(%arg17 : memref<6400xf32, #tpu.memory_space<vmem>>) dst(%dma_wait3A_170 : memref<6400xf32, #tpu.memory_space<hbm>>)
    return
  }
}

module attributes {stable_mosaic.version = 14 : i64} {
  func.func @_proj_body(%arg0: i32, %arg1: memref<1000x128xf32, #tpu.memory_space<vmem>>, %arg2: memref<1000x128xf32, #tpu.memory_space<vmem>>, %arg3: memref<128x128xf32, #tpu.memory_space<vmem>>, %arg4: memref<128x128xf32, #tpu.memory_space<vmem>>, %arg5: memref<1000x128xf32, #tpu.memory_space<vmem>>, %arg6: memref<1000x128xf32, #tpu.memory_space<vmem>>) attributes {dimension_semantics = [#tpu.dimension_semantics<arbitrary>], iteration_bounds = array<i64: 5>, scalar_prefetch = 0 : i64, scratch_operands = 0 : i64, tpu.core_type = #tpu.core_type<tc>, window_params = [{transform_indices = @transform_0, window_bounds = array<i64: 1000, 128>}, {transform_indices = @transform_1, window_bounds = array<i64: 1000, 128>}, {pipeline_mode = #tpu.pipeline_mode<synchronous>, transform_indices = @transform_2, window_bounds = array<i64: 128, 128>}, {pipeline_mode = #tpu.pipeline_mode<synchronous>, transform_indices = @transform_3, window_bounds = array<i64: 128, 128>}, {transform_indices = @transform_4, window_bounds = array<i64: 1000, 128>}, {transform_indices = @transform_5, window_bounds = array<i64: 1000, 128>}]} {
    %get3A = arith.constant 0 : index
    %get3A_0 = arith.constant 0 : index
    %get3A_1 = vector.load %arg1[%get3A, %get3A_0] : memref<1000x128xf32, #tpu.memory_space<vmem>>, vector<1000x128xf32>
    %get3A_2 = arith.constant 0 : index
    %get3A_3 = arith.constant 0 : index
    %get3A_4 = vector.load %arg3[%get3A_2, %get3A_3] : memref<128x128xf32, #tpu.memory_space<vmem>>, vector<128x128xf32>
    %dot_general3A = arith.constant dense<0.000000e+00> : vector<1000x128xf32>
    %dot_general3A_5 = tpu.matmul %get3A_1, %get3A_4, %dot_general3A {dimension_numbers = #tpu.dot_dimension_numbers<[1], [0], [0], [1], [0, 0, 1, 1], [], []>, transpose_lhs_hint = false} : vector<1000x128xf32>, vector<128x128xf32>, vector<1000x128xf32> -> vector<1000x128xf32>
    %swap3A = arith.constant 0 : index
    %swap3A_6 = arith.constant 0 : index
    %swap3A_7 = vector.load %arg5[%swap3A, %swap3A_6] : memref<1000x128xf32, #tpu.memory_space<vmem>>, vector<1000x128xf32>
    tpu.vector_store %arg5[%swap3A, %swap3A_6], %dot_general3A_5 {strides = array<i32>} : memref<1000x128xf32, #tpu.memory_space<vmem>>, vector<1000x128xf32>,
    %get3A_8 = arith.constant 0 : index
    %get3A_9 = arith.constant 0 : index
    %get3A_10 = vector.load %arg2[%get3A_8, %get3A_9] : memref<1000x128xf32, #tpu.memory_space<vmem>>, vector<1000x128xf32>
    %get3A_11 = arith.constant 0 : index
    %get3A_12 = arith.constant 0 : index
    %get3A_13 = vector.load %arg4[%get3A_11, %get3A_12] : memref<128x128xf32, #tpu.memory_space<vmem>>, vector<128x128xf32>
    %dot_general3A_14 = arith.constant dense<0.000000e+00> : vector<1000x128xf32>
    %dot_general3A_15 = tpu.matmul %get3A_10, %get3A_13, %dot_general3A_14 {dimension_numbers = #tpu.dot_dimension_numbers<[1], [0], [0], [1], [0, 0, 1, 1], [], []>, transpose_lhs_hint = false} : vector<1000x128xf32>, vector<128x128xf32>, vector<1000x128xf32> -> vector<1000x128xf32>
    %swap3A_16 = arith.constant 0 : index
    %swap3A_17 = arith.constant 0 : index
    %swap3A_18 = vector.load %arg6[%swap3A_16, %swap3A_17] : memref<1000x128xf32, #tpu.memory_space<vmem>>, vector<1000x128xf32>
    tpu.vector_store %arg6[%swap3A_16, %swap3A_17], %dot_general3A_15 {strides = array<i32>} : memref<1000x128xf32, #tpu.memory_space<vmem>>, vector<1000x128xf32>,
    return
  }
  func.func @transform_0(%arg0: i32) -> (i32, i32) {
    %c0_i32 = arith.constant 0 : i32
    %c0_i32_0 = arith.constant 0 : i32
    return %arg0, %c0_i32 : i32, i32
  }
  func.func @transform_1(%arg0: i32) -> (i32, i32) {
    %c0_i32 = arith.constant 0 : i32
    %c0_i32_0 = arith.constant 0 : i32
    return %arg0, %c0_i32 : i32, i32
  }
  func.func @transform_2(%arg0: i32) -> (i32, i32) {
    %c0_i32 = arith.constant 0 : i32
    %c0_i32_0 = arith.constant 0 : i32
    %c0_i32_1 = arith.constant 0 : i32
    return %c0_i32, %c0_i32_0 : i32, i32
  }
  func.func @transform_3(%arg0: i32) -> (i32, i32) {
    %c0_i32 = arith.constant 0 : i32
    %c0_i32_0 = arith.constant 0 : i32
    %c0_i32_1 = arith.constant 0 : i32
    return %c0_i32, %c0_i32_0 : i32, i32
  }
  func.func @transform_4(%arg0: i32) -> (i32, i32) {
    %c0_i32 = arith.constant 0 : i32
    %c0_i32_0 = arith.constant 0 : i32
    return %arg0, %c0_i32 : i32, i32
  }
  func.func @transform_5(%arg0: i32) -> (i32, i32) {
    %c0_i32 = arith.constant 0 : i32
    %c0_i32_0 = arith.constant 0 : i32
    return %arg0, %c0_i32 : i32, i32
  }
}

module attributes {stable_mosaic.version = 14 : i64} {
  func.func @_red_body(%arg0: i32, %arg1: memref<8x2500x128xf32, #tpu.memory_space<vmem>>, %arg2: memref<2500x128xf32, #tpu.memory_space<vmem>>, %arg3: memref<2xf32, #tpu.memory_space<smem>>) attributes {dimension_semantics = [#tpu.dimension_semantics<arbitrary>], iteration_bounds = array<i64: 4>, scalar_prefetch = 0 : i64, scratch_operands = 0 : i64, tpu.core_type = #tpu.core_type<tc>, window_params = [{transform_indices = @transform_0, window_bounds = array<i64: 8, 2500, 128>}, {pipeline_mode = #tpu.pipeline_mode<synchronous>, transform_indices = @transform_1, window_bounds = array<i64: 2500, 128>}, {transform_indices = @transform_2, window_bounds = array<i64: 2>}]} {
    %get3A = arith.constant 0 : index
    %get3A_0 = arith.constant 0 : index
    %get3A_1 = arith.constant 0 : index
    %get3A_2 = vector.load %arg1[%get3A, %get3A_0, %get3A_1] : memref<8x2500x128xf32, #tpu.memory_space<vmem>>, vector<8x2500x128xf32>
    %reduce_sum3A = arith.constant dense<0.000000e+00> : vector<2500x128xf32>
    %reduce_sum3A_3 = vector.multi_reduction <add>, %get3A_2, %reduce_sum3A [0] : vector<8x2500x128xf32> to vector<2500x128xf32>
    %eq3A = arith.constant 0 : i32
    %eq3A_4 = arith.cmpi eq, %arg0, %eq3A : i32
    %convert_element_type3A = arith.extui %eq3A_4 : i1 to i32
    %cond3A = arith.constant 0 : i32
    %cond3A_5 = arith.cmpi ne, %convert_element_type3A, %cond3A : i32
    scf.if %cond3A_5 {
      %swap3A = arith.constant 0 : index
      %swap3A_15 = arith.constant 0 : index
      %swap3A_16 = vector.load %arg2[%swap3A, %swap3A_15] : memref<2500x128xf32, #tpu.memory_space<vmem>>, vector<2500x128xf32>
      tpu.vector_store %arg2[%swap3A, %swap3A_15], %reduce_sum3A_3 {strides = array<i32>} : memref<2500x128xf32, #tpu.memory_space<vmem>>, vector<2500x128xf32>,
    } else {
    }
    %gt3A = arith.constant 0 : i32
    %gt3A_6 = arith.cmpi sgt, %arg0, %gt3A : i32
    %convert_element_type3A_7 = arith.extui %gt3A_6 : i1 to i32
    %cond3A_8 = arith.constant 0 : i32
    %cond3A_9 = arith.cmpi ne, %convert_element_type3A_7, %cond3A_8 : i32
    scf.if %cond3A_9 {
      %get3A_15 = arith.constant 0 : index
      %get3A_16 = arith.constant 0 : index
      %get3A_17 = vector.load %arg2[%get3A_15, %get3A_16] : memref<2500x128xf32, #tpu.memory_space<vmem>>, vector<2500x128xf32>
      %add3A = arith.addf %get3A_17, %reduce_sum3A_3 : vector<2500x128xf32>
      %swap3A = arith.constant 0 : index
      %swap3A_18 = arith.constant 0 : index
      %swap3A_19 = vector.load %arg2[%swap3A, %swap3A_18] : memref<2500x128xf32, #tpu.memory_space<vmem>>, vector<2500x128xf32>
      tpu.vector_store %arg2[%swap3A, %swap3A_18], %add3A {strides = array<i32>} : memref<2500x128xf32, #tpu.memory_space<vmem>>, vector<2500x128xf32>,
    } else {
    }
    %eq3A_10 = arith.constant 3 : i32
    %eq3A_11 = arith.cmpi eq, %arg0, %eq3A_10 : i32
    %convert_element_type3A_12 = arith.extui %eq3A_11 : i1 to i32
    %cond3A_13 = arith.constant 0 : i32
    %cond3A_14 = arith.cmpi ne, %convert_element_type3A_12, %cond3A_13 : i32
    scf.if %cond3A_14 {
      %get3A_15 = arith.constant 0 : index
      %get3A_16 = arith.constant 0 : index
      %get3A_17 = vector.load %arg2[%get3A_15, %get3A_16] : memref<2500x128xf32, #tpu.memory_space<vmem>>, vector<2500x128xf32>
      %reduce_sum3A_18 = vector.shape_cast %get3A_17 : vector<2500x128xf32> to vector<1x2500x128xf32>
      %reduce_sum3A_19 = arith.constant dense<0.000000e+00> : vector<1xf32>
      %reduce_sum3A_20 = vector.multi_reduction <add>, %reduce_sum3A_18, %reduce_sum3A_19 [1, 2] : vector<1x2500x128xf32> to vector<1xf32>
      %reduce_sum3A_21 = vector.shape_cast %reduce_sum3A_20 : vector<1xf32> to vector<1x1x1xf32>
      %reduce_sum3A_22 = vector.extract %reduce_sum3A_21[0, 0, 0] : f32 from vector<1x1x1xf32>
      %swap3A = arith.constant 0 : index
      %swap3A_23 = memref.load %arg3[%swap3A] : memref<2xf32, #tpu.memory_space<smem>>
      memref.store %reduce_sum3A_22, %arg3[%swap3A] : memref<2xf32, #tpu.memory_space<smem>>
      %mul3A = arith.mulf %get3A_17, %get3A_17 : vector<2500x128xf32>
      %reduce_sum3A_24 = vector.shape_cast %mul3A : vector<2500x128xf32> to vector<1x2500x128xf32>
      %reduce_sum3A_25 = arith.constant dense<0.000000e+00> : vector<1xf32>
      %reduce_sum3A_26 = vector.multi_reduction <add>, %reduce_sum3A_24, %reduce_sum3A_25 [1, 2] : vector<1x2500x128xf32> to vector<1xf32>
      %reduce_sum3A_27 = vector.shape_cast %reduce_sum3A_26 : vector<1xf32> to vector<1x1x1xf32>
      %reduce_sum3A_28 = vector.extract %reduce_sum3A_27[0, 0, 0] : f32 from vector<1x1x1xf32>
      %swap3A_29 = arith.constant 1 : index
      %swap3A_30 = memref.load %arg3[%swap3A_29] : memref<2xf32, #tpu.memory_space<smem>>
      memref.store %reduce_sum3A_28, %arg3[%swap3A_29] : memref<2xf32, #tpu.memory_space<smem>>
    } else {
    }
    return
  }
  func.func @transform_0(%arg0: i32) -> (i32, i32, i32) {
    %c0_i32 = arith.constant 0 : i32
    %c0_i32_0 = arith.constant 0 : i32
    %c0_i32_1 = arith.constant 0 : i32
    return %arg0, %c0_i32, %c0_i32_0 : i32, i32, i32
  }
  func.func @transform_1(%arg0: i32) -> (i32, i32) {
    %c0_i32 = arith.constant 0 : i32
    %c0_i32_0 = arith.constant 0 : i32
    %c0_i32_1 = arith.constant 0 : i32
    return %c0_i32, %c0_i32_0 : i32, i32
  }
  func.func @transform_2(%arg0: i32) -> i32 {
    %c0_i32 = arith.constant 0 : i32
    %c0_i32_0 = arith.constant 0 : i32
    return %c0_i32 : i32
  }
}

module attributes {stable_mosaic.version = 14 : i64} {
  func.func @_fin_body(%arg0: i32, %arg1: memref<2500x128xf32, #tpu.memory_space<vmem>>, %arg2: memref<2500x128xf32, #tpu.memory_space<vmem>>, %arg3: memref<2xf32, #tpu.memory_space<smem>>, %arg4: memref<2500x128xf32, #tpu.memory_space<vmem>>) attributes {dimension_semantics = [#tpu.dimension_semantics<arbitrary>], iteration_bounds = array<i64: 1>, scalar_prefetch = 0 : i64, scratch_operands = 0 : i64, tpu.core_type = #tpu.core_type<tc>, window_params = [{pipeline_mode = #tpu.pipeline_mode<synchronous>, transform_indices = @transform_0, window_bounds = array<i64: 2500, 128>}, {pipeline_mode = #tpu.pipeline_mode<synchronous>, transform_indices = @transform_1, window_bounds = array<i64: 2500, 128>}, {transform_indices = @transform_2, window_bounds = array<i64: 2>}, {pipeline_mode = #tpu.pipeline_mode<synchronous>, transform_indices = @transform_3, window_bounds = array<i64: 2500, 128>}]} {
    %get3A = arith.constant 0 : index
    %get3A_0 = memref.load %arg3[%get3A] : memref<2xf32, #tpu.memory_space<smem>>
    %get3A_1 = arith.constant 1 : index
    %get3A_2 = memref.load %arg3[%get3A_1] : memref<2xf32, #tpu.memory_space<smem>>
    %get3A_3 = arith.constant 0 : index
    %get3A_4 = arith.constant 0 : index
    %get3A_5 = vector.load %arg2[%get3A_3, %get3A_4] : memref<2500x128xf32, #tpu.memory_space<vmem>>, vector<2500x128xf32>
    %gt3A = arith.constant 5.000000e-01 : f32
    %gt3A_6 = vector.broadcast %gt3A : f32 to vector<2500x128xf32>
    %gt3A_7 = arith.cmpf ogt, %get3A_5, %gt3A_6 : vector<2500x128xf32>
    %get3A_8 = arith.constant 0 : index
    %get3A_9 = arith.constant 0 : index
    %get3A_10 = vector.load %arg1[%get3A_8, %get3A_9] : memref<2500x128xf32, #tpu.memory_space<vmem>>, vector<2500x128xf32>
    %mul3A = vector.broadcast %get3A_0 : f32 to vector<2500x128xf32>
    %mul3A_11 = arith.mulf %get3A_10, %mul3A : vector<2500x128xf32>
    %add3A = vector.broadcast %get3A_2 : f32 to vector<2500x128xf32>
    %add3A_12 = arith.addf %mul3A_11, %add3A : vector<2500x128xf32>
    %jit3A = arith.constant 0xFF800000 : f32
    %broadcast_in_dim3A = vector.broadcast %jit3A : f32 to vector<2500x128xf32>
    %select_n3A = arith.select %gt3A_7, %broadcast_in_dim3A, %add3A_12 : vector<2500x128xi1>, vector<2500x128xf32>
    %swap3A = arith.constant 0 : index
    %swap3A_13 = arith.constant 0 : index
    %swap3A_14 = vector.load %arg4[%swap3A, %swap3A_13] : memref<2500x128xf32, #tpu.memory_space<vmem>>, vector<2500x128xf32>
    tpu.vector_store %arg4[%swap3A, %swap3A_13], %select_n3A {strides = array<i32>} : memref<2500x128xf32, #tpu.memory_space<vmem>>, vector<2500x128xf32>,
    return
  }
  func.func @transform_0(%arg0: i32) -> (i32, i32) {
    %c0_i32 = arith.constant 0 : i32
    %c0_i32_0 = arith.constant 0 : i32
    %c0_i32_1 = arith.constant 0 : i32
    return %c0_i32, %c0_i32_0 : i32, i32
  }
  func.func @transform_1(%arg0: i32) -> (i32, i32) {
    %c0_i32 = arith.constant 0 : i32
    %c0_i32_0 = arith.constant 0 : i32
    %c0_i32_1 = arith.constant 0 : i32
    return %c0_i32, %c0_i32_0 : i32, i32
  }
  func.func @transform_2(%arg0: i32) -> i32 {
    %c0_i32 = arith.constant 0 : i32
    %c0_i32_0 = arith.constant 0 : i32
    return %c0_i32 : i32
  }
  func.func @transform_3(%arg0: i32) -> (i32, i32) {
    %c0_i32 = arith.constant 0 : i32
    %c0_i32_0 = arith.constant 0 : i32
    %c0_i32_1 = arith.constant 0 : i32
    return %c0_i32, %c0_i32_0 : i32, i32
  }
}

</mosaic_0001>

<sc_bundles>
// kernel: kernel.10.cloned.1.call-start
scs
__scs_entry_jumppad:
0x0: {  	(pc) =	sbr.rel $0x88, $3  }
0x1: {  	(tag) =	ssettag $0x0;
	lr =	simm.s32 $0x1  }
0x2: {  	[smem:$0x3F98] =	sst lr;
	_ =	strace $0xD0000000  }
0x3: {  	_ = 	snop  }
0x4: {  	_ = 	snop  }
0x5: {  	_ = 	snop  }
0x6: {  	_ = 	snop  }
0x7: {  	_ = 	snop  }
__scs_overlays_trampoline_lowered:
0x8: {  	[smem:$0x3FA7] =	sst s0  }
0x9: {  	[smem:$0x3FA8] =	sst s1  }
0xa: {  	[smem:$0x3FA9] =	sst s2  }
0xb: {  	[smem:$0x3FAA] =	sst s3  }
0xc: {  	[smem:$0x3FAB] =	sst s4  }
0xd: {  	[smem:$0x3FAC] =	sst s5  }
0xe: {  	[smem:$0x3FAD] =	sst s6  }
0xf: {  	[smem:$0x3FAE] =	sst s7  }
0x10: {  	[smem:$0x3FAF] =	sst s8  }
0x11: {  	[smem:$0x3FB0] =	sst s9;
	s0 =	simm.s32 @!p0 $0x0  }
0x12: {  	s1 =	sld [smem:$0x3F96];
	s0 =	simm.s32 @p0 $0x1  }
0x13: {  	[smem:$0x3FB1] =	sst s0;
	s0 =	simm.s32 @!p1 $0x0  }
0x14: {  	s2 =	sld [smem:$0x3F95];
	s0 =	simm.s32 @p1 $0x1  }
0x15: {  	[smem:$0x3FB2] =	sst s0;
	s0 =	simm.s32 @!p2 $0x0  }
0x16: {  	s3 =	sld [smem:$0x3FDB];
	s0 =	simm.s32 @p2 $0x1  }
0x17: {  	s4 =	simm.s32 $0x1BF5;
	[smem:$0x3FB4] =	sst s0  }
0x18: {  	s0 =	sld [smem:$0x3F97];
	_ =	swait.ge [sflag:s4], $0x0  }
0x19: {  	s7 =	sld [smem:$0x3F98]  }
0x1a: {  	s8 =	sadd.s32 $0xFFFFE003, lr  }
0x1b: {  	s9 =	sadd.s32 $0xFFFFFEF7, lr;
	s5 =	simm.s32 $0xFFFFFFFF;
	p2 =	slt.u32 s8, $0xFFFFF086  }
0x1c: {  	p1 =	slt.u32 s9, $0xF7A;
	s5 =	simm.s32 @!p2 $0x0  }
0x1d: {  	s5 =	simm.s32 @p1 $0x1;
	p0 =	seq.s32 s7, s2  }
0x1e: {  	s7 =	smul.u32 @!p0 $0xF7A, s2;
	p2 =	seq.s32 @!p0 s5, $0x0  }
0x1f: {  	s9 =	smul.u32 $0xF7A, s1;
	s8 =	simm.s32 @!p0 $0x1BF5;
	p2 =	por !p2, p0  }
0x20: {  	[sflag:s8] =	ssyncset.s32 @!p0 $0xFFFFF086;
	s6 =	sadd.s32 @!p0 s3, s7;
	s7 =	simm.s32 @!p0 $0x108  }
0x21: {  	s3 =	sadd.s32 s3, s9;
	s6 =	sadd.s32 @!p0 $0x88, s6;
	s7 =	simm.s32 @p2 $0x1082  }
0x22: {  	[simem:s7], [sflag:s8] =	dma.local @!p0 [hbm:s6], $0xF7A  }
0x23: {  	s9 =	sor.u32 $0xD0000000, s2;
	s6 =	simm.s32 $0x108;
	_ =	swait.ge @!p0 [sflag:s8], $0x0  }
0x24: {  	s3 =	sadd.s32 $0x88, s3;
	s6 =	simm.s32 @!p1 $0x1082;
	[sflag:s4] =	ssyncset.s32 $0xFFFFF086  }
0x25: {  	[simem:s6], [sflag:s4] =	dma.local [hbm:s3], $0xF7A  }
0x26: {  	[smem:$0x3F98] =	sst s1;
	(tag) =	ssettag s2;
	_ =	strace s9  }
0x27: {  	s1 =	sld [smem:$0x3FA8]  }
0x28: {  	s2 =	sld [smem:$0x3FA9]  }
0x29: {  	s4 =	sld [smem:$0x3FAB]  }
0x2a: {  	p0 =	seq.s32 s5, $0x0;
	s5 =	sld [smem:$0x3FAC]  }
0x2b: {  	s6 =	sld [smem:$0x3FAD]  }
0x2c: {  	s7 =	sld [smem:$0x3FAE]  }
0x2d: {  	s3 =	simm.s32 $0x108;
	s8 =	sld [smem:$0x3FAF]  }
0x2e: {  	s3 =	simm.s32 @!p0 $0x1082;
	s9 =	sld [smem:$0x3FB0]  }
0x2f: {  	lr =	sadd.s32 s0, s3;
	s0 =	sld [smem:$0x3FA7]  }
0x30: {  	s3 =	sld [smem:$0x3FAA]  }
0x31: {  	[smem:$0x3FB3] =	sst s10  }
0x32: {  	s10 =	sld [smem:$0x3FB1];
	_ =	sdelay $0x3  }
0x33: {  	p0 =	seq.s32 s10, $0x1;
	s10 =	sld [smem:$0x3FB3];
	_ =	sdelay $0x3  }
0x34: {  	[smem:$0x3FB3] =	sst s10  }
0x35: {  	s10 =	sld [smem:$0x3FB2];
	_ =	sdelay $0x3  }
0x36: {  	p1 =	seq.s32 s10, $0x1;
	s10 =	sld [smem:$0x3FB3];
	_ =	sdelay $0x3  }
0x37: {  	[smem:$0x3FB3] =	sst s10  }
0x38: {  	s10 =	sld [smem:$0x3FB4]  }
0x39: {  	_ = 	snop;
	(pc) =	sbr.ind lr, $3  }
0x3a: {  	_ = 	snop  }
0x3b: {  	_ = 	snop  }
0x3c: {  	p2 =	seq.s32 s10, $0x1;
	s10 =	sld [smem:$0x3FB3]  }
0x3d: {  	_ =	shalt  }
0x3e: {  	_ =	shalt  }
0x3f: {  	_ =	shalt  }
0x40: {  	_ =	shalt  }
0x41: {  	_ =	shalt  }
0x42: {  	_ =	shalt  }
0x43: {  	_ =	shalt  }
0x44: {  	_ =	shalt  }
0x45: {  	_ =	shalt  }
0x46: {  	_ =	shalt  }
0x47: {  	_ =	shalt  }
0x48: {  	_ =	shalt  }
0x49: {  	_ =	shalt  }
0x4a: {  	_ =	shalt  }
0x4b: {  	_ =	shalt  }
0x4c: {  	_ =	shalt  }
0x4d: {  	_ =	shalt  }
0x4e: {  	_ =	shalt  }
0x4f: {  	_ =	shalt  }
0x50: {  	_ =	shalt  }
0x51: {  	_ =	shalt  }
0x52: {  	_ =	shalt  }
0x53: {  	_ =	shalt  }
0x54: {  	_ =	shalt  }
0x55: {  	_ =	shalt  }
0x56: {  	_ =	shalt  }
0x57: {  	_ =	shalt  }
0x58: {  	_ =	shalt  }
0x59: {  	_ =	shalt  }
0x5a: {  	_ =	shalt  }
0x5b: {  	_ =	shalt  }
0x5c: {  	_ =	shalt  }
0x5d: {  	_ =	shalt  }
0x5e: {  	_ =	shalt  }
0x5f: {  	_ =	shalt  }
0x60: {  	_ =	shalt  }
0x61: {  	_ =	shalt  }
0x62: {  	_ =	shalt  }
0x63: {  	_ =	shalt  }
0x64: {  	_ =	shalt  }
0x65: {  	_ =	shalt  }
0x66: {  	_ =	shalt  }
0x67: {  	_ =	shalt  }
0x68: {  	_ =	shalt  }
0x69: {  	_ =	shalt  }
0x6a: {  	_ =	shalt  }
0x6b: {  	_ =	shalt  }
0x6c: {  	_ =	shalt  }
0x6d: {  	_ =	shalt  }
0x6e: {  	_ =	shalt  }
0x6f: {  	_ =	shalt  }
0x70: {  	_ =	shalt  }
0x71: {  	_ =	shalt  }
0x72: {  	_ =	shalt  }
0x73: {  	_ =	shalt  }
0x74: {  	_ =	shalt  }
0x75: {  	_ =	shalt  }
0x76: {  	_ =	shalt  }
0x77: {  	_ =	shalt  }
0x78: {  	_ =	shalt  }
0x79: {  	_ =	shalt  }
0x7a: {  	_ =	shalt  }
0x7b: {  	_ =	shalt  }
0x7c: {  	_ =	shalt  }
0x7d: {  	_ =	shalt  }
0x7e: {  	_ =	shalt  }
0x7f: {  	_ =	shalt  }
0x80: {  	_ =	shalt  }
0x81: {  	_ =	shalt  }
0x82: {  	_ =	shalt  }
0x83: {  	_ =	shalt  }
0x84: {  	_ =	shalt  }
0x85: {  	_ =	shalt  }
0x86: {  	_ =	shalt  }
0x87: {  	_ =	shalt  }
.Lfunc_end0:
.L_simem_size_0:
called_computation.1_lowered:
.L_overlay_start_0:
0x88: {  	s2 =	sld [smem:$0x3FD9]  }
0x89: {  	s3 =	sld [smem:$0x3FFE];
	_ =	sdelay $0x1  }
0x8a: {  	s1 =	srdreg.scid  }
0x8b: {  	s0 =	sand.u32 $0x1, s1  }
0x8c: {  	s17 =	sshll.u32 s0, $0xA;
	s2 =	sadd.s32 s3, s2  }
0x8d: {  	s2 =	sadd.s32 s2, s17  }
0x8e: {  	[smem:$0x3FBF] =	sst s2  }
0x8f: {  	_ = 	snop  }
0x90: {  	s2 =	sld [smem:$0x3FD0];
	(tm) =	ssettm $0x1  }
0x91: {  	s18 =	sld [smem:$0x3FFB];
	_ =	sdelay $0x3  }
0x92: {  	_ =	strace s18  }
0x93: {  	s3 =	sld [smem:$0x3FFC];
	_ =	sdelay $0x3  }
0x94: {  	_ =	strace s3  }
0x95: {  	s3 =	sld [smem:$0x3FFD];
	_ =	sdelay $0x3  }
0x96: {  	_ =	strace s3  }
0x97: {  	_ =	strace $0x8FFFFFFF  }
0x98: {  	s19 =	sld [smem:$0x3FDB];
	_ =	sdelay $0x1  }
0x99: {  	s4 =	simm.s32 $_scs_section_size  }
0x9a: {  	s5 =	simm.s32 $_size__tile_overlayer_lowered;
	s6 =	simm.s32 $_tile_overlayer_lowered  }
0x9b: {  	s22 =	simm.s32 $0x1BFF;
	s21 =	sshll.u32 s6, $0x1;
	s3 =	sadd.s32 s4, s19  }
0x9c: {  	s7 =	simm.s32 $0x0;
	s20 =	sshll.u32 s5, $0x1;
	s5 =	sadd.s32 s21, s3  }
0x9d: {  	[timem:s7], [sflag:s22] =	dma.local [hbm:s5], s20  }
0x9e: {  	_ =	swait.ge [sflag:s22], s20  }
0x9f: {  	s4 =	ssub.s32 $0x0, s20;
	[sflag:s22] =	ssyncset.done $0x0  }
0xa0: {  	[sflag:s22] =	ssyncadd.s32 s4;
	_ =	sdelay $0x1  }
0xa1: {  	s23 =	simm.s32 $0x1B8B  }
0xa2: {  	_ =	swait.ge [sflag:s23], $0x1  }
0xa3: {  	[sflag:s23] =	ssyncset.done $0x0  }
0xa4: {  	s25 =	simm.s32 $0x1B8E;
	s24 =	sld [smem:$0x3FFE];
	[sflag:s23] =	ssyncadd.s32 $0xFFFFFFFF  }
0xa5: {  	s26 =	simm.s32 $execute0_lowered;
	[smem:$0x3FD2] =	sst s25  }
0xa6: {  	s5 =	sshll.u32 s26, $0x1;
	_ =	strace $0x80000049;
	[dreg:$0x1] =	wrdreg $0xFFFFFFFF  }
0xa7: {  	s28 =	simm.s32 $_size_execute0_lowered;
	s3 =	sadd.s32 s3, s5;
	[dreg:$0x0] =	wrdreg $0x0  }
0xa8: {  	s5 =	sshll.u32 s28, $0x1;
	[dreg:$0x2] =	wrdreg s3  }
0xa9: {  	[dreg:$0x3] =	wrdreg s5  }
0xaa: {  	[dreg:$0x4] =	wrdreg $0xC0  }
0xab: {  	_ =	task [dreg:s7], $0x5FFFF  }
0xac: {  	[dreg:$0x1] =	wrdreg $0xFFFFFFFF  }
0xad: {  	[dreg:$0x0] =	wrdreg $0x60  }
0xae: {  	[dreg:$0x2] =	wrdreg s24  }
0xaf: {  	[dreg:$0x3] =	wrdreg s2  }
0xb0: {  	[dreg:$0x4] =	wrdreg $0x9  }
0xb1: {  	_ =	task.clear_ibuf [dreg:s7], $0x5FFFF;
	_ =	strace $0x90000049  }
0xb2: {  	s29 =	simm.s32 $0x9;
	_ =	strace $0x8000004B  }
0xb3: {  	_ =	swait.ge [sflag:s29], $0x1  }
0xb4: {  	[sflag:s29] =	ssyncadd.s32 $0xFFFFFFFF  }
0xb5: {  	_ =	strace $0x9000004B  }
0xb6: {  	_ =	sfence  }
0xb7: {  	s30 =	sld [smem:$0x0];
	_ =	sdelay $0x2  }
0xb8: {  	s31 =	sshll.u32 s1, $0xD;
	s1 =	sshrl.u32 s1, $0x2  }
0xb9: {  	s3 =	sand.u32 $0x4000, s31;
	s1 =	sadd.s32 s1, s30  }
0xba: {  	s0 =	sor.u32 s3, s0;
	s1 =	sshll.u32 s1, $0x11  }
0xbb: {  	s0 =	sor.u32 s1, s0  }
0xbc: {  	s0 =	sadd.s32 $0x8F2B, s0  }
0xbd: {  	[sflag:s0] =	ssyncadd.remote.s32 $0x1  }
0xbe: {  	_ =	sfence.sel $0xFFFF  }
0xbf: {  	[dreg:$0x0] =	wrdreg $0xFFFFFFFF;
	(pc) =	sbr.abs _section_cstart, $3  }
0xc0: {  	[dreg:$0x1] =	wrdreg $0xFFFFFFFF  }
0xc1: {  	_ =	task.clear_ibuf [dreg:s7], $0x2FFFF;
	_ =	strace $0x9FFFFFFF  }
0xc2: {  	(tm) =	ssettm $0x7FFFFFFF  }
0xc3: {  	_ =	shalt  }
tec
execute0_lowered:
.L_overlay_start_1:
0x0: {  	(tag) =	ssettag $0x1  }
0x1: {  	s0 =	rddreg [dreg:$0x0]  }
0x2: {  	s1 =	rddreg [dreg:$0x1];
	s3 =	simm.s32 $0x0;
	s2 =	srdreg.scid  }
0x3: {  	s4 =	stileid.u32;
	s28 =	simm.s32 $0x2800;
	s30 =	simm.s32 $0x3C00  }
0x4: {  	s29 =	simm.s32 $0xD080;
	s31 =	simm.s32 $0xB780;
	[smem:$0x7FF] =	sst s3  }
0x5: {  	s2 =	sand.u32 $0x1, s2;
	s4 =	sshll.u32 s4, $0x1;
	s5 =	sadd.s32 $0x1E00, s0  }
0x6: {  	s6 =	sadd.s32 $0x29200, s0;
	s17 =	sadd.s32 $0x29400, s0;
	s4 =	sor.u32 s2, s4  }
0x7: {  	_ =	strace $0x8000004A;
	[dreg:$0x3] =	wrdreg s6;
	s8 =	smul.u32 $0x2710, s4  }
0x8: {  	s7 =	sadd.s32 $0x15800, s0;
	[dreg:$0x4] =	wrdreg s17;
	s9 =	smul.u32 $0x4E20, s4  }
0x9: {  	s6 =	sadd.s32 $0x29800, s0;
	s2 =	ssub.s32 $0x2, s2;
	s11 =	smul.u32 $0x9C4, s4  }
0xa: {  	s10 =	sshrl.u32 s2, $0x1;
	s19 =	sshll.u32 s4, $0x2;
	s16 =	smul.u32 $0x4E200, s4  }
0xb: {  	s4 =	simm.s32 $0xE980;
	s2 =	ssub.s32 s2, s10;
	s8 =	sshrl.u32 s8, $0x3  }
0xc: {  	s18 =	sadd.s32 $0x1388, s9;
	s12 =	sadd.s32 s5, s11;
	s11 =	sadd.s32 s7, s11  }
0xd: {  	s21 =	sshrl.u32 s9, $0x3;
	[dreg:$0x5] =	wrdreg s12;
	s10 =	sshrl.u32 s18, $0x3  }
0xe: {  	s9 =	sadd.s32 $0x3A98, s9;
	[dreg:$0x6] =	wrdreg s11;
	s20 =	sadd.s32 s5, s10  }
0xf: {  	s22 =	sadd.s32 $0x4E2, s21;
	s10 =	sadd.s32 s7, s10;
	[dreg:$0x7] =	wrdreg s20  }
0x10: {  	s9 =	sshrl.u32 s9, $0x3;
	s12 =	sadd.s32 s5, s22;
	[dreg:$0x8] =	wrdreg s10  }
0x11: {  	s0 =	sadd.s32 s8, s0;
	s5 =	sadd.s32 s5, s9;
	[dreg:$0x9] =	wrdreg s12  }
0x12: {  	s15 =	sadd.s32 s1, s8;
	s23 =	sadd.s32 s7, s9;
	[dreg:$0xb] =	wrdreg s5  }
0x13: {  	s8 =	simm.s32 $0x0;
	s24 =	sadd.s32 $0xFA, s15;
	[dreg:$0xc] =	wrdreg s23  }
0x14: {  	s25 =	sadd.s32 $0x1F4, s15;
	s26 =	sadd.s32 $0x2EE, s15;
	[dreg:$0xd] =	wrdreg s24  }
0x15: {  	v0 =	vmov s19;
	s21 =	sadd.s32 $0x162000, s0;
	s0 =	simm.s32 $0x10280;
	[dreg:$0xe] =	wrdreg s25  }
0x16: {  	v1 =	vor.u32 $0x1, v0;
	v2 =	vor.u32 $0x2, v0;
	s10 =	sadd.s32 s7, s22;
	[dreg:$0xf] =	wrdreg s26;
	s20 =	sadd.s32 $0x3E8, s15  }
0x17: {  	v3 =	vor.u32 $0x3, v0;
	v4 =	vor.u32 $0x80, v0;
	v5 =	vor.u32 $0x81, v0;
	s22 =	smax.u32 s2, $0x1;
	s23 =	simm.s32 $0x4;
	s24 =	simm.s32 $0x5000  }
0x18: {  	v6 =	vor.u32 $0x82, v0;
	v7 =	vor.u32 $0x83, v0;
	v8 =	vor.u32 $0x100, v0;
	s25 =	simm.s32 $0x1400;
	s2 =	simm.s32 $0x10400;
	s26 =	simm.s32 $0x9E80  }
0x19: {  	v9 =	vor.u32 $0x101, v0;
	v10 =	vor.u32 $0x102, v0;
	v11 =	vor.u32 $0x103, v0;
	s5 =	simm.s32 $0x2;
	s7 =	simm.s32 $0x3;
	[dreg:$0xa] =	wrdreg s10  }
.LBB2_1:
0x1a: {  	s9 =	rddreg [dreg:$0x5]  }
0x1b: {  	[tilespmem:s3], [sflag:$0x4] =	stream.linear.gather [hbm4b:s9+s3], $0x1388, $0x38;
	[tilespmem:$0x16700] =	vst v63  }
0x1c: {  	_ =	swait.ge [sflag:s23], $0x1388  }
0x1d: {  	[sflag:s23] =	ssyncset.done $0x0  }
0x1e: {  	s17 =	rddreg [dreg:$0x6];
	[sflag:s23] =	ssyncadd.s32 $0xFFFFEC78  }
0x1f: {  	[tilespmem:s24], [sflag:$0x4] =	stream.linear.gather [hbm4b:s17+s3], $0x1388, $0x38;
	[tilespmem:$0x16700] =	vst v63  }
0x20: {  	_ =	swait.ge [sflag:s23], $0x1388  }
0x21: {  	[sflag:s23] =	ssyncset.done $0x0  }
0x22: {  	s18 =	rddreg [dreg:$0x7];
	[sflag:s23] =	ssyncadd.s32 $0xFFFFEC78  }
0x23: {  	[tilespmem:s25], [sflag:$0x4] =	stream.linear.gather [hbm4b:s18+s3], $0x1388, $0x38;
	[tilespmem:$0x16700] =	vst v63  }
0x24: {  	_ =	swait.ge [sflag:s23], $0x1388  }
0x25: {  	[sflag:s23] =	ssyncset.done $0x0  }
0x26: {  	s10 =	simm.s32 $0x6390;
	s19 =	rddreg [dreg:$0x8];
	[sflag:s23] =	ssyncadd.s32 $0xFFFFEC78  }
0x27: {  	[tilespmem:s10], [sflag:$0x4] =	stream.linear.gather [hbm4b:s19+s3], $0x1388, $0x38;
	[tilespmem:$0x16700] =	vst v63  }
0x28: {  	_ =	swait.ge [sflag:s23], $0x1388  }
0x29: {  	[sflag:s23] =	ssyncset.done $0x0  }
0x2a: {  	s10 =	rddreg [dreg:$0x9];
	[sflag:s23] =	ssyncadd.s32 $0xFFFFEC78  }
0x2b: {  	[tilespmem:s28], [sflag:$0x4] =	stream.linear.gather [hbm4b:s10+s3], $0x1388, $0x38;
	[tilespmem:$0x16700] =	vst v63  }
0x2c: {  	_ =	swait.ge [sflag:s23], $0x1388  }
0x2d: {  	[sflag:s23] =	ssyncset.done $0x0  }
0x2e: {  	s12 =	simm.s32 $0x7720;
	s11 =	rddreg [dreg:$0xa];
	[sflag:s23] =	ssyncadd.s32 $0xFFFFEC78  }
0x2f: {  	[tilespmem:s12], [sflag:$0x4] =	stream.linear.gather [hbm4b:s11+s3], $0x1388, $0x38;
	[tilespmem:$0x16700] =	vst v63  }
0x30: {  	_ =	swait.ge [sflag:s23], $0x1388  }
0x31: {  	[sflag:s23] =	ssyncset.done $0x0  }
0x32: {  	s13 =	rddreg [dreg:$0xb];
	[sflag:s23] =	ssyncadd.s32 $0xFFFFEC78  }
0x33: {  	[tilespmem:s30], [sflag:$0x4] =	stream.linear.gather [hbm4b:s13+s3], $0x1388, $0x38;
	[tilespmem:$0x16700] =	vst v63  }
0x34: {  	_ =	swait.ge [sflag:s23], $0x1388  }
0x35: {  	[sflag:s23] =	ssyncset.done $0x0  }
0x36: {  	s17 =	simm.s32 $0x8AB0;
	s14 =	rddreg [dreg:$0xc];
	[sflag:s23] =	ssyncadd.s32 $0xFFFFEC78  }
0x37: {  	[tilespmem:s17], [sflag:$0x4] =	stream.linear.gather [hbm4b:s14+s3], $0x1388, $0x38;
	[tilespmem:$0x16700] =	vst v63  }
0x38: {  	_ =	swait.ge [sflag:s23], $0x1388  }
0x39: {  	[sflag:s23] =	ssyncset.done $0x0  }
0x3a: {  	s18 =	rddreg [dreg:$0x3];
	[sflag:s23] =	ssyncadd.s32 $0xFFFFEC78  }
0x3b: {  	[tilespmem:s0], [sflag:$0x4] =	stream.linear.gather [hbm4b:s18+s3], $0x180, $0x38;
	[tilespmem:$0x16700] =	vst v63  }
0x3c: {  	_ =	swait.ge [sflag:s23], $0x180  }
0x3d: {  	[sflag:s23] =	ssyncset.done $0x0  }
0x3e: {  	s19 =	rddreg [dreg:$0x4];
	[sflag:s23] =	ssyncadd.s32 $0xFFFFFE80  }
0x3f: {  	[tilespmem:s2], [sflag:$0x4] =	stream.linear.gather [hbm4b:s19+s3], $0x1400, $0x38;
	[tilespmem:$0x16700] =	vst v63  }
0x40: {  	_ =	swait.ge [sflag:s23], $0x1400  }
0x41: {  	[sflag:s23] =	ssyncset.done $0x0  }
0x42: {  	[sflag:s23] =	ssyncadd.s32 $0xFFFFEC00  }
0x43: {  	v20 =	vld.idx.msk [tilespmem:v0+s0+$0x0], $0xffff  }
0x44: {  	v21 =	vld.idx.msk [tilespmem:v1+s0+$0x0], $0xffff  }
0x45: {  	v18 =	vld.idx.msk [tilespmem:v2+s0+$0x0], $0xffff  }
0x46: {  	v16 =	vld.idx.msk [tilespmem:v3+s0+$0x0], $0xffff  }
0x47: {  	v23 =	vld.idx.msk [tilespmem:v4+s0+$0x0], $0xffff  }
0x48: {  	v22 =	vld.idx.msk [tilespmem:v5+s0+$0x0], $0xffff  }
0x49: {  	v19 =	vld.idx.msk [tilespmem:v6+s0+$0x0], $0xffff  }
0x4a: {  	v17 =	vld.idx.msk [tilespmem:v7+s0+$0x0], $0xffff  }
0x4b: {  	v12 =	vld.idx.msk [tilespmem:v8+s0+$0x0], $0xffff  }
0x4c: {  	v13 =	vld.idx.msk [tilespmem:v9+s0+$0x0], $0xffff  }
0x4d: {  	v14 =	vld.idx.msk [tilespmem:v10+s0+$0x0], $0xffff  }
0x4e: {  	s9 =	simm.s32 $0x0;
	v15 =	vld.idx.msk [tilespmem:v11+s0+$0x0], $0xffff  }
0x4f: {  	v24 =	vld [tilespmem:s9+$0x0]  }
0x50: {  	v26 =	vld [tilespmem:s9+$0x1400]  }
0x51: {  	s10 =	simm.s32 $0x40;
	v25 =	vld [tilespmem:s9+$0x2800]  }
.LBB2_2:
0x52: {  	p0 =	sne.s32 s10, $0x4E00;
	v27 =	vld [tilespmem:s9+$0x3C00];
	_ =	sdelay $0x1  }
0x53: {  	v24 =	vmul.f32 v24, v20  }
.Ltmp0:
0x54: {  	v26 =	vmul.f32 v26, v21;
	(pc) =	sbr.rel @p0 .LBB2_2-.Ltmp0, $4  }
0x55: {  	s11 =	sshra.s32 s10, $0x2;
	[tilespmem:s9+$0x0] =	vst v24;
	v25 =	vmul.f32 v25, v18  }
0x56: {  	v24 =	vld [tilespmem:s11+$0x0];
	[tilespmem:s9+$0x1400] =	vst v26;
	v27 =	vmul.f32 v27, v16  }
0x57: {  	v26 =	vld [tilespmem:s11+$0x1400];
	[tilespmem:s9+$0x2800] =	vst v25  }
0x58: {  	s10 =	sadd.s32 $0x40, s10;
	v25 =	vld [tilespmem:s11+$0x2800];
	[tilespmem:s9+$0x3C00] =	vst v27;
	s9 =	smov.u32 s11  }
0x59: {  	v27 =	vld [tilespmem:s9+$0x3C00];
	_ =	sdelay $0x1  }
0x5a: {  	v24 =	vmul.f32 v24, v20  }
0x5b: {  	v26 =	vmul.f32 v26, v21  }
0x5c: {  	[tilespmem:s9+$0x0] =	vst v24;
	v24 =	vmul.f32 v25, v18  }
0x5d: {  	[tilespmem:s9+$0x1400] =	vst v26;
	v25 =	vmul.f32 v27, v16  }
0x5e: {  	[tilespmem:s9+$0x2800] =	vst v24  }
0x5f: {  	[tilespmem:s9+$0x3C00] =	vst v25;
	s9 =	simm.s32 $0x0  }
0x60: {  	v24 =	vld [tilespmem:s9+$0x5000]  }
0x61: {  	v26 =	vld [tilespmem:s9+$0x6390]  }
0x62: {  	s10 =	simm.s32 $0x40;
	v25 =	vld [tilespmem:s9+$0x7720]  }
.LBB2_4:
0x63: {  	p0 =	sne.s32 s10, $0x4E00;
	v27 =	vld [tilespmem:s9+$0x8AB0];
	_ =	sdelay $0x1  }
0x64: {  	v24 =	vmul.f32 v24, v20  }
0x65: {  	v26 =	vmul.f32 v26, v21  }
0x66: {  	v24 =	vadd.f32 v24, v23;
	v25 =	vmul.f32 v25, v18  }
.Ltmp1:
0x67: {  	v26 =	vadd.f32 v26, v22;
	v27 =	vmul.f32 v27, v16;
	(pc) =	sbr.rel @p0 .LBB2_4-.Ltmp1, $4  }
0x68: {  	s11 =	sshra.s32 s10, $0x2;
	[tilespmem:s9+$0x5000] =	vst v24;
	v25 =	vadd.f32 v25, v19  }
0x69: {  	v24 =	vld [tilespmem:s11+$0x5000];
	[tilespmem:s9+$0x6390] =	vst v26;
	v27 =	vadd.f32 v27, v17  }
0x6a: {  	v26 =	vld [tilespmem:s11+$0x6390];
	[tilespmem:s9+$0x7720] =	vst v25  }
0x6b: {  	s10 =	sadd.s32 $0x40, s10;
	v25 =	vld [tilespmem:s11+$0x7720];
	[tilespmem:s9+$0x8AB0] =	vst v27;
	s9 =	smov.u32 s11  }
0x6c: {  	v27 =	vld [tilespmem:s9+$0x8AB0];
	_ =	sdelay $0x1  }
0x6d: {  	v20 =	vmul.f32 v24, v20  }
0x6e: {  	v21 =	vmul.f32 v26, v21  }
0x6f: {  	v20 =	vadd.f32 v20, v23;
	v18 =	vmul.f32 v25, v18  }
0x70: {  	v21 =	vadd.f32 v21, v22;
	v16 =	vmul.f32 v27, v16  }
0x71: {  	[tilespmem:s9+$0x5000] =	vst v20;
	v18 =	vadd.f32 v18, v19  }
0x72: {  	[tilespmem:s9+$0x6390] =	vst v21;
	v16 =	vadd.f32 v16, v17  }
0x73: {  	[tilespmem:s9+$0x7720] =	vst v18  }
0x74: {  	s18 =	simm.s32 $0x0;
	s10 =	simm.s32 $0x64;
	s11 =	simm.s32 $0x0;
	[tilespmem:s9+$0x8AB0] =	vst v16  }
0x75: {  	[tilespmem:s26], [sflag:$0x1] =	stream.linear.gather [hbm4b:s1+s18], $0x1900, $0x38;
	[tilespmem:$0x16700] =	vst v63  }
.LBB2_6:
0x76: {  	s12 =	smul.u32 $0x3200, s11;
	_ =	sdelay $0x1  }
0x77: {  	s9 =	sshrl.u32 s12, $0x3  }
0x78: {  	s9 =	sadd.s32 s1, s9  }
0x79: {  	[tilespmem:s26], [sflag:$0x4] =	stream.linear.gather [hbm4b:s9+s3], $0x1900, $0x38;
	[tilespmem:$0x16700] =	vst v63  }
0x7a: {  	_ =	swait.ge [sflag:s23], $0x1900  }
0x7b: {  	p0 =	seq.s32 s11, $0x0;
	[sflag:s23] =	ssyncset.done $0x0  }
0x7c: {  	s9 =	simm.s32 @!p0 $0x2;
	[sflag:s23] =	ssyncadd.s32 $0xFFFFE700  }
0x7d: {  	_ =	swait.ge @!p0 [sflag:s9], $0x1900  }
0x7e: {  	v17 =	vmov s18;
	[sflag:s9] =	ssyncset.done @!p0 $0x0  }
0x7f: {  	s13 =	simm.s32 $0x0;
	v16 =	vadd.s32 $0x3AB0, v17;
	[sflag:s9] =	ssyncadd.s32 @!p0 $0xFFFFE700  }
0x80: {  	v18 =	vadd.s32 $0x2720, v17;
	v20 =	vld [tilespmem:s13+$0x9EB0]  }
0x81: {  	v19 =	vadd.s32 $0x1390, v17;
	v21 =	vld [tilespmem:s13+$0x9EA0]  }
0x82: {  	v22 =	vld [tilespmem:s13+$0x9E90]  }
0x83: {  	v24 =	vld [tilespmem:s13+$0x9E80]  }
0x84: {  	v16 =	vld.idx.msk [tilespmem:v16+s24+$0x0], $0xffff  }
0x85: {  	v37 =	vld.idx.msk [tilespmem:v18+s24+$0x0], $0xffff  }
0x86: {  	v19 =	vld.idx.msk [tilespmem:v19+s24+$0x0], $0xffff  }
0x87: {  	v17 =	vld.idx.msk [tilespmem:v17+s24+$0x0], $0xffff  }
0x88: {  	v18 =	vld.idx.msk [tilespmem:v20+s3+$0x0], $0xffff  }
0x89: {  	v23 =	vld.idx.msk [tilespmem:v20+s25+$0x0], $0xffff  }
0x8a: {  	v25 =	vld.idx.msk [tilespmem:v20+s28+$0x0], $0xffff  }
0x8b: {  	v26 =	vld.idx.msk [tilespmem:v22+s28+$0x0], $0xffff  }
0x8c: {  	v27 =	vld.idx.msk [tilespmem:v21+s30+$0x0], $0xffff  }
0x8d: {  	v28 =	vld.idx.msk [tilespmem:v24+s30+$0x0], $0xffff  }
0x8e: {  	v34 =	vld.idx.msk [tilespmem:v24+s3+$0x0], $0xffff  }
0x8f: {  	v33 =	vld.idx.msk [tilespmem:v22+s25+$0x0], $0xffff  }
0x90: {  	v18 =	vadd.f32 v17, v18  }
0x91: {  	v30 =	vld.idx.msk [tilespmem:v24+s28+$0x0], $0xffff;
	v29 =	vadd.f32 v19, v23;
	v25 =	vadd.f32 v37, v25  }
0x92: {  	v36 =	vld.idx.msk [tilespmem:v22+s30+$0x0], $0xffff;
	v32 =	vadd.f32 v37, v26;
	v27 =	vadd.f32 v16, v27  }
0x93: {  	v38 =	vld.idx.msk [tilespmem:v21+s28+$0x0], $0xffff;
	v31 =	vadd.f32 v16, v28;
	v23 =	vmul.f32 $9.999999770e-03, v18;
	v26 =	vmul.f32 $9.999999770e-03, v29  }
0x94: {  	v28 =	vld.idx.msk [tilespmem:v21+s25+$0x0], $0xffff;
	v33 =	vadd.f32 v19, v33;
	v34 =	vadd.f32 v17, v34;
	v39 =	vmul.f32 $9.999999770e-03, v32  }
0x95: {  	v35 =	vmul.f32 $9.999999770e-03, v25;
	v18 =	vmax.f32 v18, v23;
	v23 =	vld.idx.msk [tilespmem:v22+s3+$0x0], $0xffff;
	v40 =	vmax.f32 v29, v26  }
0x96: {  	v22 =	vmul.f32 $9.999999770e-03, v27;
	v29 =	vld.idx.msk [tilespmem:v24+s25+$0x0], $0xffff;
	v26 =	vadd.f32 v37, v30;
	v24 =	vmax.f32 v32, v39  }
0x97: {  	v32 =	vmax.f32 v25, v35;
	v35 =	vmul.f32 $9.999999770e-03, v31;
	v25 =	vld.idx.msk [tilespmem:v21+s3+$0x0], $0xffff;
	v18 =	vmul.f32 v18, v12  }
0x98: {  	v30 =	vld.idx.msk [tilespmem:v20+s30+$0x0], $0xffff;
	v21 =	vmul.f32 v40, v13;
	v20 =	vmul.f32 v24, v14;
	v24 =	vadd.f32 v37, v38  }
0x99: {  	s14 =	sshllo.u32 s11, $0x1;
	s17 =	simm.s32 $0x100;
	s9 =	smov.u32 s18;
	v22 =	vmax.f32 v27, v22;
	v27 =	vadd.f32 v16, v36;
	v36 =	vmul.f32 $9.999999770e-03, v33  }
.LBB2_7:
0x9a: {  	p1 =	sne.s32 s17, $0x6300  }
0x9b: {  	v37 =	vmul.f32 $9.999999770e-03, v34;
	v38 =	vmul.f32 $9.999999770e-03, v26;
	v31 =	vmax.f32 v31, v35;
	s9 =	sadd.s32 $0x1, s9;
	s19 =	smov.u32 s17;
	s17 =	sadd.s32 $0x100, s17  }
0x9c: {  	v29 =	vadd.f32 v19, v29;
	v32 =	vmul.f32 v32, v14;
	v33 =	vmax.f32 v33, v36  }
0x9d: {  	v23 =	vadd.f32 v17, v23;
	v34 =	vmax.f32 v34, v37;
	v33 =	vmul.f32 v33, v13  }
0x9e: {  	v19 =	vadd.f32 v19, v28;
	v26 =	vmax.f32 v26, v38;
	v34 =	vmul.f32 v34, v12  }
0x9f: {  	v35 =	vmul.f32 $9.999999770e-03, v27;
	v28 =	vmul.f32 $9.999999770e-03, v29;
	v16 =	vadd.f32 v16, v30  }
0xa0: {  	v17 =	vadd.f32 v17, v25;
	v26 =	vmul.f32 v26, v14;
	v30 =	vmul.f32 v31, v15  }
0xa1: {  	v27 =	vmax.f32 v27, v35;
	v25 =	vmax.f32 v29, v28;
	v28 =	vmul.f32 $9.999999770e-03, v24  }
0xa2: {  	v25 =	vmul.f32 v25, v13;
	v26 =	vadd.f32 v26, v34;
	v29 =	vmul.f32 $9.999999770e-03, v16  }
0xa3: {  	v31 =	vmul.f32 $9.999999770e-03, v17;
	v34 =	vmul.f32 $9.999999770e-03, v19  }
0xa4: {  	v24 =	vmax.f32 v24, v28;
	v25 =	vadd.f32 v30, v25;
	v16 =	vmax.f32 v16, v29  }
0xa5: {  	v28 =	vmul.f32 $9.999999770e-03, v23;
	v19 =	vmax.f32 v19, v34;
	v16 =	vmul.f32 v16, v15  }
0xa6: {  	v17 =	vmax.f32 v17, v31;
	v19 =	vmul.f32 v19, v13;
	v25 =	vadd.f32 v25, v26  }
0xa7: {  	v22 =	vmul.f32 v22, v15;
	v18 =	vadd.f32 v32, v18;
	v17 =	vmul.f32 v17, v12  }
0xa8: {  	v24 =	vmul.f32 v24, v14;
	v23 =	vmax.f32 v23, v28;
	v16 =	vadd.f32 v16, v21;
	[tilespmem:s13+$0xD080] =	vst v25  }
0xa9: {  	v21 =	vmul.f32 v23, v12;
	v23 =	vmul.f32 v27, v15;
	v19 =	vadd.f32 v22, v19  }
0xaa: {  	v17 =	vadd.f32 v24, v17;
	v22 =	vmov s9;
	v16 =	vadd.f32 v16, v18  }
0xab: {  	s19 =	sshra.s32 s19, $0x2;
	v18 =	vadd.s32 $0x3AB0, v22;
	v20 =	vadd.f32 v20, v21;
	v21 =	vadd.f32 v23, v33  }
0xac: {  	v23 =	vadd.s32 $0x2720, v22;
	v17 =	vadd.f32 v19, v17;
	v24 =	vld [tilespmem:s19+$0x9EB0];
	[tilespmem:s13+$0xD0B0] =	vst v16  }
0xad: {  	v19 =	vadd.s32 $0x1390, v22;
	v16 =	vadd.f32 v21, v20;
	v25 =	vld [tilespmem:s19+$0x9EA0]  }
0xae: {  	v20 =	vld [tilespmem:s19+$0x9E90];
	[tilespmem:s13+$0xD0A0] =	vst v17  }
0xaf: {  	v21 =	vld [tilespmem:s19+$0x9E80];
	[tilespmem:s13+$0xD090] =	vst v16;
	s13 =	smov.u32 s19  }
0xb0: {  	v16 =	vld.idx.msk [tilespmem:v18+s24+$0x0], $0xffff  }
0xb1: {  	v37 =	vld.idx.msk [tilespmem:v23+s24+$0x0], $0xffff  }
0xb2: {  	v19 =	vld.idx.msk [tilespmem:v19+s24+$0x0], $0xffff  }
0xb3: {  	v17 =	vld.idx.msk [tilespmem:v22+s24+$0x0], $0xffff  }
0xb4: {  	v18 =	vld.idx.msk [tilespmem:v24+s3+$0x0], $0xffff  }
0xb5: {  	v22 =	vld.idx.msk [tilespmem:v24+s25+$0x0], $0xffff  }
0xb6: {  	v23 =	vld.idx.msk [tilespmem:v24+s28+$0x0], $0xffff  }
0xb7: {  	v26 =	vld.idx.msk [tilespmem:v20+s28+$0x0], $0xffff  }
0xb8: {  	v27 =	vld.idx.msk [tilespmem:v25+s30+$0x0], $0xffff  }
0xb9: {  	v28 =	vld.idx.msk [tilespmem:v21+s30+$0x0], $0xffff  }
0xba: {  	v18 =	vadd.f32 v17, v18;
	v30 =	vld.idx.msk [tilespmem:v21+s28+$0x0], $0xffff  }
0xbb: {  	v22 =	vadd.f32 v19, v22;
	v34 =	vld.idx.msk [tilespmem:v21+s3+$0x0], $0xffff  }
0xbc: {  	v29 =	vmul.f32 $9.999999770e-03, v18;
	v32 =	vadd.f32 v37, v23;
	v33 =	vld.idx.msk [tilespmem:v20+s25+$0x0], $0xffff  }
0xbd: {  	v35 =	vadd.f32 v37, v26;
	v26 =	vmul.f32 $9.999999770e-03, v22;
	v36 =	vld.idx.msk [tilespmem:v20+s30+$0x0], $0xffff  }
0xbe: {  	v27 =	vadd.f32 v16, v27;
	v18 =	vmax.f32 v18, v29;
	v39 =	vmul.f32 $9.999999770e-03, v32;
	v38 =	vld.idx.msk [tilespmem:v25+s28+$0x0], $0xffff  }
0xbf: {  	v18 =	vmul.f32 v18, v12;
	v40 =	vmax.f32 v22, v26;
	v23 =	vld.idx.msk [tilespmem:v20+s3+$0x0], $0xffff;
	v20 =	vmul.f32 $9.999999770e-03, v35  }
.Ltmp2:
0xc0: {  	v31 =	vadd.f32 v16, v28;
	v26 =	vadd.f32 v37, v30;
	v29 =	vld.idx.msk [tilespmem:v21+s25+$0x0], $0xffff;
	v21 =	vmul.f32 $9.999999770e-03, v27;
	(pc) =	sbr.rel @p1 .LBB2_7-.Ltmp2, $4  }
0xc1: {  	v32 =	vmax.f32 v32, v39;
	v28 =	vld.idx.msk [tilespmem:v25+s25+$0x0], $0xffff;
	v20 =	vmax.f32 v35, v20  }
0xc2: {  	v35 =	vmul.f32 $9.999999770e-03, v31;
	v33 =	vadd.f32 v19, v33;
	v25 =	vld.idx.msk [tilespmem:v25+s3+$0x0], $0xffff;
	v22 =	vmax.f32 v27, v21  }
0xc3: {  	v34 =	vadd.f32 v17, v34;
	v27 =	vadd.f32 v16, v36;
	v21 =	vmul.f32 v40, v13;
	v30 =	vld.idx.msk [tilespmem:v24+s30+$0x0], $0xffff  }
0xc4: {  	v20 =	vmul.f32 v20, v14;
	v36 =	vmul.f32 $9.999999770e-03, v33;
	v24 =	vadd.f32 v37, v38  }
0xc5: {  	v37 =	vmul.f32 $9.999999770e-03, v34;
	v38 =	vmul.f32 $9.999999770e-03, v26  }
0xc6: {  	v31 =	vmax.f32 v31, v35;
	v29 =	vadd.f32 v19, v29;
	v32 =	vmul.f32 v32, v14  }
0xc7: {  	v23 =	vadd.f32 v17, v23;
	v55 =	vmul.f32 $9.999999770e-03, v27;
	v22 =	vmul.f32 v22, v15  }
0xc8: {  	v33 =	vmax.f32 v33, v36;
	v19 =	vadd.f32 v19, v28;
	v34 =	vmax.f32 v34, v37  }
0xc9: {  	v33 =	vmul.f32 v33, v13;
	v26 =	vmax.f32 v26, v38;
	v28 =	vmul.f32 $9.999999770e-03, v29  }
0xca: {  	v17 =	vadd.f32 v17, v25;
	v27 =	vmax.f32 v27, v55;
	v34 =	vmul.f32 v34, v12  }
0xcb: {  	v16 =	vadd.f32 v16, v30;
	v26 =	vmul.f32 v26, v14;
	v30 =	vmul.f32 v31, v15  }
0xcc: {  	v56 =	vmul.f32 $9.999999770e-03, v19;
	v25 =	vmax.f32 v29, v28;
	v28 =	vmul.f32 $9.999999770e-03, v24  }
0xcd: {  	v18 =	vadd.f32 v32, v18;
	v31 =	vmul.f32 $9.999999770e-03, v17;
	v29 =	vmul.f32 $9.999999770e-03, v16  }
0xce: {  	v25 =	vmul.f32 v25, v13;
	v26 =	vadd.f32 v26, v34;
	v19 =	vmax.f32 v19, v56  }
0xcf: {  	v24 =	vmax.f32 v24, v28;
	v28 =	vmul.f32 $9.999999770e-03, v23;
	v16 =	vmax.f32 v16, v29  }
0xd0: {  	v17 =	vmax.f32 v17, v31;
	v19 =	vmul.f32 v19, v13;
	v16 =	vmul.f32 v16, v15  }
0xd1: {  	v25 =	vadd.f32 v30, v25;
	v17 =	vmul.f32 v17, v12;
	v24 =	vmul.f32 v24, v14  }
0xd2: {  	v23 =	vmax.f32 v23, v28;
	v19 =	vadd.f32 v22, v19;
	v16 =	vadd.f32 v16, v21  }
0xd3: {  	v25 =	vadd.f32 v25, v26;
	v21 =	vmul.f32 v23, v12;
	v23 =	vmul.f32 v27, v15  }
0xd4: {  	v17 =	vadd.f32 v24, v17;
	v16 =	vadd.f32 v16, v18  }
0xd5: {  	v18 =	vadd.f32 v20, v21;
	v20 =	vadd.f32 v23, v33  }
0xd6: {  	[tilespmem:s13+$0xD080] =	vst v25;
	v17 =	vadd.f32 v19, v17  }
0xd7: {  	s9 =	sadd.s32 s16, s12;
	s12 =	smul.u32 $0x1900, s14;
	[tilespmem:s13+$0xD0B0] =	vst v16;
	v16 =	vadd.f32 v20, v18  }
0xd8: {  	s9 =	sshrl.u32 s9, $0x3;
	[tilespmem:s13+$0xD0A0] =	vst v17  }
0xd9: {  	s9 =	sadd.s32 s6, s9;
	s19 =	sshrl.u32 s12, $0x3;
	[tilespmem:s13+$0xD090] =	vst v16  }
0xda: {  	[hbm4b:s9+s3] =	stream.linear.scatter [tilespmem:s29], [sflag:$0x2], $0x1900, $0x38;
	[tilespmem:$0x16700] =	vst v63  }
0xdb: {  	s9 =	sadd.s32 s1, s19  }
0xdc: {  	[tilespmem:s31], [sflag:$0x4] =	stream.linear.gather [hbm4b:s9+s3], $0x1900, $0x38;
	[tilespmem:$0x16700] =	vst v63  }
0xdd: {  	_ =	swait.ge [sflag:s23], $0x1900  }
0xde: {  	[sflag:s23] =	ssyncset.done $0x0  }
0xdf: {  	s9 =	simm.s32 @!p0 $0x3;
	[sflag:s23] =	ssyncadd.s32 $0xFFFFE700  }
0xe0: {  	_ =	swait.ge @!p0 [sflag:s9], $0x1900  }
0xe1: {  	v17 =	vmov s10;
	[sflag:s9] =	ssyncset.done @!p0 $0x0  }
0xe2: {  	s13 =	simm.s32 $0x0;
	v16 =	vadd.s32 $0x3AB0, v17;
	[sflag:s9] =	ssyncadd.s32 @!p0 $0xFFFFE700  }
0xe3: {  	v18 =	vadd.s32 $0x2720, v17;
	v20 =	vld [tilespmem:s13+$0xB7B0]  }
0xe4: {  	v19 =	vadd.s32 $0x1390, v17;
	v21 =	vld [tilespmem:s13+$0xB7A0]  }
0xe5: {  	v22 =	vld [tilespmem:s13+$0xB790]  }
0xe6: {  	v23 =	vld [tilespmem:s13+$0xB780]  }
0xe7: {  	v16 =	vld.idx.msk [tilespmem:v16+s24+$0x0], $0xffff  }
0xe8: {  	v57 =	vld.idx.msk [tilespmem:v18+s24+$0x0], $0xffff  }
0xe9: {  	v19 =	vld.idx.msk [tilespmem:v19+s24+$0x0], $0xffff  }
0xea: {  	v17 =	vld.idx.msk [tilespmem:v17+s24+$0x0], $0xffff  }
0xeb: {  	v18 =	vld.idx.msk [tilespmem:v20+s3+$0x0], $0xffff  }
0xec: {  	v24 =	vld.idx.msk [tilespmem:v20+s25+$0x0], $0xffff  }
0xed: {  	v25 =	vld.idx.msk [tilespmem:v20+s28+$0x0], $0xffff  }
0xee: {  	v26 =	vld.idx.msk [tilespmem:v22+s28+$0x0], $0xffff  }
0xef: {  	v27 =	vld.idx.msk [tilespmem:v21+s30+$0x0], $0xffff  }
0xf0: {  	v28 =	vld.idx.msk [tilespmem:v23+s30+$0x0], $0xffff  }
0xf1: {  	v59 =	vld.idx.msk [tilespmem:v22+s25+$0x0], $0xffff  }
0xf2: {  	v58 =	vld.idx.msk [tilespmem:v23+s3+$0x0], $0xffff  }
0xf3: {  	v18 =	vadd.f32 v17, v18  }
0xf4: {  	v30 =	vld.idx.msk [tilespmem:v23+s28+$0x0], $0xffff;
	v29 =	vadd.f32 v19, v24;
	v25 =	vadd.f32 v57, v25  }
0xf5: {  	v61 =	vld.idx.msk [tilespmem:v22+s30+$0x0], $0xffff;
	v60 =	vadd.f32 v57, v26;
	v27 =	vadd.f32 v16, v27  }
0xf6: {  	v63 =	vld.idx.msk [tilespmem:v21+s28+$0x0], $0xffff;
	v31 =	vadd.f32 v16, v28;
	v33 =	vadd.f32 v19, v59;
	v24 =	vmul.f32 $9.999999770e-03, v18  }
0xf7: {  	v28 =	vld.idx.msk [tilespmem:v21+s25+$0x0], $0xffff;
	v34 =	vadd.f32 v17, v58;
	v26 =	vmul.f32 $9.999999770e-03, v29;
	v62 =	vmul.f32 $9.999999770e-03, v25  }
0xf8: {  	v39 =	vmul.f32 $9.999999770e-03, v60;
	v35 =	vmul.f32 $9.999999770e-03, v31;
	v18 =	vmax.f32 v18, v24;
	v24 =	vld.idx.msk [tilespmem:v22+s3+$0x0], $0xffff  }
0xf9: {  	v36 =	vmul.f32 $9.999999770e-03, v33;
	v40 =	vmax.f32 v29, v26;
	v22 =	vmul.f32 $9.999999770e-03, v27;
	v29 =	vld.idx.msk [tilespmem:v23+s25+$0x0], $0xffff  }
0xfa: {  	v23 =	vmax.f32 v60, v39;
	v32 =	vmax.f32 v25, v62;
	v25 =	vld.idx.msk [tilespmem:v21+s3+$0x0], $0xffff;
	v18 =	vmul.f32 v18, v12  }
0xfb: {  	v26 =	vadd.f32 v57, v30;
	v30 =	vld.idx.msk [tilespmem:v20+s30+$0x0], $0xffff;
	v21 =	vmul.f32 v40, v13;
	v20 =	vmul.f32 v23, v14  }
0xfc: {  	s14 =	simm.s32 $0x100;
	s9 =	smov.u32 s10;
	v23 =	vadd.f32 v57, v63;
	v22 =	vmax.f32 v27, v22;
	v27 =	vadd.f32 v16, v61  }
.LBB2_9:
0xfd: {  	p0 =	sne.s32 s14, $0x6300  }
0xfe: {  	v37 =	vmul.f32 $9.999999770e-03, v34;
	v38 =	vmul.f32 $9.999999770e-03, v26;
	v31 =	vmax.f32 v31, v35;
	s9 =	sadd.s32 $0x1, s9;
	s17 =	smov.u32 s14;
	s14 =	sadd.s32 $0x100, s14  }
0xff: {  	v29 =	vadd.f32 v19, v29;
	v32 =	vmul.f32 v32, v14;
	v33 =	vmax.f32 v33, v36  }
0x100: {  	v24 =	vadd.f32 v17, v24;
	v34 =	vmax.f32 v34, v37;
	v33 =	vmul.f32 v33, v13  }
0x101: {  	v19 =	vadd.f32 v19, v28;
	v26 =	vmax.f32 v26, v38;
	v34 =	vmul.f32 v34, v12  }
0x102: {  	v35 =	vmul.f32 $9.999999770e-03, v27;
	v28 =	vmul.f32 $9.999999770e-03, v29;
	v16 =	vadd.f32 v16, v30  }
0x103: {  	v17 =	vadd.f32 v17, v25;
	v26 =	vmul.f32 v26, v14;
	v30 =	vmul.f32 v31, v15  }
0x104: {  	v27 =	vmax.f32 v27, v35;
	v25 =	vmax.f32 v29, v28;
	v28 =	vmul.f32 $9.999999770e-03, v23  }
0x105: {  	v25 =	vmul.f32 v25, v13;
	v26 =	vadd.f32 v26, v34;
	v29 =	vmul.f32 $9.999999770e-03, v16  }
0x106: {  	v31 =	vmul.f32 $9.999999770e-03, v17;
	v34 =	vmul.f32 $9.999999770e-03, v19  }
0x107: {  	v23 =	vmax.f32 v23, v28;
	v25 =	vadd.f32 v30, v25;
	v16 =	vmax.f32 v16, v29  }
0x108: {  	v28 =	vmul.f32 $9.999999770e-03, v24;
	v19 =	vmax.f32 v19, v34;
	v16 =	vmul.f32 v16, v15  }
0x109: {  	v17 =	vmax.f32 v17, v31;
	v19 =	vmul.f32 v19, v13;
	v25 =	vadd.f32 v25, v26  }
0x10a: {  	v22 =	vmul.f32 v22, v15;
	v18 =	vadd.f32 v32, v18;
	v17 =	vmul.f32 v17, v12  }
0x10b: {  	v23 =	vmul.f32 v23, v14;
	v24 =	vmax.f32 v24, v28;
	v16 =	vadd.f32 v16, v21;
	[tilespmem:s13+$0xE980] =	vst v25  }
0x10c: {  	v21 =	vmul.f32 v24, v12;
	v24 =	vmul.f32 v27, v15;
	v19 =	vadd.f32 v22, v19  }
0x10d: {  	v17 =	vadd.f32 v23, v17;
	v22 =	vmov s9;
	v16 =	vadd.f32 v16, v18  }
0x10e: {  	s17 =	sshra.s32 s17, $0x2;
	v18 =	vadd.s32 $0x3AB0, v22;
	v20 =	vadd.f32 v20, v21;
	v21 =	vadd.f32 v24, v33  }
0x10f: {  	v24 =	vadd.s32 $0x2720, v22;
	v17 =	vadd.f32 v19, v17;
	v23 =	vld [tilespmem:s17+$0xB7B0];
	[tilespmem:s13+$0xE9B0] =	vst v16  }
0x110: {  	v19 =	vadd.s32 $0x1390, v22;
	v16 =	vadd.f32 v21, v20;
	v25 =	vld [tilespmem:s17+$0xB7A0]  }
0x111: {  	v20 =	vld [tilespmem:s17+$0xB790];
	[tilespmem:s13+$0xE9A0] =	vst v17  }
0x112: {  	v21 =	vld [tilespmem:s17+$0xB780];
	[tilespmem:s13+$0xE990] =	vst v16;
	s13 =	smov.u32 s17  }
0x113: {  	v16 =	vld.idx.msk [tilespmem:v18+s24+$0x0], $0xffff  }
0x114: {  	v37 =	vld.idx.msk [tilespmem:v24+s24+$0x0], $0xffff  }
0x115: {  	v19 =	vld.idx.msk [tilespmem:v19+s24+$0x0], $0xffff  }
0x116: {  	v17 =	vld.idx.msk [tilespmem:v22+s24+$0x0], $0xffff  }
0x117: {  	v18 =	vld.idx.msk [tilespmem:v23+s3+$0x0], $0xffff  }
0x118: {  	v22 =	vld.idx.msk [tilespmem:v23+s25+$0x0], $0xffff  }
0x119: {  	v24 =	vld.idx.msk [tilespmem:v23+s28+$0x0], $0xffff  }
0x11a: {  	v26 =	vld.idx.msk [tilespmem:v20+s28+$0x0], $0xffff  }
0x11b: {  	v27 =	vld.idx.msk [tilespmem:v25+s30+$0x0], $0xffff  }
0x11c: {  	v28 =	vld.idx.msk [tilespmem:v21+s30+$0x0], $0xffff  }
0x11d: {  	v18 =	vadd.f32 v17, v18;
	v30 =	vld.idx.msk [tilespmem:v21+s28+$0x0], $0xffff  }
0x11e: {  	v22 =	vadd.f32 v19, v22;
	v34 =	vld.idx.msk [tilespmem:v21+s3+$0x0], $0xffff  }
0x11f: {  	v29 =	vmul.f32 $9.999999770e-03, v18;
	v32 =	vadd.f32 v37, v24;
	v33 =	vld.idx.msk [tilespmem:v20+s25+$0x0], $0xffff  }
0x120: {  	v35 =	vadd.f32 v37, v26;
	v26 =	vmul.f32 $9.999999770e-03, v22;
	v36 =	vld.idx.msk [tilespmem:v20+s30+$0x0], $0xffff  }
0x121: {  	v27 =	vadd.f32 v16, v27;
	v18 =	vmax.f32 v18, v29;
	v39 =	vmul.f32 $9.999999770e-03, v32;
	v38 =	vld.idx.msk [tilespmem:v25+s28+$0x0], $0xffff  }
0x122: {  	v18 =	vmul.f32 v18, v12;
	v40 =	vmax.f32 v22, v26;
	v24 =	vld.idx.msk [tilespmem:v20+s3+$0x0], $0xffff;
	v20 =	vmul.f32 $9.999999770e-03, v35  }
.Ltmp3:
0x123: {  	v31 =	vadd.f32 v16, v28;
	v26 =	vadd.f32 v37, v30;
	v29 =	vld.idx.msk [tilespmem:v21+s25+$0x0], $0xffff;
	v21 =	vmul.f32 $9.999999770e-03, v27;
	(pc) =	sbr.rel @p0 .LBB2_9-.Ltmp3, $4  }
0x124: {  	v32 =	vmax.f32 v32, v39;
	v28 =	vld.idx.msk [tilespmem:v25+s25+$0x0], $0xffff;
	v20 =	vmax.f32 v35, v20  }
0x125: {  	v35 =	vmul.f32 $9.999999770e-03, v31;
	v33 =	vadd.f32 v19, v33;
	v25 =	vld.idx.msk [tilespmem:v25+s3+$0x0], $0xffff;
	v22 =	vmax.f32 v27, v21  }
0x126: {  	v34 =	vadd.f32 v17, v34;
	v27 =	vadd.f32 v16, v36;
	v21 =	vmul.f32 v40, v13;
	v30 =	vld.idx.msk [tilespmem:v23+s30+$0x0], $0xffff  }
0x127: {  	v20 =	vmul.f32 v20, v14;
	v36 =	vmul.f32 $9.999999770e-03, v33;
	v23 =	vadd.f32 v37, v38  }
0x128: {  	v37 =	vmul.f32 $9.999999770e-03, v34;
	v38 =	vmul.f32 $9.999999770e-03, v26  }
0x129: {  	v31 =	vmax.f32 v31, v35;
	v29 =	vadd.f32 v19, v29;
	v32 =	vmul.f32 v32, v14  }
0x12a: {  	v24 =	vadd.f32 v17, v24;
	v52 =	vmul.f32 $9.999999770e-03, v27;
	v22 =	vmul.f32 v22, v15  }
0x12b: {  	v33 =	vmax.f32 v33, v36;
	v50 =	vadd.f32 v19, v28;
	v53 =	vmul.f32 v31, v15  }
0x12c: {  	v55 =	vmul.f32 $9.999999770e-03, v23;
	v34 =	vmax.f32 v34, v37;
	v33 =	vmul.f32 v33, v13  }
0x12d: {  	v26 =	vmax.f32 v26, v38;
	v51 =	vmul.f32 $9.999999770e-03, v29;
	v17 =	vadd.f32 v17, v25  }
0x12e: {  	v27 =	vmax.f32 v27, v52;
	v59 =	vmul.f32 $9.999999770e-03, v24;
	v18 =	vadd.f32 v32, v18  }
0x12f: {  	v34 =	vmul.f32 v34, v12;
	v16 =	vadd.f32 v16, v30;
	v26 =	vmul.f32 v26, v14  }
0x130: {  	v58 =	vmul.f32 $9.999999770e-03, v50;
	v23 =	vmax.f32 v23, v55;
	v61 =	vmul.f32 v27, v15  }
0x131: {  	v54 =	vmax.f32 v29, v51;
	v57 =	vmul.f32 $9.999999770e-03, v17;
	v56 =	vmul.f32 $9.999999770e-03, v16  }
0x132: {  	v24 =	vmax.f32 v24, v59;
	v23 =	vmul.f32 v23, v14;
	v25 =	vmul.f32 v54, v13  }
0x133: {  	v26 =	vadd.f32 v26, v34;
	v19 =	vmax.f32 v50, v58;
	v16 =	vmax.f32 v16, v56  }
0x134: {  	v17 =	vmax.f32 v17, v57;
	v19 =	vmul.f32 v19, v13;
	v16 =	vmul.f32 v16, v15  }
0x135: {  	v63 =	vadd.f32 v61, v33;
	v25 =	vadd.f32 v53, v25;
	v17 =	vmul.f32 v17, v12  }
0x136: {  	v60 =	vmul.f32 v24, v12;
	v19 =	vadd.f32 v22, v19;
	v16 =	vadd.f32 v16, v21  }
0x137: {  	s11 =	sadd.s32 $0x1, s11;
	v25 =	vadd.f32 v25, v26;
	v17 =	vadd.f32 v23, v17  }
0x138: {  	p0 =	sne.s32 s11, $0x19;
	v62 =	vadd.f32 v20, v60;
	v16 =	vadd.f32 v16, v18  }
.Ltmp4:
0x139: {  	[tilespmem:s13+$0xE980] =	vst v25;
	v17 =	vadd.f32 v19, v17;
	(pc) =	sbr.rel @p0 .LBB2_6-.Ltmp4, $4  }
0x13a: {  	s9 =	sadd.s32 s16, s12;
	[tilespmem:s13+$0xE9B0] =	vst v16;
	v16 =	vadd.f32 v63, v62  }
0x13b: {  	s9 =	sshrl.u32 s9, $0x3;
	[tilespmem:s13+$0xE9A0] =	vst v17  }
0x13c: {  	s18 =	sadd.s32 $0xC8, s18;
	s10 =	sadd.s32 $0xC8, s10;
	s9 =	sadd.s32 s6, s9;
	[tilespmem:s13+$0xE990] =	vst v16  }
0x13d: {  	[hbm4b:s9+s3] =	stream.linear.scatter [tilespmem:s4], [sflag:$0x3], $0x1900, $0x38;
	[tilespmem:$0x16700] =	vst v63  }
0x13e: {  	s9 =	simm.s32 $0x0;
	s10 =	simm.s32 $0x11800  }
0x13f: {  	[tilespmem:s10], [sflag:$0x4] =	stream.linear.gather [hbm4b:s15+s9], $0x7D0, $0x38;
	[tilespmem:$0x16700] =	vst v63  }
0x140: {  	_ =	swait.ge [sflag:s23], $0x7D0  }
0x141: {  	[sflag:s23] =	ssyncset.done $0x0  }
0x142: {  	s11 =	simm.s32 $0x11FD0;
	s12 =	rddreg [dreg:$0xd];
	[sflag:s23] =	ssyncadd.s32 $0xFFFFF830  }
0x143: {  	[tilespmem:s11], [sflag:$0x4] =	stream.linear.gather [hbm4b:s12+s9], $0x7D0, $0x38;
	[tilespmem:$0x16700] =	vst v63  }
0x144: {  	_ =	swait.ge [sflag:s23], $0x7D0  }
0x145: {  	[sflag:s23] =	ssyncset.done $0x0  }
0x146: {  	s14 =	simm.s32 $0x127A0;
	s13 =	rddreg [dreg:$0xe];
	[sflag:s23] =	ssyncadd.s32 $0xFFFFF830  }
0x147: {  	[tilespmem:s14], [sflag:$0x4] =	stream.linear.gather [hbm4b:s13+s9], $0x7D0, $0x38;
	[tilespmem:$0x16700] =	vst v63  }
0x148: {  	_ =	swait.ge [sflag:s23], $0x7D0  }
0x149: {  	[sflag:s23] =	ssyncset.done $0x0  }
0x14a: {  	s18 =	simm.s32 $0x12F70;
	s17 =	rddreg [dreg:$0xf];
	[sflag:s23] =	ssyncadd.s32 $0xFFFFF830  }
0x14b: {  	[tilespmem:s18], [sflag:$0x4] =	stream.linear.gather [hbm4b:s17+s9], $0x7D0, $0x38;
	[tilespmem:$0x16700] =	vst v63  }
0x14c: {  	_ =	swait.ge [sflag:s23], $0x7D0  }
0x14d: {  	[sflag:s23] =	ssyncset.done $0x0  }
0x14e: {  	s19 =	simm.s32 $0x13740;
	[sflag:s23] =	ssyncadd.s32 $0xFFFFF830  }
0x14f: {  	[tilespmem:s19], [sflag:$0x4] =	stream.linear.gather [hbm4b:s20+s9], $0x7D0, $0x38;
	[tilespmem:$0x16700] =	vst v63  }
0x150: {  	_ =	swait.ge [sflag:s23], $0x7D0  }
0x151: {  	[sflag:s23] =	ssyncset.done $0x0  }
0x152: {  	s9 =	simm.s32 $0x0;
	[sflag:s23] =	ssyncadd.s32 $0xFFFFF830  }
0x153: {  	v12 =	vld [tilespmem:s9+$0x11800];
	_ =	sdelay $0x7  }
0x154: {  	s10 =	simm.s32 $0x10;
	s11 =	simm.s32 $0x80;
	v12 =	vld.idx.msk [tilespmem:v12+s2+$0x0], $0xffff  }
.LBB2_12:
0x155: {  	p0 =	sne.s32 s11, $0x9C00;
	v13 =	vld [tilespmem:s10+$0x11800];
	_ =	sdelay $0x3  }
.Ltmp5:
0x156: {  	(pc) =	sbr.rel @p0 .LBB2_12-.Ltmp5, $2  }
0x157: {  	[tilespmem:s9+$0x13F80] =	vst v12;
	s9 =	smov.u32 s10;
	_ =	sdelay $0x2  }
0x158: {  	s10 =	sshra.s32 s11, $0x2;
	s11 =	sadd.s32 $0x40, s11;
	v12 =	vld.idx.msk [tilespmem:v13+s2+$0x0], $0xffff  }
0x159: {  	v13 =	vld [tilespmem:s10+$0x11800];
	_ =	sdelay $0x6  }
0x15a: {  	[tilespmem:s9+$0x13F80] =	vst v12  }
0x15b: {  	v12 =	vld.idx.msk [tilespmem:v13+s2+$0x0], $0xffff;
	_ =	sdelay $0x4  }
0x15c: {  	s19 =	simm.s32 $0x13F80;
	[tilespmem:s10+$0x13F80] =	vst v12  }
0x15d: {  	[hbm4b:s21+s3] =	stream.linear.scatter [tilespmem:s19], [sflag:$0x4], $0x2710, $0x38;
	[tilespmem:$0x16700] =	vst v63  }
0x15e: {  	_ =	swait.ge [sflag:s23], $0x2710  }
0x15f: {  	[sflag:s23] =	ssyncset.done $0x0  }
0x160: {  	s8 =	sadd.s32 $0x1, s8;
	[sflag:s23] =	ssyncadd.s32 $0xFFFFD8F0  }
0x161: {  	p0 =	sne.s32 s8, s22;
	_ =	swait.ge [sflag:s5], $0x1900  }
.Ltmp6:
0x162: {  	[sflag:s5] =	ssyncset.done $0x0;
	(pc) =	sbr.rel @p0 .LBB2_1-.Ltmp6, $4  }
0x163: {  	[sflag:s5] =	ssyncadd.s32 $0xFFFFE700  }
0x164: {  	_ =	swait.ge [sflag:s7], $0x1900  }
0x165: {  	[sflag:s7] =	ssyncset.done $0x0  }
0x166: {  	[sflag:s7] =	ssyncadd.s32 $0xFFFFE700  }
0x167: {  	_ =	sfence.sel $0x180000  }
0x168: {  	[bflag:$0x0] =	sbarrier.arrive $0xFFFF  }
0x169: {  	_ =	strace $0x9000004A  }
0x16a: {  	s0 =	stileid.u32;
	[bflag:$0x2] =	sbarrier.arrive $0xFFFF  }
0x16b: {  	p0 =	sne.s32 s0, $0x0;
	s0 =	rddreg [dreg:$0x2]  }
0x16c: {  	s0 =	sadd.s32 @!p0 $0x100000, s0  }
0x16d: {  	[sflag:s0] =	ssyncadd.tile.s32 @!p0 $0x1;
	_ =	shalt  }
.Lfunc_end2:
_tile_overlayer_lowered:
.L_overlay_start_2:
0x16e: {  	(tag) =	ssettag $0x2  }
0x16f: {  	s0 =	rddreg [dreg:$0x0];
	s2 =	stileid.u32  }
0x170: {  	s1 =	rddreg [dreg:$0x1];
	p0 =	sne.s32 s2, $0x0  }
0x171: {  	s3 =	rddreg [dreg:$0x2];
	[bflag:$0x3] =	sbarrier.arrive $0xFFFF;
	s2 =	simm.s32 @!p0 $0x1C04  }
0x172: {  	[timem:s3], [sflag:s2] =	dma.local @!p0 [hbm:s0], s1  }
0x173: {  	s0 =	simm.s32 @!p0 $0x4  }
0x174: {  	_ =	swait.ge @!p0 [sflag:s0], s1  }
0x175: {  	s1 =	ssub.s32 @!p0 $0x0, s1;
	[sflag:s0] =	ssyncset.done @!p0 $0x0  }
0x176: {  	[sflag:s0] =	ssyncadd.s32 @!p0 s1  }
0x177: {  	[bflag:$0x3] =	sbarrier.arrive $0xFFFF  }
0x178: {  	_ =	shalt  }

// kernel: kernel.7.cloned.1.call-start
scs
__scs_entry_jumppad:
0x0: {  	(pc) =	sbr.rel $0x88, $3  }
0x1: {  	(tag) =	ssettag $0x0;
	lr =	simm.s32 $0x1  }
0x2: {  	[smem:$0x3F98] =	sst lr;
	_ =	strace $0xD0000000  }
0x3: {  	_ = 	snop  }
0x4: {  	_ = 	snop  }
0x5: {  	_ = 	snop  }
0x6: {  	_ = 	snop  }
0x7: {  	_ = 	snop  }
__scs_overlays_trampoline_lowered:
0x8: {  	[smem:$0x3FA7] =	sst s0  }
0x9: {  	[smem:$0x3FA8] =	sst s1  }
0xa: {  	[smem:$0x3FA9] =	sst s2  }
0xb: {  	[smem:$0x3FAA] =	sst s3  }
0xc: {  	[smem:$0x3FAB] =	sst s4  }
0xd: {  	[smem:$0x3FAC] =	sst s5  }
0xe: {  	[smem:$0x3FAD] =	sst s6  }
0xf: {  	[smem:$0x3FAE] =	sst s7  }
0x10: {  	[smem:$0x3FAF] =	sst s8  }
0x11: {  	[smem:$0x3FB0] =	sst s9;
	s0 =	simm.s32 @!p0 $0x0  }
0x12: {  	s1 =	sld [smem:$0x3F96];
	s0 =	simm.s32 @p0 $0x1  }
0x13: {  	[smem:$0x3FB1] =	sst s0;
	s0 =	simm.s32 @!p1 $0x0  }
0x14: {  	s2 =	sld [smem:$0x3F95];
	s0 =	simm.s32 @p1 $0x1  }
0x15: {  	[smem:$0x3FB2] =	sst s0;
	s0 =	simm.s32 @!p2 $0x0  }
0x16: {  	s3 =	sld [smem:$0x3FDB];
	s0 =	simm.s32 @p2 $0x1  }
0x17: {  	s4 =	simm.s32 $0x1BF5;
	[smem:$0x3FB4] =	sst s0  }
0x18: {  	s0 =	sld [smem:$0x3F97];
	_ =	swait.ge [sflag:s4], $0x0  }
0x19: {  	s7 =	sld [smem:$0x3F98]  }
0x1a: {  	s8 =	sadd.s32 $0xFFFFE003, lr  }
0x1b: {  	s9 =	sadd.s32 $0xFFFFFEF7, lr;
	s5 =	simm.s32 $0xFFFFFFFF;
	p2 =	slt.u32 s8, $0xFFFFF086  }
0x1c: {  	p1 =	slt.u32 s9, $0xF7A;
	s5 =	simm.s32 @!p2 $0x0  }
0x1d: {  	s5 =	simm.s32 @p1 $0x1;
	p0 =	seq.s32 s7, s2  }
0x1e: {  	s7 =	smul.u32 @!p0 $0xF7A, s2;
	p2 =	seq.s32 @!p0 s5, $0x0  }
0x1f: {  	s9 =	smul.u32 $0xF7A, s1;
	s8 =	simm.s32 @!p0 $0x1BF5;
	p2 =	por !p2, p0  }
0x20: {  	[sflag:s8] =	ssyncset.s32 @!p0 $0xFFFFF086;
	s6 =	sadd.s32 @!p0 s3, s7;
	s7 =	simm.s32 @!p0 $0x108  }
0x21: {  	s3 =	sadd.s32 s3, s9;
	s6 =	sadd.s32 @!p0 $0x88, s6;
	s7 =	simm.s32 @p2 $0x1082  }
0x22: {  	[simem:s7], [sflag:s8] =	dma.local @!p0 [hbm:s6], $0xF7A  }
0x23: {  	s9 =	sor.u32 $0xD0000000, s2;
	s6 =	simm.s32 $0x108;
	_ =	swait.ge @!p0 [sflag:s8], $0x0  }
0x24: {  	s3 =	sadd.s32 $0x88, s3;
	s6 =	simm.s32 @!p1 $0x1082;
	[sflag:s4] =	ssyncset.s32 $0xFFFFF086  }
0x25: {  	[simem:s6], [sflag:s4] =	dma.local [hbm:s3], $0xF7A  }
0x26: {  	[smem:$0x3F98] =	sst s1;
	(tag) =	ssettag s2;
	_ =	strace s9  }
0x27: {  	s1 =	sld [smem:$0x3FA8]  }
0x28: {  	s2 =	sld [smem:$0x3FA9]  }
0x29: {  	s4 =	sld [smem:$0x3FAB]  }
0x2a: {  	p0 =	seq.s32 s5, $0x0;
	s5 =	sld [smem:$0x3FAC]  }
0x2b: {  	s6 =	sld [smem:$0x3FAD]  }
0x2c: {  	s7 =	sld [smem:$0x3FAE]  }
0x2d: {  	s3 =	simm.s32 $0x108;
	s8 =	sld [smem:$0x3FAF]  }
0x2e: {  	s3 =	simm.s32 @!p0 $0x1082;
	s9 =	sld [smem:$0x3FB0]  }
0x2f: {  	lr =	sadd.s32 s0, s3;
	s0 =	sld [smem:$0x3FA7]  }
0x30: {  	s3 =	sld [smem:$0x3FAA]  }
0x31: {  	[smem:$0x3FB3] =	sst s10  }
0x32: {  	s10 =	sld [smem:$0x3FB1];
	_ =	sdelay $0x3  }
0x33: {  	p0 =	seq.s32 s10, $0x1;
	s10 =	sld [smem:$0x3FB3];
	_ =	sdelay $0x3  }
0x34: {  	[smem:$0x3FB3] =	sst s10  }
0x35: {  	s10 =	sld [smem:$0x3FB2];
	_ =	sdelay $0x3  }
0x36: {  	p1 =	seq.s32 s10, $0x1;
	s10 =	sld [smem:$0x3FB3];
	_ =	sdelay $0x3  }
0x37: {  	[smem:$0x3FB3] =	sst s10  }
0x38: {  	s10 =	sld [smem:$0x3FB4]  }
0x39: {  	_ = 	snop;
	(pc) =	sbr.ind lr, $3  }
0x3a: {  	_ = 	snop  }
0x3b: {  	_ = 	snop  }
0x3c: {  	p2 =	seq.s32 s10, $0x1;
	s10 =	sld [smem:$0x3FB3]  }
0x3d: {  	_ =	shalt  }
0x3e: {  	_ =	shalt  }
0x3f: {  	_ =	shalt  }
0x40: {  	_ =	shalt  }
0x41: {  	_ =	shalt  }
0x42: {  	_ =	shalt  }
0x43: {  	_ =	shalt  }
0x44: {  	_ =	shalt  }
0x45: {  	_ =	shalt  }
0x46: {  	_ =	shalt  }
0x47: {  	_ =	shalt  }
0x48: {  	_ =	shalt  }
0x49: {  	_ =	shalt  }
0x4a: {  	_ =	shalt  }
0x4b: {  	_ =	shalt  }
0x4c: {  	_ =	shalt  }
0x4d: {  	_ =	shalt  }
0x4e: {  	_ =	shalt  }
0x4f: {  	_ =	shalt  }
0x50: {  	_ =	shalt  }
0x51: {  	_ =	shalt  }
0x52: {  	_ =	shalt  }
0x53: {  	_ =	shalt  }
0x54: {  	_ =	shalt  }
0x55: {  	_ =	shalt  }
0x56: {  	_ =	shalt  }
0x57: {  	_ =	shalt  }
0x58: {  	_ =	shalt  }
0x59: {  	_ =	shalt  }
0x5a: {  	_ =	shalt  }
0x5b: {  	_ =	shalt  }
0x5c: {  	_ =	shalt  }
0x5d: {  	_ =	shalt  }
0x5e: {  	_ =	shalt  }
0x5f: {  	_ =	shalt  }
0x60: {  	_ =	shalt  }
0x61: {  	_ =	shalt  }
0x62: {  	_ =	shalt  }
0x63: {  	_ =	shalt  }
0x64: {  	_ =	shalt  }
0x65: {  	_ =	shalt  }
0x66: {  	_ =	shalt  }
0x67: {  	_ =	shalt  }
0x68: {  	_ =	shalt  }
0x69: {  	_ =	shalt  }
0x6a: {  	_ =	shalt  }
0x6b: {  	_ =	shalt  }
0x6c: {  	_ =	shalt  }
0x6d: {  	_ =	shalt  }
0x6e: {  	_ =	shalt  }
0x6f: {  	_ =	shalt  }
0x70: {  	_ =	shalt  }
0x71: {  	_ =	shalt  }
0x72: {  	_ =	shalt  }
0x73: {  	_ =	shalt  }
0x74: {  	_ =	shalt  }
0x75: {  	_ =	shalt  }
0x76: {  	_ =	shalt  }
0x77: {  	_ =	shalt  }
0x78: {  	_ =	shalt  }
0x79: {  	_ =	shalt  }
0x7a: {  	_ =	shalt  }
0x7b: {  	_ =	shalt  }
0x7c: {  	_ =	shalt  }
0x7d: {  	_ =	shalt  }
0x7e: {  	_ =	shalt  }
0x7f: {  	_ =	shalt  }
0x80: {  	_ =	shalt  }
0x81: {  	_ =	shalt  }
0x82: {  	_ =	shalt  }
0x83: {  	_ =	shalt  }
0x84: {  	_ =	shalt  }
0x85: {  	_ =	shalt  }
0x86: {  	_ =	shalt  }
0x87: {  	_ =	shalt  }
.Lfunc_end0:
.L_simem_size_0:
called_computation_lowered:
.L_overlay_start_0:
0x88: {  	s2 =	sld [smem:$0x3FD9]  }
0x89: {  	s3 =	sld [smem:$0x3FFE];
	_ =	sdelay $0x1  }
0x8a: {  	s1 =	srdreg.scid  }
0x8b: {  	s0 =	sand.u32 $0x1, s1  }
0x8c: {  	s17 =	sshll.u32 s0, $0xA;
	s2 =	sadd.s32 s3, s2  }
0x8d: {  	s2 =	sadd.s32 s2, s17  }
0x8e: {  	[smem:$0x3FBF] =	sst s2  }
0x8f: {  	_ = 	snop  }
0x90: {  	s2 =	sld [smem:$0x3FD0];
	(tm) =	ssettm $0x1  }
0x91: {  	s18 =	sld [smem:$0x3FFB];
	_ =	sdelay $0x3  }
0x92: {  	_ =	strace s18  }
0x93: {  	s3 =	sld [smem:$0x3FFC];
	_ =	sdelay $0x3  }
0x94: {  	_ =	strace s3  }
0x95: {  	s3 =	sld [smem:$0x3FFD];
	_ =	sdelay $0x3  }
0x96: {  	_ =	strace s3  }
0x97: {  	_ =	strace $0x8FFFFFFF  }
0x98: {  	s19 =	sld [smem:$0x3FDB];
	_ =	sdelay $0x1  }
0x99: {  	s4 =	simm.s32 $_scs_section_size  }
0x9a: {  	s5 =	simm.s32 $_size__tile_overlayer_lowered;
	s6 =	simm.s32 $_tile_overlayer_lowered  }
0x9b: {  	s22 =	simm.s32 $0x1BFF;
	s21 =	sshll.u32 s6, $0x1;
	s3 =	sadd.s32 s4, s19  }
0x9c: {  	s7 =	simm.s32 $0x0;
	s20 =	sshll.u32 s5, $0x1;
	s5 =	sadd.s32 s21, s3  }
0x9d: {  	[timem:s7], [sflag:s22] =	dma.local [hbm:s5], s20  }
0x9e: {  	_ =	swait.ge [sflag:s22], s20  }
0x9f: {  	s4 =	ssub.s32 $0x0, s20;
	[sflag:s22] =	ssyncset.done $0x0  }
0xa0: {  	[sflag:s22] =	ssyncadd.s32 s4;
	_ =	sdelay $0x1  }
0xa1: {  	s23 =	simm.s32 $0x1B8B  }
0xa2: {  	_ =	swait.ge [sflag:s23], $0x1  }
0xa3: {  	[sflag:s23] =	ssyncset.done $0x0  }
0xa4: {  	s25 =	simm.s32 $0x1B8E;
	s24 =	sld [smem:$0x3FFE];
	[sflag:s23] =	ssyncadd.s32 $0xFFFFFFFF  }
0xa5: {  	s26 =	simm.s32 $execute0_lowered;
	[smem:$0x3FD2] =	sst s25  }
0xa6: {  	s5 =	sshll.u32 s26, $0x1;
	_ =	strace $0x80000046;
	[dreg:$0x1] =	wrdreg $0xFFFFFFFF  }
0xa7: {  	s28 =	simm.s32 $_size_execute0_lowered;
	s3 =	sadd.s32 s3, s5;
	[dreg:$0x0] =	wrdreg $0x0  }
0xa8: {  	s5 =	sshll.u32 s28, $0x1;
	[dreg:$0x2] =	wrdreg s3  }
0xa9: {  	[dreg:$0x3] =	wrdreg s5  }
0xaa: {  	[dreg:$0x4] =	wrdreg $0xC0  }
0xab: {  	_ =	task [dreg:s7], $0x5FFFF  }
0xac: {  	[dreg:$0x1] =	wrdreg $0xFFFFFFFF  }
0xad: {  	[dreg:$0x0] =	wrdreg $0x60  }
0xae: {  	[dreg:$0x2] =	wrdreg s24  }
0xaf: {  	[dreg:$0x3] =	wrdreg s2  }
0xb0: {  	[dreg:$0x4] =	wrdreg $0x9  }
0xb1: {  	_ =	task.clear_ibuf [dreg:s7], $0x5FFFF;
	_ =	strace $0x90000046  }
0xb2: {  	s29 =	simm.s32 $0x9;
	_ =	strace $0x80000048  }
0xb3: {  	_ =	swait.ge [sflag:s29], $0x1  }
0xb4: {  	[sflag:s29] =	ssyncadd.s32 $0xFFFFFFFF  }
0xb5: {  	_ =	strace $0x90000048  }
0xb6: {  	_ =	sfence  }
0xb7: {  	s30 =	sld [smem:$0x0];
	_ =	sdelay $0x2  }
0xb8: {  	s31 =	sshll.u32 s1, $0xD;
	s1 =	sshrl.u32 s1, $0x2  }
0xb9: {  	s3 =	sand.u32 $0x4000, s31;
	s1 =	sadd.s32 s1, s30  }
0xba: {  	s0 =	sor.u32 s3, s0;
	s1 =	sshll.u32 s1, $0x11  }
0xbb: {  	s0 =	sor.u32 s1, s0  }
0xbc: {  	s0 =	sadd.s32 $0x8F2B, s0  }
0xbd: {  	[sflag:s0] =	ssyncadd.remote.s32 $0x1  }
0xbe: {  	_ =	sfence.sel $0xFFFF  }
0xbf: {  	[dreg:$0x0] =	wrdreg $0xFFFFFFFF;
	(pc) =	sbr.abs _section_cstart, $3  }
0xc0: {  	[dreg:$0x1] =	wrdreg $0xFFFFFFFF  }
0xc1: {  	_ =	task.clear_ibuf [dreg:s7], $0x2FFFF;
	_ =	strace $0x9FFFFFFF  }
0xc2: {  	(tm) =	ssettm $0x7FFFFFFF  }
0xc3: {  	_ =	shalt  }
tec
execute0_lowered:
.L_overlay_start_1:
0x0: {  	(tag) =	ssettag $0x1  }
0x1: {  	s4 =	rddreg [dreg:$0x0]  }
0x2: {  	s2 =	rddreg [dreg:$0x1]  }
0x3: {  	s0 =	rddreg [dreg:$0x2];
	s3 =	simm.s32 $0x0;
	s5 =	srdreg.scid  }
0x4: {  	s1 =	stileid.u32;
	s13 =	simm.s32 $0x2800;
	s14 =	simm.s32 $0x3C00  }
0x5: {  	s15 =	simm.s32 $0x5000;
	s16 =	simm.s32 $0x9E80;
	s17 =	simm.s32 $0xB780  }
0x6: {  	s18 =	simm.s32 $0x1;
	s19 =	simm.s32 $0x2;
	s20 =	simm.s32 $0xD080  }
0x7: {  	s21 =	simm.s32 $0x0;
	s5 =	sand.u32 $0x1, s5;
	s6 =	sshll.u32 s1, $0x1  }
0x8: {  	[smem:$0x7FF] =	sst s3;
	s7 =	sadd.s32 $0x1E00, s4;
	s6 =	sor.u32 s5, s6  }
0x9: {  	_ =	strace $0x80000047;
	s5 =	ssub.s32 $0x2, s5;
	s8 =	smul.u32 $0x9C4, s6  }
0xa: {  	s9 =	sshll.u32 s6, $0x4;
	s10 =	sshrl.u32 s5, $0x1;
	s6 =	smul.u32 $0x4E20, s6  }
0xb: {  	s9 =	sadd.s32 s9, s4;
	s10 =	ssub.s32 s5, s10;
	s11 =	sadd.s32 s8, s4  }
0xc: {  	s4 =	sadd.s32 s7, s8;
	s29 =	sadd.s32 $0x1388, s6;
	s30 =	sshrl.u32 s6, $0x3  }
0xd: {  	s12 =	sadd.s32 $0x3A98, s6;
	s9 =	sadd.s32 $0x29200, s9;
	s10 =	smax.u32 s10, $0x1  }
0xe: {  	s5 =	sshrl.u32 s29, $0x3;
	s8 =	sadd.s32 s7, s30;
	s31 =	sshrl.u32 s12, $0x3  }
0xf: {  	s12 =	simm.s32 $0x1400;
	s5 =	sadd.s32 s7, s5;
	s6 =	sadd.s32 $0x4E2, s8  }
0x10: {  	s7 =	sadd.s32 s7, s31;
	s8 =	sadd.s32 $0x15800, s11;
	s11 =	simm.s32 $0x3  }
.LBB2_1:
0x11: {  	[tilespmem:s3], [sflag:$0x3] =	stream.linear.gather [hbm4b:s4+s3], $0x1388, $0x38;
	[tilespmem:$0xD100] =	vst v63  }
0x12: {  	_ =	swait.ge [sflag:s11], $0x1388  }
0x13: {  	[sflag:s11] =	ssyncset.done $0x0  }
0x14: {  	[sflag:s11] =	ssyncadd.s32 $0xFFFFEC78  }
0x15: {  	[tilespmem:s12], [sflag:$0x3] =	stream.linear.gather [hbm4b:s5+s3], $0x1388, $0x38;
	[tilespmem:$0xD100] =	vst v63  }
0x16: {  	_ =	swait.ge [sflag:s11], $0x1388  }
0x17: {  	[sflag:s11] =	ssyncset.done $0x0  }
0x18: {  	[sflag:s11] =	ssyncadd.s32 $0xFFFFEC78  }
0x19: {  	[tilespmem:s13], [sflag:$0x3] =	stream.linear.gather [hbm4b:s6+s3], $0x1388, $0x38;
	[tilespmem:$0xD100] =	vst v63  }
0x1a: {  	_ =	swait.ge [sflag:s11], $0x1388  }
0x1b: {  	[sflag:s11] =	ssyncset.done $0x0  }
0x1c: {  	[sflag:s11] =	ssyncadd.s32 $0xFFFFEC78  }
0x1d: {  	[tilespmem:s14], [sflag:$0x3] =	stream.linear.gather [hbm4b:s7+s3], $0x1388, $0x38;
	[tilespmem:$0xD100] =	vst v63  }
0x1e: {  	_ =	swait.ge [sflag:s11], $0x1388  }
0x1f: {  	[sflag:s11] =	ssyncset.done $0x0  }
0x20: {  	[sflag:s11] =	ssyncadd.s32 $0xFFFFEC78  }
0x21: {  	[tilespmem:s15], [sflag:$0x3] =	stream.linear.gather [hbm4b:s8+s3], $0x4E20, $0x38;
	[tilespmem:$0xD100] =	vst v63  }
0x22: {  	_ =	swait.ge [sflag:s11], $0x4E20  }
0x23: {  	v0 =	vimm.f32 $0.0e+00;
	v1 =	vimm.f32 $0.0e+00;
	s22 =	simm.s32 $0x64;
	[sflag:s11] =	ssyncset.done $0x0  }
0x24: {  	v4 =	vimm.f32 $0.0e+00;
	v5 =	vimm.f32 $0.0e+00;
	v2 =	vimm.f32 $0.0e+00;
	s23 =	simm.s32 $0x0;
	s24 =	simm.s32 $0x0;
	[sflag:s11] =	ssyncadd.s32 $0xFFFFB1E0  }
0x25: {  	v3 =	vimm.f32 $0.0e+00;
	v6 =	vimm.f32 $0.0e+00;
	v7 =	vimm.f32 $0.0e+00;
	[tilespmem:s16], [sflag:$0x1] =	stream.linear.gather [hbm4b:s2+s3], $0x1900, $0x38;
	[tilespmem:$0xD100] =	vst v63  }
.LBB2_2:
0x26: {  	s25 =	sshllo.u32 s24, $0x1  }
0x27: {  	s25 =	smul.u32 $0x320, s25;
	_ =	sdelay $0x1  }
0x28: {  	s26 =	simm.s32 $0x0;
	s25 =	sadd.s32 s2, s25  }
0x29: {  	[tilespmem:s17], [sflag:$0x2] =	stream.linear.gather [hbm4b:s25+s26], $0x1900, $0x38;
	[tilespmem:$0xD100] =	vst v63  }
0x2a: {  	_ =	swait.ge [sflag:s18], $0x1900  }
0x2b: {  	s31 =	sadd.s32 $0x0, s23;
	[sflag:s18] =	ssyncset.done $0x0  }
0x2c: {  	v8 =	vmov s31;
	s25 =	simm.s32 $0x9EA0;
	[sflag:s18] =	ssyncadd.s32 $0xFFFFE700  }
0x2d: {  	v9 =	vadd.s32 $0x1388, v8;
	v16 =	vld [tilespmem:s25+$0x10]  }
0x2e: {  	v13 =	vadd.s32 $0x2710, v8;
	v17 =	vld [tilespmem:s25+$0x0]  }
0x2f: {  	v14 =	vadd.s32 $0x3A98, v8;
	v21 =	vld [tilespmem:s25+$0xFFFFFFF0]  }
0x30: {  	v12 =	vld [tilespmem:s25+$0xFFFFFFE0]  }
0x31: {  	v11 =	vld.idx.msk [tilespmem:v8+s15+$0x0], $0xffff  }
0x32: {  	v10 =	vld.idx.msk [tilespmem:v9+s15+$0x0], $0xffff  }
0x33: {  	v8 =	vld.idx.msk [tilespmem:v13+s15+$0x0], $0xffff  }
0x34: {  	v9 =	vld.idx.msk [tilespmem:v14+s15+$0x0], $0xffff  }
0x35: {  	v13 =	vld.idx.msk [tilespmem:v16+s3+$0x0], $0xffff  }
0x36: {  	v15 =	vld.idx.msk [tilespmem:v16+s12+$0x0], $0xffff  }
0x37: {  	v14 =	vld.idx.msk [tilespmem:v16+s13+$0x0], $0xffff  }
0x38: {  	v19 =	vld.idx.msk [tilespmem:v16+s14+$0x0], $0xffff  }
0x39: {  	v16 =	vld.idx.msk [tilespmem:v17+s3+$0x0], $0xffff  }
0x3a: {  	v22 =	vld.idx.msk [tilespmem:v17+s12+$0x0], $0xffff  }
0x3b: {  	v20 =	vld.idx.msk [tilespmem:v17+s13+$0x0], $0xffff  }
0x3c: {  	v24 =	vld.idx.msk [tilespmem:v17+s14+$0x0], $0xffff  }
0x3d: {  	v23 =	vld.idx.msk [tilespmem:v21+s3+$0x0], $0xffff  }
0x3e: {  	v17 =	vld.idx.msk [tilespmem:v21+s12+$0x0], $0xffff  }
0x3f: {  	v18 =	vld.idx.msk [tilespmem:v21+s13+$0x0], $0xffff  }
0x40: {  	v21 =	vld.idx.msk [tilespmem:v21+s14+$0x0], $0xffff  }
0x41: {  	v26 =	vld.idx.msk [tilespmem:v12+s3+$0x0], $0xffff  }
0x42: {  	s26 =	simm.s32 $0x1;
	v25 =	vld.idx.msk [tilespmem:v12+s12+$0x0], $0xffff  }
.LBB2_3:
0x43: {  	s28 =	sadd.s32 s26, s23;
	p0 =	sne.s32 s26, $0x63;
	v27 =	vld.idx.msk [tilespmem:v12+s13+$0x0], $0xffff;
	v28 =	vadd.f32 v13, v11;
	v29 =	vadd.f32 v15, v10  }
0x44: {  	v30 =	vadd.f32 v14, v8;
	v31 =	vadd.f32 v19, v9;
	s25 =	sadd.s32 $0x40, s25;
	v13 =	vmov s28;
	v15 =	vld.idx.msk [tilespmem:v12+s14+$0x0], $0xffff  }
0x45: {  	v16 =	vadd.f32 v16, v11;
	v22 =	vadd.f32 v22, v10;
	v14 =	vadd.s32 $0x1388, v13;
	v19 =	vld [tilespmem:s25+$0x10]  }
0x46: {  	v34 =	vadd.f32 v20, v8;
	v35 =	vadd.f32 v24, v9;
	v32 =	vadd.s32 $0x2710, v13;
	v33 =	vld [tilespmem:s25+$0x0]  }
0x47: {  	v23 =	vadd.f32 v23, v11;
	v20 =	vadd.s32 $0x3A98, v13;
	v24 =	vadd.f32 v26, v11;
	v36 =	vld [tilespmem:s25+$0xFFFFFFF0]  }
0x48: {  	v17 =	vadd.f32 v17, v10;
	v25 =	vadd.f32 v25, v10;
	v12 =	vld [tilespmem:s25+$0xFFFFFFE0]  }
0x49: {  	v18 =	vadd.f32 v18, v8;
	v21 =	vadd.f32 v21, v9;
	v11 =	vld.idx.msk [tilespmem:v13+s15+$0x0], $0xffff;
	v13 =	vmul.f32 v24, v24  }
0x4a: {  	v26 =	vadd.f32 v27, v8;
	v27 =	vadd.f32 v15, v9;
	v10 =	vld.idx.msk [tilespmem:v14+s15+$0x0], $0xffff;
	v14 =	vmul.f32 v25, v25  }
0x4b: {  	v7 =	vadd.f32 v24, v7;
	v15 =	vmul.f32 v23, v23;
	v8 =	vld.idx.msk [tilespmem:v32+s15+$0x0], $0xffff;
	v5 =	vadd.f32 v13, v5  }
0x4c: {  	v6 =	vadd.f32 v25, v6;
	v9 =	vld.idx.msk [tilespmem:v20+s15+$0x0], $0xffff;
	v4 =	vadd.f32 v14, v4;
	v14 =	vmul.f32 v17, v17  }
0x4d: {  	v7 =	vadd.f32 v23, v7;
	v20 =	vmul.f32 v16, v16;
	v13 =	vld.idx.msk [tilespmem:v19+s3+$0x0], $0xffff;
	v5 =	vadd.f32 v15, v5  }
0x4e: {  	v6 =	vadd.f32 v17, v6;
	v17 =	vmul.f32 v22, v22;
	v15 =	vld.idx.msk [tilespmem:v19+s12+$0x0], $0xffff;
	v4 =	vadd.f32 v14, v4  }
0x4f: {  	v7 =	vadd.f32 v16, v7;
	v14 =	vld.idx.msk [tilespmem:v19+s13+$0x0], $0xffff;
	v5 =	vadd.f32 v20, v5;
	v20 =	vmul.f32 v28, v28  }
0x50: {  	v6 =	vadd.f32 v22, v6;
	v19 =	vld.idx.msk [tilespmem:v19+s14+$0x0], $0xffff;
	v4 =	vadd.f32 v17, v4;
	v17 =	vmul.f32 v29, v29  }
0x51: {  	v23 =	vmul.f32 v26, v26;
	v7 =	vadd.f32 v28, v7;
	v16 =	vld.idx.msk [tilespmem:v33+s3+$0x0], $0xffff;
	v5 =	vadd.f32 v20, v5  }
0x52: {  	v25 =	vmul.f32 v27, v27;
	v6 =	vadd.f32 v29, v6;
	v22 =	vld.idx.msk [tilespmem:v33+s12+$0x0], $0xffff;
	v4 =	vadd.f32 v17, v4  }
0x53: {  	v3 =	vadd.f32 v26, v3;
	v1 =	vadd.f32 v23, v1;
	v17 =	vmul.f32 v18, v18;
	v20 =	vld.idx.msk [tilespmem:v33+s13+$0x0], $0xffff  }
0x54: {  	v2 =	vadd.f32 v27, v2;
	v0 =	vadd.f32 v25, v0;
	v25 =	vmul.f32 v21, v21;
	v24 =	vld.idx.msk [tilespmem:v33+s14+$0x0], $0xffff  }
0x55: {  	v26 =	vmul.f32 v34, v34;
	v3 =	vadd.f32 v18, v3;
	v1 =	vadd.f32 v17, v1;
	v23 =	vld.idx.msk [tilespmem:v36+s3+$0x0], $0xffff  }
.Ltmp0:
0x56: {  	v2 =	vadd.f32 v21, v2;
	v0 =	vadd.f32 v25, v0;
	v25 =	vmul.f32 v35, v35;
	v17 =	vld.idx.msk [tilespmem:v36+s12+$0x0], $0xffff;
	(pc) =	sbr.rel @p0 .LBB2_3-.Ltmp0, $4  }
0x57: {  	v27 =	vmul.f32 v30, v30;
	v3 =	vadd.f32 v34, v3;
	v1 =	vadd.f32 v26, v1;
	v18 =	vld.idx.msk [tilespmem:v36+s13+$0x0], $0xffff  }
0x58: {  	v2 =	vadd.f32 v35, v2;
	v28 =	vmul.f32 v31, v31;
	v0 =	vadd.f32 v25, v0;
	v21 =	vld.idx.msk [tilespmem:v36+s14+$0x0], $0xffff  }
0x59: {  	v3 =	vadd.f32 v30, v3;
	v1 =	vadd.f32 v27, v1;
	v26 =	vld.idx.msk [tilespmem:v12+s3+$0x0], $0xffff  }
0x5a: {  	s26 =	sadd.s32 $0x1, s26;
	v2 =	vadd.f32 v31, v2;
	v0 =	vadd.f32 v28, v0;
	v25 =	vld.idx.msk [tilespmem:v12+s12+$0x0], $0xffff  }
0x5b: {  	p0 =	seq.s32 s24, $0x18  }
0x5c: {  	s25 =	smul.u32 @!p0 $0x3200, s24;
	_ =	sdelay $0x1  }
0x5d: {  	s25 =	sshrl.u32 @!p0 s25, $0x3  }
0x5e: {  	s25 =	sadd.s32 @!p0 s2, s25  }
0x5f: {  	v27 =	vld.idx.msk [tilespmem:v12+s13+$0x0], $0xffff;
	s26 =	simm.s32 @!p0 $0x0;
	s28 =	simm.s32 @!p0 $0x9E80;
	s25 =	sadd.s32 @!p0 $0x640, s25  }
0x60: {  	v12 =	vld.idx.msk [tilespmem:v12+s14+$0x0], $0xffff;
	[tilespmem:s28], [sflag:$0x1] =	stream.linear.gather @!p0 [hbm4b:s25+s26], $0x1900, $0x38  }
0x61: {  	v28 =	vadd.f32 v13, v11;
	v29 =	vadd.f32 v15, v10;
	_ =	swait.ge [sflag:s19], $0x1900  }
0x62: {  	s31 =	sadd.s32 $0x0, s22;
	v30 =	vadd.f32 v14, v8;
	v31 =	vadd.f32 v19, v9;
	[sflag:s19] =	ssyncset.done $0x0  }
0x63: {  	v15 =	vadd.f32 v16, v11;
	v16 =	vadd.f32 v22, v10;
	v13 =	vmov s31;
	s25 =	simm.s32 $0xB7A0;
	[sflag:s19] =	ssyncadd.s32 $0xFFFFE700  }
0x64: {  	v32 =	vadd.f32 v20, v8;
	v24 =	vadd.f32 v24, v9;
	v14 =	vadd.s32 $0x1388, v13;
	v19 =	vld [tilespmem:s25+$0x10]  }
0x65: {  	v17 =	vadd.f32 v17, v10;
	v34 =	vadd.f32 v18, v8;
	v20 =	vadd.s32 $0x2710, v13;
	v22 =	vld [tilespmem:s25+$0x0]  }
0x66: {  	v26 =	vadd.f32 v26, v11;
	v11 =	vadd.f32 v23, v11;
	v23 =	vadd.s32 $0x3A98, v13;
	v33 =	vld [tilespmem:s25+$0xFFFFFFF0]  }
0x67: {  	v35 =	vadd.f32 v21, v9;
	v25 =	vadd.f32 v25, v10;
	v10 =	vld [tilespmem:s25+$0xFFFFFFE0]  }
0x68: {  	v27 =	vadd.f32 v27, v8;
	v18 =	vmul.f32 v26, v26;
	v7 =	vadd.f32 v26, v7;
	v8 =	vld.idx.msk [tilespmem:v13+s15+$0x0], $0xffff  }
0x69: {  	v21 =	vadd.f32 v12, v9;
	v12 =	vmul.f32 v25, v25;
	v6 =	vadd.f32 v25, v6;
	v9 =	vld.idx.msk [tilespmem:v14+s15+$0x0], $0xffff  }
0x6a: {  	v7 =	vadd.f32 v11, v7;
	v13 =	vadd.f32 v18, v5;
	v14 =	vmul.f32 v11, v11;
	v5 =	vld.idx.msk [tilespmem:v20+s15+$0x0], $0xffff  }
0x6b: {  	v3 =	vadd.f32 v27, v3;
	v12 =	vadd.f32 v12, v4;
	v18 =	vmul.f32 v17, v17;
	v4 =	vld.idx.msk [tilespmem:v23+s15+$0x0], $0xffff  }
0x6c: {  	v6 =	vadd.f32 v17, v6;
	v20 =	vmul.f32 v15, v15;
	v11 =	vadd.f32 v14, v13;
	v13 =	vld.idx.msk [tilespmem:v19+s3+$0x0], $0xffff  }
0x6d: {  	v7 =	vadd.f32 v15, v7;
	v17 =	vmul.f32 v16, v16;
	v12 =	vadd.f32 v18, v12;
	v14 =	vld.idx.msk [tilespmem:v19+s12+$0x0], $0xffff  }
0x6e: {  	v18 =	vmul.f32 v28, v28;
	v11 =	vadd.f32 v20, v11;
	v20 =	vadd.f32 v16, v6;
	v15 =	vld.idx.msk [tilespmem:v19+s13+$0x0], $0xffff  }
0x6f: {  	v12 =	vadd.f32 v17, v12;
	v6 =	vadd.f32 v28, v7;
	v16 =	vld.idx.msk [tilespmem:v19+s14+$0x0], $0xffff  }
0x70: {  	v7 =	vadd.f32 v18, v11;
	v11 =	vadd.f32 v29, v20;
	v20 =	vmul.f32 v21, v21;
	v17 =	vld.idx.msk [tilespmem:v22+s3+$0x0], $0xffff  }
0x71: {  	v2 =	vadd.f32 v21, v2;
	v23 =	vmul.f32 v29, v29;
	v19 =	vmul.f32 v27, v27;
	v18 =	vld.idx.msk [tilespmem:v22+s12+$0x0], $0xffff  }
0x72: {  	v25 =	vmul.f32 v35, v35;
	v3 =	vadd.f32 v34, v3;
	v0 =	vadd.f32 v20, v0;
	v20 =	vld.idx.msk [tilespmem:v22+s14+$0x0], $0xffff  }
0x73: {  	v12 =	vadd.f32 v23, v12;
	v23 =	vmul.f32 v34, v34;
	v21 =	vld.idx.msk [tilespmem:v33+s3+$0x0], $0xffff;
	v1 =	vadd.f32 v19, v1  }
0x74: {  	v2 =	vadd.f32 v35, v2;
	v19 =	vld.idx.msk [tilespmem:v22+s13+$0x0], $0xffff;
	v0 =	vadd.f32 v25, v0  }
0x75: {  	v25 =	vmul.f32 v24, v24;
	v22 =	vld.idx.msk [tilespmem:v33+s12+$0x0], $0xffff;
	v1 =	vadd.f32 v23, v1;
	v23 =	vmul.f32 v32, v32  }
0x76: {  	v63 =	vmul.f32 v31, v31;
	v3 =	vadd.f32 v32, v3;
	v2 =	vadd.f32 v24, v2;
	v24 =	vld.idx.msk [tilespmem:v33+s14+$0x0], $0xffff  }
0x77: {  	v26 =	vmul.f32 v30, v30;
	v27 =	vadd.f32 v25, v0;
	v25 =	vld.idx.msk [tilespmem:v10+s3+$0x0], $0xffff;
	v1 =	vadd.f32 v23, v1  }
0x78: {  	v2 =	vadd.f32 v31, v2;
	v0 =	vadd.f32 v30, v3;
	v23 =	vld.idx.msk [tilespmem:v33+s13+$0x0], $0xffff  }
0x79: {  	s26 =	simm.s32 $0x1;
	v3 =	vadd.f32 v63, v27;
	v1 =	vadd.f32 v26, v1;
	v26 =	vld.idx.msk [tilespmem:v10+s12+$0x0], $0xffff  }
.LBB2_5:
0x7a: {  	s28 =	sadd.s32 s26, s22;
	p0 =	sne.s32 s26, $0x63;
	v27 =	vld.idx.msk [tilespmem:v10+s13+$0x0], $0xffff;
	v28 =	vadd.f32 v13, v8;
	v29 =	vadd.f32 v14, v9  }
0x7b: {  	v30 =	vadd.f32 v15, v5;
	v31 =	vadd.f32 v16, v4;
	s25 =	sadd.s32 $0x40, s25;
	v13 =	vmov s28;
	v14 =	vld.idx.msk [tilespmem:v10+s14+$0x0], $0xffff  }
0x7c: {  	v17 =	vadd.f32 v17, v8;
	v18 =	vadd.f32 v18, v9;
	v15 =	vadd.s32 $0x1388, v13;
	v16 =	vld [tilespmem:s25+$0x10]  }
0x7d: {  	v34 =	vadd.f32 v19, v5;
	v35 =	vadd.f32 v20, v4;
	v32 =	vadd.s32 $0x2710, v13;
	v33 =	vld [tilespmem:s25+$0x0]  }
0x7e: {  	v21 =	vadd.f32 v21, v8;
	v19 =	vadd.s32 $0x3A98, v13;
	v20 =	vadd.f32 v25, v8;
	v36 =	vld [tilespmem:s25+$0xFFFFFFF0]  }
0x7f: {  	v22 =	vadd.f32 v22, v9;
	v25 =	vadd.f32 v26, v9;
	v10 =	vld [tilespmem:s25+$0xFFFFFFE0]  }
0x80: {  	v23 =	vadd.f32 v23, v5;
	v24 =	vadd.f32 v24, v4;
	v8 =	vld.idx.msk [tilespmem:v13+s15+$0x0], $0xffff;
	v13 =	vmul.f32 v20, v20  }
0x81: {  	v26 =	vadd.f32 v27, v5;
	v27 =	vadd.f32 v14, v4;
	v9 =	vld.idx.msk [tilespmem:v15+s15+$0x0], $0xffff;
	v15 =	vmul.f32 v25, v25  }
0x82: {  	v6 =	vadd.f32 v20, v6;
	v14 =	vmul.f32 v21, v21;
	v5 =	vld.idx.msk [tilespmem:v32+s15+$0x0], $0xffff;
	v7 =	vadd.f32 v13, v7  }
0x83: {  	v11 =	vadd.f32 v25, v11;
	v4 =	vld.idx.msk [tilespmem:v19+s15+$0x0], $0xffff;
	v12 =	vadd.f32 v15, v12;
	v15 =	vmul.f32 v22, v22  }
0x84: {  	v6 =	vadd.f32 v21, v6;
	v19 =	vmul.f32 v17, v17;
	v13 =	vld.idx.msk [tilespmem:v16+s3+$0x0], $0xffff;
	v7 =	vadd.f32 v14, v7  }
0x85: {  	v20 =	vmul.f32 v18, v18;
	v11 =	vadd.f32 v22, v11;
	v14 =	vld.idx.msk [tilespmem:v16+s12+$0x0], $0xffff;
	v12 =	vadd.f32 v15, v12  }
0x86: {  	v6 =	vadd.f32 v17, v6;
	v15 =	vld.idx.msk [tilespmem:v16+s13+$0x0], $0xffff;
	v7 =	vadd.f32 v19, v7;
	v19 =	vmul.f32 v28, v28  }
0x87: {  	v11 =	vadd.f32 v18, v11;
	v16 =	vld.idx.msk [tilespmem:v16+s14+$0x0], $0xffff;
	v12 =	vadd.f32 v20, v12;
	v20 =	vmul.f32 v29, v29  }
0x88: {  	v21 =	vmul.f32 v26, v26;
	v6 =	vadd.f32 v28, v6;
	v17 =	vld.idx.msk [tilespmem:v33+s3+$0x0], $0xffff;
	v7 =	vadd.f32 v19, v7  }
0x89: {  	v22 =	vmul.f32 v27, v27;
	v11 =	vadd.f32 v29, v11;
	v18 =	vld.idx.msk [tilespmem:v33+s12+$0x0], $0xffff;
	v12 =	vadd.f32 v20, v12  }
0x8a: {  	v0 =	vadd.f32 v26, v0;
	v25 =	vmul.f32 v23, v23;
	v1 =	vadd.f32 v21, v1;
	v19 =	vld.idx.msk [tilespmem:v33+s13+$0x0], $0xffff  }
0x8b: {  	v26 =	vmul.f32 v24, v24;
	v2 =	vadd.f32 v27, v2;
	v3 =	vadd.f32 v22, v3;
	v20 =	vld.idx.msk [tilespmem:v33+s14+$0x0], $0xffff  }
0x8c: {  	v0 =	vadd.f32 v23, v0;
	v1 =	vadd.f32 v25, v1;
	v25 =	vmul.f32 v34, v34;
	v21 =	vld.idx.msk [tilespmem:v36+s3+$0x0], $0xffff  }
.Ltmp1:
0x8d: {  	v2 =	vadd.f32 v24, v2;
	v3 =	vadd.f32 v26, v3;
	v26 =	vmul.f32 v35, v35;
	v22 =	vld.idx.msk [tilespmem:v36+s12+$0x0], $0xffff;
	(pc) =	sbr.rel @p0 .LBB2_5-.Ltmp1, $4  }
0x8e: {  	v27 =	vmul.f32 v30, v30;
	v0 =	vadd.f32 v34, v0;
	v1 =	vadd.f32 v25, v1;
	v23 =	vld.idx.msk [tilespmem:v36+s13+$0x0], $0xffff  }
0x8f: {  	v2 =	vadd.f32 v35, v2;
	v28 =	vmul.f32 v31, v31;
	v3 =	vadd.f32 v26, v3;
	v24 =	vld.idx.msk [tilespmem:v36+s14+$0x0], $0xffff  }
0x90: {  	v0 =	vadd.f32 v30, v0;
	v1 =	vadd.f32 v27, v1;
	v25 =	vld.idx.msk [tilespmem:v10+s3+$0x0], $0xffff  }
0x91: {  	s26 =	sadd.s32 $0x1, s26;
	v2 =	vadd.f32 v31, v2;
	v3 =	vadd.f32 v28, v3;
	v26 =	vld.idx.msk [tilespmem:v10+s12+$0x0], $0xffff  }
0x92: {  	_ =	sdelay $0x1  }
0x93: {  	v13 =	vadd.f32 v13, v8;
	v14 =	vadd.f32 v14, v9  }
0x94: {  	v15 =	vadd.f32 v15, v5;
	v16 =	vadd.f32 v16, v4  }
0x95: {  	v50 =	vld.idx.msk [tilespmem:v10+s14+$0x0], $0xffff;
	v17 =	vadd.f32 v17, v8;
	v18 =	vadd.f32 v18, v9  }
0x96: {  	v27 =	vld.idx.msk [tilespmem:v10+s13+$0x0], $0xffff;
	v19 =	vadd.f32 v19, v5;
	v20 =	vadd.f32 v20, v4  }
0x97: {  	v52 =	vadd.f32 v22, v9;
	v25 =	vadd.f32 v25, v8  }
0x98: {  	v23 =	vadd.f32 v23, v5;
	v24 =	vadd.f32 v24, v4  }
0x99: {  	v8 =	vadd.f32 v21, v8;
	v51 =	vadd.f32 v26, v9;
	v53 =	vmul.f32 v25, v25  }
0x9a: {  	v55 =	vmul.f32 v52, v52;
	v10 =	vadd.f32 v50, v4;
	v4 =	vadd.f32 v25, v6  }
0x9b: {  	v27 =	vadd.f32 v27, v5;
	v6 =	vmul.f32 v8, v8;
	v5 =	vadd.f32 v53, v7  }
0x9c: {  	v26 =	vmul.f32 v51, v51;
	v7 =	vadd.f32 v51, v11;
	v4 =	vadd.f32 v8, v4  }
0x9d: {  	v56 =	vmul.f32 v18, v18;
	v0 =	vadd.f32 v27, v0;
	v2 =	vadd.f32 v10, v2  }
0x9e: {  	v59 =	vmul.f32 v27, v27;
	v54 =	vadd.f32 v26, v12;
	v5 =	vadd.f32 v6, v5  }
0x9f: {  	v60 =	vmul.f32 v10, v10;
	v7 =	vadd.f32 v52, v7;
	v4 =	vadd.f32 v17, v4  }
0xa0: {  	v58 =	vmul.f32 v14, v14;
	v1 =	vadd.f32 v59, v1;
	v8 =	vadd.f32 v55, v54  }
0xa1: {  	v6 =	vmul.f32 v17, v17;
	v3 =	vadd.f32 v60, v3;
	v0 =	vadd.f32 v23, v0  }
0xa2: {  	v62 =	vmul.f32 v20, v20;
	v2 =	vadd.f32 v24, v2;
	v8 =	vadd.f32 v56, v8  }
0xa3: {  	v61 =	vmul.f32 v24, v24;
	v5 =	vadd.f32 v6, v5;
	v57 =	vadd.f32 v18, v7  }
0xa4: {  	s24 =	sadd.s32 $0x1, s24;
	v7 =	vadd.f32 v13, v4;
	v4 =	vadd.f32 v58, v8;
	v8 =	vmul.f32 v23, v23  }
0xa5: {  	p0 =	sne.s32 s24, $0x19;
	v6 =	vmul.f32 v13, v13;
	v3 =	vadd.f32 v61, v3;
	v0 =	vadd.f32 v19, v0  }
.Ltmp2:
0xa6: {  	v2 =	vadd.f32 v20, v2;
	v1 =	vadd.f32 v8, v1;
	v8 =	vmul.f32 v19, v19;
	(pc) =	sbr.rel @p0 .LBB2_2-.Ltmp2, $4  }
0xa7: {  	v63 =	vmul.f32 v16, v16;
	v5 =	vadd.f32 v6, v5;
	v6 =	vadd.f32 v14, v57  }
0xa8: {  	v9 =	vadd.f32 v62, v3;
	v1 =	vadd.f32 v8, v1;
	v8 =	vmul.f32 v15, v15  }
0xa9: {  	v3 =	vadd.f32 v15, v0;
	v2 =	vadd.f32 v16, v2  }
0xaa: {  	s23 =	sadd.s32 $0xC8, s23;
	s22 =	sadd.s32 $0xC8, s22;
	v0 =	vadd.f32 v63, v9;
	v1 =	vadd.f32 v8, v1  }
0xab: {  	[tilespmem:$0xD080] =	vst v7  }
0xac: {  	[tilespmem:$0xD0C0] =	vst v5  }
0xad: {  	[tilespmem:$0xD090] =	vst v6  }
0xae: {  	[tilespmem:$0xD0D0] =	vst v4  }
0xaf: {  	[tilespmem:$0xD0A0] =	vst v3  }
0xb0: {  	[tilespmem:$0xD0B0] =	vst v2;
	s21 =	sadd.s32 $0x1, s21  }
0xb1: {  	[tilespmem:$0xD0E0] =	vst v1;
	p0 =	sne.s32 s21, s10  }
.Ltmp3:
0xb2: {  	[tilespmem:$0xD0F0] =	vst v0;
	(pc) =	sbr.rel @p0 .LBB2_1-.Ltmp3, $4  }
0xb3: {  	[hbm4b:s9+s3] =	stream.linear.scatter [tilespmem:s20], [sflag:$0x3], $0x80, $0x38;
	[tilespmem:$0xD100] =	vst v63  }
0xb4: {  	_ =	swait.ge [sflag:s11], $0x80  }
0xb5: {  	[sflag:s11] =	ssyncset.done $0x0  }
0xb6: {  	[sflag:s11] =	ssyncadd.s32 $0xFFFFFF80  }
0xb7: {  	_ =	sfence.sel $0x180000  }
0xb8: {  	[bflag:$0x0] =	sbarrier.arrive $0xFFFF  }
0xb9: {  	p0 =	sne.s32 s1, $0x0;
	_ =	strace $0x90000047  }
0xba: {  	s0 =	sadd.s32 @!p0 $0x100000, s0;
	[bflag:$0x2] =	sbarrier.arrive $0xFFFF  }
0xbb: {  	[sflag:s0] =	ssyncadd.tile.s32 @!p0 $0x1;
	_ =	shalt  }
.Lfunc_end2:
_tile_overlayer_lowered:
.L_overlay_start_2:
0xbc: {  	(tag) =	ssettag $0x2  }
0xbd: {  	s0 =	rddreg [dreg:$0x0];
	s2 =	stileid.u32  }
0xbe: {  	s1 =	rddreg [dreg:$0x1];
	p0 =	sne.s32 s2, $0x0  }
0xbf: {  	s3 =	rddreg [dreg:$0x2];
	[bflag:$0x3] =	sbarrier.arrive $0xFFFF;
	s2 =	simm.s32 @!p0 $0x1C03  }
0xc0: {  	[timem:s3], [sflag:s2] =	dma.local @!p0 [hbm:s0], s1  }
0xc1: {  	s0 =	simm.s32 @!p0 $0x3  }
0xc2: {  	_ =	swait.ge @!p0 [sflag:s0], s1  }
0xc3: {  	s1 =	ssub.s32 @!p0 $0x0, s1;
	[sflag:s0] =	ssyncset.done @!p0 $0x0  }
0xc4: {  	[sflag:s0] =	ssyncadd.s32 @!p0 s1  }
0xc5: {  	[bflag:$0x3] =	sbarrier.arrive $0xFFFF  }
0xc6: {  	_ =	shalt  }

</sc_bundles>
